<compile_context>
chip_gen: v7x
topology: tpu7x:2x2x1
jax: 0.10.2.dev20260603
libtpu: 0.0.44.dev20260713+nightly
codegen_flags: <defaults>
</compile_context>

<pallas_src>
import functools

import jax
import jax.numpy as jnp
from jax import lax
from jax.experimental import pallas as pl
from jax.experimental.pallas import tpu as pltpu
from jax.experimental.pallas import tpu_sc as plsc

NW = 32
LANES = 16
NCH = 196
ECH = 384
ECH2 = 1024
TLE = 4096


def _cdiv(a, b):
    return (a + b - 1) // b


def _rup(a, b):
    return _cdiv(a, b) * b


def _wid():
    return lax.axis_index("s") * 2 + lax.axis_index("c")


def _sr(ref, i):
    return ref[pl.ds(i, LANES)][0]


def _mesh():
    return plsc.VectorSubcoreMesh(core_axis_name="c", subcore_axis_name="s")


_SC_PARAMS = pltpu.CompilerParams(needs_layout_passes=False,
                                 use_tc_tiling_on_sc=False)


def _gather_phase(y16, x16, nbrp, rsp, N, E, EP):
    EPW = EP // NW
    nchunk = EPW // ECH2
    RSP = _rup(N + 1, LANES)
    bits = []
    b = 1
    while b <= N:
        b *= 2
    while b >= 1:
        bits.append(b)
        b //= 2

    @functools.partial(
        pl.kernel,
        out_type=(jax.ShapeDtypeStruct((EP, 16), jnp.float32),
                  jax.ShapeDtypeStruct((EP, 16), jnp.float32)),
        mesh=_mesh(),
        compiler_params=_SC_PARAMS,
        scratch_types=[
            pltpu.VMEM((RSP,), jnp.int32),
            pltpu.VMEM((2, ECH2), jnp.int32),
            pltpu.VMEM((2, ECH2), jnp.int32),
            pltpu.VMEM((2, ECH2, 16), jnp.float32),
            pltpu.VMEM((2, ECH2, 16), jnp.float32),
            pltpu.SemaphoreType.DMA((2,)),
            pltpu.SemaphoreType.DMA((2,)),
            pltpu.SemaphoreType.DMA((2,)),
            pltpu.SemaphoreType.DMA((2,)),
        ],
    )
    def k(y_hbm, x_hbm, nbr_hbm, rs_hbm, aggy_hbm, aggx_hbm,
          rsv, idxv, segv, rowsy, rowsx, semy, semx, semoy, semox):
        w = _wid()
        base0 = w * EPW
        pltpu.sync_copy(rs_hbm.at[pl.ds(0, RSP)], rsv)
        iot = jnp.arange(LANES, dtype=jnp.int32)

        def idx_stage(t, sl):
            pltpu.sync_copy(nbr_hbm.at[pl.ds(base0 + t * ECH2, ECH2)],
                            idxv.at[sl])

        def y_copy(t, sl):
            return pltpu.make_async_copy(
                y_hbm.at[idxv.at[sl]], rowsy.at[sl], semy.at[sl])

        def x_copy(t, sl):
            return pltpu.make_async_copy(
                x_hbm.at[segv.at[sl]], rowsx.at[sl], semx.at[sl])

        def oy_copy(t, sl):
            return pltpu.make_async_copy(
                rowsy.at[sl], aggy_hbm.at[pl.ds(base0 + t * ECH2, ECH2)],
                semoy.at[sl])

        def ox_copy(t, sl):
            return pltpu.make_async_copy(
                rowsx.at[sl], aggx_hbm.at[pl.ds(base0 + t * ECH2, ECH2)],
                semox.at[sl])

        def seg_compute(t, sl):
            base = base0 + t * ECH2

            def gseg(g, _):
                e0_ = jnp.minimum(base + 2 * g * LANES + iot, E - 1)
                e1_ = jnp.minimum(base + (2 * g + 1) * LANES + iot, E - 1)
                p0 = jnp.zeros((LANES,), jnp.int32)
                p1 = jnp.zeros((LANES,), jnp.int32)
                for bb in bits:
                    c0 = p0 + bb
                    c1 = p1 + bb
                    r0 = plsc.load_gather(rsv, [jnp.minimum(c0, N)])
                    r1 = plsc.load_gather(rsv, [jnp.minimum(c1, N)])
                    p0 = jnp.where((c0 <= N) & (r0 <= e0_), c0, p0)
                    p1 = jnp.where((c1 <= N) & (r1 <= e1_), c1, p1)
                segv[sl, pl.ds(2 * g * LANES, LANES)] = p0
                segv[sl, pl.ds((2 * g + 1) * LANES, LANES)] = p1
                return 0

            lax.fori_loop(0, ECH2 // LANES // 2, gseg, 0)

        idx_stage(0, 0)
        y_copy(0, 0).start()

        @pl.loop(0, nchunk)
        def _(t):
            c = t % 2
            d = 1 - c
            seg_compute(t, c)
            y_copy(t, c).wait()

            @pl.when(t >= 2)
            def _():
                ox_copy(t, c).wait()

            x_copy(t, c).start()

            @pl.when(t + 1 < nchunk)
            def _():
                @pl.when(t >= 1)
                def _():
                    oy_copy(t, d).wait()

                idx_stage(t + 1, d)
                y_copy(t + 1, d).start()

            oy_copy(t, c).start()
            x_copy(t, c).wait()
            ox_copy(t, c).start()

        oy_copy(nchunk - 2, nchunk % 2).wait()
        oy_copy(nchunk - 1, (nchunk - 1) % 2).wait()
        ox_copy(nchunk - 2, nchunk % 2).wait()
        ox_copy(nchunk - 1, (nchunk - 1) % 2).wait()

    return k(y16, x16, nbrp, rsp)


def _tc_mlp(a8y, a8x, w1aB, w1bB, b1B, w2B, b2B, EP):
    grid = EP // TLE
    R8 = TLE // 8

    def body(ya_ref, xa_ref, w1a_ref, w1b_ref, b1_ref, w2_ref, b2_ref, o_ref):
        hp = lax.dot_general(
            ya_ref[...], w1a_ref[...], (((1,), (0,)), ((), ())),
            preferred_element_type=jnp.float32)
        hp = hp + lax.dot_general(
            xa_ref[...], w1b_ref[...], (((1,), (0,)), ((), ())),
            preferred_element_type=jnp.float32)
        h8 = jax.nn.gelu(hp + b1_ref[...])
        h2 = h8.reshape(TLE // 2, 128)
        o_ref[...] = lax.dot_general(
            h2, w2_ref[...], (((1,), (0,)), ((), ())),
            preferred_element_type=jnp.float32) + b2_ref[...]

    return pl.pallas_call(
        body,
        grid=(grid,),
        in_specs=[
            pl.BlockSpec((R8, 128), lambda i: (i, 0)),
            pl.BlockSpec((R8, 128), lambda i: (i, 0)),
            pl.BlockSpec((128, 512), lambda i: (0, 0)),
            pl.BlockSpec((128, 512), lambda i: (0, 0)),
            pl.BlockSpec((1, 512), lambda i: (0, 0)),
            pl.BlockSpec((128, 128), lambda i: (0, 0)),
            pl.BlockSpec((1, 128), lambda i: (0, 0)),
        ],
        out_specs=pl.BlockSpec((TLE // 2, 128), lambda i: (i, 0)),
        out_shape=jax.ShapeDtypeStruct((EP // 2, 128), jnp.float32),
    )(a8y, a8x, w1aB, w1bB, b1B, w2B, b2B)


def _reduce(k1d, fy, nbrp, rsp, N, EP, NPW, NWPAD):
    NCC = NPW // NCH
    RSW = NCH + 48

    @functools.partial(
        pl.kernel,
        out_type=jax.ShapeDtypeStruct((NWPAD * 64,), jnp.float32),
        mesh=_mesh(),
        compiler_params=_SC_PARAMS,
        scratch_types=[
            pltpu.VMEM((RSW,), jnp.int32),
            pltpu.VMEM((2, ECH * 64), jnp.float32),
            pltpu.VMEM((2, ECH + 16), jnp.int32),
            pltpu.VMEM((2, ECH + 16, 64), jnp.float32),
            pltpu.VMEM((NCH * 64,), jnp.float32),
            pltpu.SemaphoreType.DMA((2,)),
            pltpu.SemaphoreType.DMA((2,)),
        ],
    )
    def k(k_hbm, fy_hbm, nbr_hbm, rs_hbm, out_hbm,
          rsv, kbuf, idxv, fybuf, obuf, semf, semk):
        w = _wid()
        n0 = w * NPW
        z16 = jnp.zeros((LANES,), jnp.float32)

        @pl.loop(0, NCC)
        def _(ncc):
            cs = n0 + ncc * NCH
            bs = (cs // 16) * 16
            h0 = cs - bs
            pltpu.sync_copy(rs_hbm.at[pl.ds(bs, RSW)], rsv)
            e0 = _sr(rsv, h0)
            e1c = _sr(rsv, h0 + NCH)
            nchunks = lax.max((e1c - e0 + ECH - 1) // ECH, 1)

            def fy_copy(base, sl):
                return pltpu.make_async_copy(
                    fy_hbm.at[idxv.at[sl]], fybuf.at[sl], semf.at[sl])

            def k_copy(base, sl):
                return pltpu.make_async_copy(
                    k_hbm.at[pl.ds(base * 64, ECH * 64)], kbuf.at[sl],
                    semk.at[sl])

            def stage(base, sl):
                ib = (base // 16) * 16
                pltpu.sync_copy(nbr_hbm.at[pl.ds(ib, ECH + 16)], idxv.at[sl])
                fy_copy(base, sl).start()
                k_copy(base, sl).start()

            stage(e0, 0)

            def schunk(s, carry):
                c = s % 2
                base = e0 + s * ECH
                cend = jnp.minimum(base + ECH, e1c)
                ib = (base // 16) * 16

                @pl.when(s + 1 < nchunks)
                def _():
                    stage(base + ECH, 1 - c)

                fy_copy(base, c).wait()
                k_copy(base, c).wait()

                def edge_acc(elo, ehi, acc):
                    def eb(e, ac):
                        ko = (e - base) * 64
                        fr = e - ib
                        a0, a1, a2, a3 = ac
                        a0 = a0 + (kbuf[c, pl.ds(ko, 16)]
                                   * fybuf[c, fr, pl.ds(0, 16)])
                        a1 = a1 + (kbuf[c, pl.ds(ko + 16, 16)]
                                   * fybuf[c, fr, pl.ds(16, 16)])
                        a2 = a2 + (kbuf[c, pl.ds(ko + 32, 16)]
                                   * fybuf[c, fr, pl.ds(32, 16)])
                        a3 = a3 + (kbuf[c, pl.ds(ko + 48, 16)]
                                   * fybuf[c, fr, pl.ds(48, 16)])
                        return (a0, a1, a2, a3)

                    return lax.fori_loop(elo, ehi, eb, acc)

                def wcond(cc):
                    return (cc[0] < cs + NCH) & (_sr(rsv, cc[0] + 1 - bs) <= cend)

                def wbody(cc):
                    nn = cc[0]
                    a = _sr(rsv, nn - bs)
                    b = _sr(rsv, nn + 1 - bs)
                    acc = edge_acc(jnp.maximum(a, base), b, cc[1:])
                    sc = (jnp.ones((LANES,), jnp.float32)
                          / jnp.full((LANES,),
                                     jnp.maximum(b - a, 1).astype(jnp.float32)))
                    o = (nn - cs) * 64
                    obuf[pl.ds(o, 16)] = acc[0] * sc
                    obuf[pl.ds(o + 16, 16)] = acc[1] * sc
                    obuf[pl.ds(o + 32, 16)] = acc[2] * sc
                    obuf[pl.ds(o + 48, 16)] = acc[3] * sc
                    return (nn + 1, z16, z16, z16, z16)

                cc = lax.while_loop(wcond, wbody, (carry[0],) + carry[1:])
                nn = cc[0]
                a = _sr(rsv, nn - bs)
                st = jnp.maximum(a, base)
                en = jnp.maximum(cend, st)
                acc = edge_acc(st, en, cc[1:])
                return (nn,) + acc

            lax.fori_loop(0, nchunks, schunk, (cs, z16, z16, z16, z16))
            pltpu.sync_copy(obuf, out_hbm.at[pl.ds(cs * 64, NCH * 64)])

    return k(k1d, fy, nbrp, rsp)


def kernel(y, x, f_y, W1, b1, W2, b2, neighbors_index, neighbors_row_splits):
    N = y.shape[0]
    E = neighbors_index.shape[0]

    EP = _rup(E + 1024, NW * ECH2)
    assert EP % TLE == 0

    NPW = _rup(_cdiv(N, NW), NCH)
    NWPAD = NW * NPW

    nbr = neighbors_index.astype(jnp.int32)
    rs = neighbors_row_splits.astype(jnp.int32)

    y16 = jnp.pad(y.astype(jnp.float32), ((0, 0), (0, 13)))
    x16 = jnp.pad(x.astype(jnp.float32), ((0, 0), (0, 13)))
    nbrp = jnp.pad(nbr, (0, EP - E))
    rsp = jnp.pad(rs, (0, NWPAD + 512 - (N + 1)), constant_values=E)

    w1a = jnp.pad(W1[:3].astype(jnp.float32), ((0, 13), (0, 0)))
    w1b = jnp.pad(W1[3:].astype(jnp.float32), ((0, 13), (0, 0)))
    eye8 = jnp.eye(8, dtype=jnp.float32)
    eye2 = jnp.eye(2, dtype=jnp.float32)
    w1aB = jnp.kron(eye8, w1a)
    w1bB = jnp.kron(eye8, w1b)
    b1B = jnp.tile(b1.astype(jnp.float32), 8).reshape(1, 512)
    w2B = jnp.kron(eye2, W2.astype(jnp.float32))
    b2B = jnp.tile(b2.astype(jnp.float32), 2).reshape(1, 128)

    aggy, aggx = _gather_phase(y16, x16, nbrp, rsp, N, E, EP)
    a8y = aggy.reshape(EP // 8, 128)
    a8x = aggx.reshape(EP // 8, 128)
    kk = _tc_mlp(a8y, a8x, w1aB, w1bB, b1B, w2B, b2B, EP)
    out_flat = _reduce(kk.reshape(EP * 64), f_y.astype(jnp.float32),
                       nbrp, rsp, N, EP, NPW, NWPAD)
    return out_flat.reshape(NWPAD, 64)[:N]

# --- scband reference (transcript-rebuilt; emitter-appended) ---
"""Pipeline reference for scband-integral-transform-78950088835569 (READ-ONLY COPY).

The authoritative reference and input builder live on the scoring server;
editing this copy changes nothing except your own understanding.
"""

import jax, jax.numpy as jnp
import numpy as np

N = 50000
E = 800000
D = 3
C = 64
H = 64

def _mlp(a, W1, b1, W2, b2):
    h = jax.nn.gelu(a @ W1 + b1)
    return h @ W2 + b2

def setup_inputs(seed: int = 0):
    key = jax.random.key(seed)
    ks = jax.random.split(key, 10)
    y = jax.random.normal(ks[0], (N, D), dtype=jnp.float32)
    x = jax.random.normal(ks[1], (N, D), dtype=jnp.float32)
    f_y = jax.random.normal(ks[2], (N, C), dtype=jnp.float32)
    neighbors_index = jax.random.randint(ks[3], (E,), 0, N)
    inner = jnp.sort(jax.random.randint(ks[4], (N - 1,), 0, E))
    neighbors_row_splits = jnp.concatenate([jnp.array([0], dtype=inner.dtype), inner, jnp.array([E], dtype=inner.dtype)])
    W1 = jax.random.normal(ks[5], (2 * D, H), dtype=jnp.float32) / np.sqrt(2.0 * D)
    b1 = jnp.zeros((H,), dtype=jnp.float32)
    W2 = jax.random.normal(ks[6], (H, C), dtype=jnp.float32) / np.sqrt(1.0 * H)
    b2 = jnp.zeros((C,), dtype=jnp.float32)
    return {"y": y, "x": x, "f_y": f_y, "W1": W1, "b1": b1, "W2": W2, "b2": b2, "neighbors_index": neighbors_index, "neighbors_row_splits": neighbors_row_splits}

def reference(y, x, f_y, W1, b1, W2, b2, neighbors_index, neighbors_row_splits):
    # num neighbors per output point, and segment id for each edge
    num_reps = neighbors_row_splits[1:] - neighbors_row_splits[:-1]
    segment_ids = jnp.repeat(jnp.arange(N), num_reps, total_repeat_length=E)
    # gather neighbor coordinates and repeat self coordinates
    rep_features = y[neighbors_index]           # [E, D]
    self_features = x[segment_ids]              # [E, D]
    agg = jnp.concatenate([rep_features, self_features], axis=-1)  # [E, 2D]
    # kernel k(x, y) via channel MLP
    k = _mlp(agg, W1, b1, W2, b2)               # [E, C]
    # linear transform: k(x, y) * f(y)
    k = k * f_y[neighbors_index]                # [E, C]
    # mean-weighted integral: segment sum / num neighbors
    out = jax.ops.segment_sum(k, segment_ids, num_segments=N)
    out = out / jnp.maximum(num_reps, 1).astype(out.dtype)[:, None]
    return out

if __name__ == "__main__":
    import jax
    _d = setup_inputs()
    print(jax.jit(kernel)(*tuple(_d.values())))

</pallas_src>

<mosaic_0001>
#map = affine_map<(d0, d1) -> (0, 0)>
#map1 = affine_map<(d0, d1) -> (0)>
module attributes {stable_mosaic.version = 14 : i64} {
  func.func @k(%arg0: i32, %arg1: i32, %arg2: memref<50000x16xf32, #tpu.memory_space<hbm>>, %arg3: memref<50000x16xf32, #tpu.memory_space<hbm>>, %arg4: memref<819200xi32, #tpu.memory_space<hbm>>, %arg5: memref<50688xi32, #tpu.memory_space<hbm>>, %arg6: memref<819200x16xf32, #tpu.memory_space<hbm>>, %arg7: memref<819200x16xf32, #tpu.memory_space<hbm>>, %arg8: memref<50016xi32, #tpu.memory_space<vmem>>, %arg9: memref<2x1024xi32, #tpu.memory_space<vmem>>, %arg10: memref<2x1024xi32, #tpu.memory_space<vmem>>, %arg11: memref<2x1024x16xf32, #tpu.memory_space<vmem>>, %arg12: memref<2x1024x16xf32, #tpu.memory_space<vmem>>, %arg13: memref<2x!tpu.dma_semaphore, #tpu.memory_space<semaphore_mem>>, %arg14: memref<2x!tpu.dma_semaphore, #tpu.memory_space<semaphore_mem>>, %arg15: memref<2x!tpu.dma_semaphore, #tpu.memory_space<semaphore_mem>>, %arg16: memref<2x!tpu.dma_semaphore, #tpu.memory_space<semaphore_mem>>) attributes {dimension_semantics = [#tpu.dimension_semantics<core_parallel>, #tpu.dimension_semantics<subcore_parallel>], iteration_bounds = array<i64: 2, 16>, scalar_prefetch = 0 : i64, scratch_operands = 9 : i64, tpu.core_type = #tpu.core_type<sc_vector_subcore>, window_params = [{transform_indices = #map}, {transform_indices = #map}, {transform_indices = #map1}, {transform_indices = #map1}, {transform_indices = #map}, {transform_indices = #map}]} {
    %mul3A = arith.constant 2 : i32
    %mul3A_0 = arith.muli %arg1, %mul3A : i32
    %add3A = arith.addi %mul3A_0, %arg0 : i32
    %mul3A_1 = arith.constant 25600 : i32
    %mul3A_2 = arith.muli %add3A, %mul3A_1 : i32
    "tpu.region"() ({
      %run_scoped3A_94 = tpu.sem_alloc : memref<!tpu.dma_semaphore, #tpu.memory_space<semaphore_mem>>
      %dma_start3A_95 = arith.constant 0 : i32
      %dma_start3A_96 = tpu.memref_slice %arg5[%dma_start3A_95] : memref<50688xi32, #tpu.memory_space<hbm>> -> memref<50016xi32, #tpu.memory_space<hbm>>
      %dma_start3A_97 = arith.constant 0 : i32
      %dma_start3A_98 = tpu.memref_slice %arg5[%dma_start3A_97] : memref<50688xi32, #tpu.memory_space<hbm>> -> memref<50016xi32, #tpu.memory_space<hbm>>
      tpu.enqueue_dma source(%dma_start3A_98 : memref<50016xi32, #tpu.memory_space<hbm>>) target(%arg8 : memref<50016xi32, #tpu.memory_space<vmem>>) target_semaphore(%run_scoped3A_94 : memref<!tpu.dma_semaphore, #tpu.memory_space<semaphore_mem>>)
      %dma_wait3A_99 = arith.constant 0 : i32
      %dma_wait3A_100 = tpu.memref_slice %arg5[%dma_wait3A_99] : memref<50688xi32, #tpu.memory_space<hbm>> -> memref<50016xi32, #tpu.memory_space<hbm>>
      %dma_wait3A_101 = arith.constant 0 : i32
      %dma_wait3A_102 = tpu.memref_slice %arg5[%dma_wait3A_101] : memref<50688xi32, #tpu.memory_space<hbm>> -> memref<50016xi32, #tpu.memory_space<hbm>>
      tpu.wait_dma2 semaphore(%run_scoped3A_94 : memref<!tpu.dma_semaphore, #tpu.memory_space<semaphore_mem>>) src(%dma_wait3A_102 : memref<50016xi32, #tpu.memory_space<hbm>>) dst(%arg8 : memref<50016xi32, #tpu.memory_space<vmem>>)
      tpu.yield
    }) : () -> ()
    %iota3A = tpu.iota {dimensions = array<i32: 0>} : vector<16xi32>
    %add3A_3 = arith.constant 0 : i32
    %add3A_4 = arith.addi %mul3A_2, %add3A_3 : i32
    %run_scoped3A = arith.constant 0 : i32
    "tpu.region"() ({
      %run_scoped3A_94 = tpu.sem_alloc : memref<!tpu.dma_semaphore, #tpu.memory_space<semaphore_mem>>
      %dma_start3A_95 = arith.constant 0 : i32
      %dma_start3A_96 = tpu.memref_slice %arg9[%run_scoped3A, %dma_start3A_95] : memref<2x1024xi32, #tpu.memory_space<vmem>> -> memref<1x1024xi32, #tpu.memory_space<vmem>>
      %dma_start3A_97 = tpu.memref_squeeze %dma_start3A_96 : memref<1x1024xi32, #tpu.memory_space<vmem>> -> memref<1024xi32, #tpu.memory_space<vmem>>
      %dma_start3A_98 = tpu.memref_slice %arg4[%add3A_4] : memref<819200xi32, #tpu.memory_space<hbm>> -> memref<1024xi32, #tpu.memory_space<hbm>>
      %dma_start3A_99 = arith.constant 0 : i32
      %dma_start3A_100 = tpu.memref_slice %arg9[%run_scoped3A, %dma_start3A_99] : memref<2x1024xi32, #tpu.memory_space<vmem>> -> memref<1x1024xi32, #tpu.memory_space<vmem>>
      %dma_start3A_101 = tpu.memref_squeeze %dma_start3A_100 : memref<1x1024xi32, #tpu.memory_space<vmem>> -> memref<1024xi32, #tpu.memory_space<vmem>>
      %dma_start3A_102 = tpu.memref_slice %arg4[%add3A_4] : memref<819200xi32, #tpu.memory_space<hbm>> -> memref<1024xi32, #tpu.memory_space<hbm>>
      tpu.enqueue_dma source(%dma_start3A_102 : memref<1024xi32, #tpu.memory_space<hbm>>) target(%dma_start3A_101 : memref<1024xi32, #tpu.memory_space<vmem>>) target_semaphore(%run_scoped3A_94 : memref<!tpu.dma_semaphore, #tpu.memory_space<semaphore_mem>>)
      %dma_wait3A_103 = arith.constant 0 : i32
      %dma_wait3A_104 = tpu.memref_slice %arg9[%run_scoped3A, %dma_wait3A_103] : memref<2x1024xi32, #tpu.memory_space<vmem>> -> memref<1x1024xi32, #tpu.memory_space<vmem>>
      %dma_wait3A_105 = tpu.memref_squeeze %dma_wait3A_104 : memref<1x1024xi32, #tpu.memory_space<vmem>> -> memref<1024xi32, #tpu.memory_space<vmem>>
      %dma_wait3A_106 = tpu.memref_slice %arg4[%add3A_4] : memref<819200xi32, #tpu.memory_space<hbm>> -> memref<1024xi32, #tpu.memory_space<hbm>>
      %dma_wait3A_107 = arith.constant 0 : i32
      %dma_wait3A_108 = tpu.memref_slice %arg9[%run_scoped3A, %dma_wait3A_107] : memref<2x1024xi32, #tpu.memory_space<vmem>> -> memref<1x1024xi32, #tpu.memory_space<vmem>>
      %dma_wait3A_109 = tpu.memref_squeeze %dma_wait3A_108 : memref<1x1024xi32, #tpu.memory_space<vmem>> -> memref<1024xi32, #tpu.memory_space<vmem>>
      %dma_wait3A_110 = tpu.memref_slice %arg4[%add3A_4] : memref<819200xi32, #tpu.memory_space<hbm>> -> memref<1024xi32, #tpu.memory_space<hbm>>
      tpu.wait_dma2 semaphore(%run_scoped3A_94 : memref<!tpu.dma_semaphore, #tpu.memory_space<semaphore_mem>>) src(%dma_wait3A_110 : memref<1024xi32, #tpu.memory_space<hbm>>) dst(%dma_wait3A_109 : memref<1024xi32, #tpu.memory_space<vmem>>)
      tpu.yield
    }) : () -> ()
    %dma_start3A = arith.constant 0 : i32
    %dma_start3A_5 = arith.constant 0 : i32
    %dma_start3A_6 = arith.constant 0 : i32
    %dma_start3A_7 = arith.constant 0 : i32
    %dma_start3A_8 = arith.constant 0 : i32
    %dma_start3A_9 = tpu.memref_slice %arg11[%dma_start3A_5, %dma_start3A_7, %dma_start3A_8] : memref<2x1024x16xf32, #tpu.memory_space<vmem>> -> memref<1x1024x16xf32, #tpu.memory_space<vmem>>
    %dma_start3A_10 = tpu.memref_squeeze %dma_start3A_9 : memref<1x1024x16xf32, #tpu.memory_space<vmem>> -> memref<1024x16xf32, #tpu.memory_space<vmem>>
    %dma_start3A_11 = arith.constant 0 : i32
    %dma_start3A_12 = tpu.memref_slice %arg9[%dma_start3A, %dma_start3A_11] : memref<2x1024xi32, #tpu.memory_space<vmem>> -> memref<1x1024xi32, #tpu.memory_space<vmem>>
    %dma_start3A_13 = tpu.memref_squeeze %dma_start3A_12 : memref<1x1024xi32, #tpu.memory_space<vmem>> -> memref<1024xi32, #tpu.memory_space<vmem>>
    %dma_start3A_14 = arith.constant 0 : i32
    %dma_start3A_15 = arith.constant 0 : i32
    %dma_start3A_16 = tpu.memref_slice %arg2[%dma_start3A_14, %dma_start3A_15] : memref<50000x16xf32, #tpu.memory_space<hbm>> -> memref<50000x16xf32, #tpu.memory_space<hbm>>
    %dma_start3A_17 = tpu.memref_slice %arg13[%dma_start3A_6] : memref<2x!tpu.dma_semaphore, #tpu.memory_space<semaphore_mem>> -> memref<1x!tpu.dma_semaphore, #tpu.memory_space<semaphore_mem>>
    %dma_start3A_18 = tpu.memref_squeeze %dma_start3A_17 : memref<1x!tpu.dma_semaphore, #tpu.memory_space<semaphore_mem>> -> memref<!tpu.dma_semaphore, #tpu.memory_space<semaphore_mem>>
    tpu.enqueue_indirect_dma source(%dma_start3A_16 : memref<50000x16xf32, #tpu.memory_space<hbm>>) target(%dma_start3A_10 : memref<1024x16xf32, #tpu.memory_space<vmem>>) offsets(%dma_start3A_13 : memref<1024xi32, #tpu.memory_space<vmem>>) semaphore(%dma_start3A_18 : memref<!tpu.dma_semaphore, #tpu.memory_space<semaphore_mem>>)
    %scan3A = arith.constant 0 : i32
    %scan3A_19 = arith.constant 25 : i32
    %scan3A_20 = arith.addi %scan3A, %scan3A_19 : i32
    %scan3A_21 = arith.constant 1 : i32
    scf.for %scan3A_94 = %scan3A to %scan3A_20 step %scan3A_21  : i32 {
      %mul3A_95 = arith.constant 1 : i32
      %mul3A_96 = arith.muli %scan3A_94, %mul3A_95 : i32
      %add3A_97 = arith.constant 0 : i32
      %add3A_98 = arith.addi %add3A_97, %mul3A_96 : i32
      %jit3A = arith.constant 2 : i32
      %eq3A = arith.constant 0 : i32
      %eq3A_99 = arith.cmpi eq, %jit3A, %eq3A : i32
      %jit3A_100 = arith.constant 1 : i32
      %select_n3A = arith.select %eq3A_99, %jit3A_100, %jit3A : i32
      %rem3A = arith.remsi %add3A_98, %select_n3A : i32
      %ne3A = arith.constant 0 : i32
      %ne3A_101 = arith.cmpi ne, %rem3A, %ne3A : i32
      %lt3A = arith.constant 0 : i32
      %lt3A_102 = arith.cmpi slt, %rem3A, %lt3A : i32
      %lt3A_103 = arith.constant 0 : i32
      %lt3A_104 = arith.cmpi slt, %select_n3A, %lt3A_103 : i32
      %ne3A_105 = arith.xori %lt3A_102, %lt3A_104 : i1
      %and3A = arith.andi %ne3A_105, %ne3A_101 : i1
      %add3A_106 = arith.addi %rem3A, %select_n3A : i32
      %select_n3A_107 = arith.select %and3A, %add3A_106, %rem3A : i32
      %sub3A = arith.constant 1 : i32
      %sub3A_108 = arith.subi %sub3A, %select_n3A_107 : i32
      %mul3A_109 = arith.constant 1024 : i32
      %mul3A_110 = arith.muli %add3A_98, %mul3A_109 : i32
      %add3A_111 = arith.addi %mul3A_2, %mul3A_110 : i32
      %scan3A_112 = arith.constant 0 : i32
      %scan3A_113 = arith.constant 0 : i32
      %scan3A_114 = arith.constant 32 : i32
      %scan3A_115 = arith.addi %scan3A_113, %scan3A_114 : i32
      %scan3A_116 = arith.constant 1 : i32
      %scan3A_117 = scf.for %scan3A_198 = %scan3A_113 to %scan3A_115 step %scan3A_116 iter_args(%scan3A_199 = %scan3A_112) -> (i32)  : i32 {
        %mul3A_200 = arith.constant 2 : i32
        %mul3A_201 = arith.muli %mul3A_200, %scan3A_198 : i32
        %mul3A_202 = arith.constant 16 : i32
        %mul3A_203 = arith.muli %mul3A_201, %mul3A_202 : i32
        %add3A_204 = arith.addi %add3A_111, %mul3A_203 : i32
        %add3A_205 = vector.broadcast %add3A_204 : i32 to vector<16xi32>
        %add3A_206 = arith.addi %add3A_205, %iota3A : vector<16xi32>
        %min3A = arith.constant 799999 : i32
        %min3A_207 = vector.broadcast %min3A : i32 to vector<16xi32>
        %min3A_208 = arith.minsi %add3A_206, %min3A_207 : vector<16xi32>
        %mul3A_209 = arith.constant 2 : i32
        %mul3A_210 = arith.muli %mul3A_209, %scan3A_198 : i32
        %add3A_211 = arith.constant 1 : i32
        %add3A_212 = arith.addi %mul3A_210, %add3A_211 : i32
        %mul3A_213 = arith.constant 16 : i32
        %mul3A_214 = arith.muli %add3A_212, %mul3A_213 : i32
        %add3A_215 = arith.addi %add3A_111, %mul3A_214 : i32
        %add3A_216 = vector.broadcast %add3A_215 : i32 to vector<16xi32>
        %add3A_217 = arith.addi %add3A_216, %iota3A : vector<16xi32>
        %min3A_218 = arith.constant 799999 : i32
        %min3A_219 = vector.broadcast %min3A_218 : i32 to vector<16xi32>
        %min3A_220 = arith.minsi %add3A_217, %min3A_219 : vector<16xi32>
        %broadcast_in_dim3A = arith.constant 0 : i32
        %broadcast_in_dim3A_221 = vector.broadcast %broadcast_in_dim3A : i32 to vector<16xi32>
        %broadcast_in_dim3A_222 = arith.constant 0 : i32
        %broadcast_in_dim3A_223 = vector.broadcast %broadcast_in_dim3A_222 : i32 to vector<16xi32>
        %add3A_224 = arith.constant 65536 : i32
        %add3A_225 = vector.broadcast %add3A_224 : i32 to vector<16xi32>
        %add3A_226 = arith.addi %broadcast_in_dim3A_221, %add3A_225 : vector<16xi32>
        %add3A_227 = arith.constant 65536 : i32
        %add3A_228 = vector.broadcast %add3A_227 : i32 to vector<16xi32>
        %add3A_229 = arith.addi %broadcast_in_dim3A_223, %add3A_228 : vector<16xi32>
        %min3A_230 = arith.constant 50000 : i32
        %min3A_231 = vector.broadcast %min3A_230 : i32 to vector<16xi32>
        %min3A_232 = arith.minsi %add3A_226, %min3A_231 : vector<16xi32>
        %gather3A = tpu.vector_load_idx %arg8[%min3A_232] : memref<50016xi32, #tpu.memory_space<vmem>>[vector<16xi32>], vector<16xi32>,
        %min3A_233 = arith.constant 50000 : i32
        %min3A_234 = vector.broadcast %min3A_233 : i32 to vector<16xi32>
        %min3A_235 = arith.minsi %add3A_229, %min3A_234 : vector<16xi32>
        %gather3A_236 = tpu.vector_load_idx %arg8[%min3A_235] : memref<50016xi32, #tpu.memory_space<vmem>>[vector<16xi32>], vector<16xi32>,
        %le3A = arith.constant 50000 : i32
        %le3A_237 = vector.broadcast %le3A : i32 to vector<16xi32>
        %le3A_238 = arith.cmpi sle, %add3A_226, %le3A_237 : vector<16xi32>
        %le3A_239 = arith.cmpi sle, %gather3A, %min3A_208 : vector<16xi32>
        %and3A_240 = arith.andi %le3A_238, %le3A_239 : vector<16xi1>
        %select_n3A_241 = arith.select %and3A_240, %add3A_226, %broadcast_in_dim3A_221 : vector<16xi1>, vector<16xi32>
        %le3A_242 = arith.constant 50000 : i32
        %le3A_243 = vector.broadcast %le3A_242 : i32 to vector<16xi32>
        %le3A_244 = arith.cmpi sle, %add3A_229, %le3A_243 : vector<16xi32>
        %le3A_245 = arith.cmpi sle, %gather3A_236, %min3A_220 : vector<16xi32>
        %and3A_246 = arith.andi %le3A_244, %le3A_245 : vector<16xi1>
        %select_n3A_247 = arith.select %and3A_246, %add3A_229, %broadcast_in_dim3A_223 : vector<16xi1>, vector<16xi32>
        %add3A_248 = arith.constant 32768 : i32
        %add3A_249 = vector.broadcast %add3A_248 : i32 to vector<16xi32>
        %add3A_250 = arith.addi %select_n3A_241, %add3A_249 : vector<16xi32>
        %add3A_251 = arith.constant 32768 : i32
        %add3A_252 = vector.broadcast %add3A_251 : i32 to vector<16xi32>
        %add3A_253 = arith.addi %select_n3A_247, %add3A_252 : vector<16xi32>
        %min3A_254 = arith.constant 50000 : i32
        %min3A_255 = vector.broadcast %min3A_254 : i32 to vector<16xi32>
        %min3A_256 = arith.minsi %add3A_250, %min3A_255 : vector<16xi32>
        %gather3A_257 = tpu.vector_load_idx %arg8[%min3A_256] : memref<50016xi32, #tpu.memory_space<vmem>>[vector<16xi32>], vector<16xi32>,
        %min3A_258 = arith.constant 50000 : i32
        %min3A_259 = vector.broadcast %min3A_258 : i32 to vector<16xi32>
        %min3A_260 = arith.minsi %add3A_253, %min3A_259 : vector<16xi32>
        %gather3A_261 = tpu.vector_load_idx %arg8[%min3A_260] : memref<50016xi32, #tpu.memory_space<vmem>>[vector<16xi32>], vector<16xi32>,
        %le3A_262 = arith.constant 50000 : i32
        %le3A_263 = vector.broadcast %le3A_262 : i32 to vector<16xi32>
        %le3A_264 = arith.cmpi sle, %add3A_250, %le3A_263 : vector<16xi32>
        %le3A_265 = arith.cmpi sle, %gather3A_257, %min3A_208 : vector<16xi32>
        %and3A_266 = arith.andi %le3A_264, %le3A_265 : vector<16xi1>
        %select_n3A_267 = arith.select %and3A_266, %add3A_250, %select_n3A_241 : vector<16xi1>, vector<16xi32>
        %le3A_268 = arith.constant 50000 : i32
        %le3A_269 = vector.broadcast %le3A_268 : i32 to vector<16xi32>
        %le3A_270 = arith.cmpi sle, %add3A_253, %le3A_269 : vector<16xi32>
        %le3A_271 = arith.cmpi sle, %gather3A_261, %min3A_220 : vector<16xi32>
        %and3A_272 = arith.andi %le3A_270, %le3A_271 : vector<16xi1>
        %select_n3A_273 = arith.select %and3A_272, %add3A_253, %select_n3A_247 : vector<16xi1>, vector<16xi32>
        %add3A_274 = arith.constant 16384 : i32
        %add3A_275 = vector.broadcast %add3A_274 : i32 to vector<16xi32>
        %add3A_276 = arith.addi %select_n3A_267, %add3A_275 : vector<16xi32>
        %add3A_277 = arith.constant 16384 : i32
        %add3A_278 = vector.broadcast %add3A_277 : i32 to vector<16xi32>
        %add3A_279 = arith.addi %select_n3A_273, %add3A_278 : vector<16xi32>
        %min3A_280 = arith.constant 50000 : i32
        %min3A_281 = vector.broadcast %min3A_280 : i32 to vector<16xi32>
        %min3A_282 = arith.minsi %add3A_276, %min3A_281 : vector<16xi32>
        %gather3A_283 = tpu.vector_load_idx %arg8[%min3A_282] : memref<50016xi32, #tpu.memory_space<vmem>>[vector<16xi32>], vector<16xi32>,
        %min3A_284 = arith.constant 50000 : i32
        %min3A_285 = vector.broadcast %min3A_284 : i32 to vector<16xi32>
        %min3A_286 = arith.minsi %add3A_279, %min3A_285 : vector<16xi32>
        %gather3A_287 = tpu.vector_load_idx %arg8[%min3A_286] : memref<50016xi32, #tpu.memory_space<vmem>>[vector<16xi32>], vector<16xi32>,
        %le3A_288 = arith.constant 50000 : i32
        %le3A_289 = vector.broadcast %le3A_288 : i32 to vector<16xi32>
        %le3A_290 = arith.cmpi sle, %add3A_276, %le3A_289 : vector<16xi32>
        %le3A_291 = arith.cmpi sle, %gather3A_283, %min3A_208 : vector<16xi32>
        %and3A_292 = arith.andi %le3A_290, %le3A_291 : vector<16xi1>
        %select_n3A_293 = arith.select %and3A_292, %add3A_276, %select_n3A_267 : vector<16xi1>, vector<16xi32>
        %le3A_294 = arith.constant 50000 : i32
        %le3A_295 = vector.broadcast %le3A_294 : i32 to vector<16xi32>
        %le3A_296 = arith.cmpi sle, %add3A_279, %le3A_295 : vector<16xi32>
        %le3A_297 = arith.cmpi sle, %gather3A_287, %min3A_220 : vector<16xi32>
        %and3A_298 = arith.andi %le3A_296, %le3A_297 : vector<16xi1>
        %select_n3A_299 = arith.select %and3A_298, %add3A_279, %select_n3A_273 : vector<16xi1>, vector<16xi32>
        %add3A_300 = arith.constant 8192 : i32
        %add3A_301 = vector.broadcast %add3A_300 : i32 to vector<16xi32>
        %add3A_302 = arith.addi %select_n3A_293, %add3A_301 : vector<16xi32>
        %add3A_303 = arith.constant 8192 : i32
        %add3A_304 = vector.broadcast %add3A_303 : i32 to vector<16xi32>
        %add3A_305 = arith.addi %select_n3A_299, %add3A_304 : vector<16xi32>
        %min3A_306 = arith.constant 50000 : i32
        %min3A_307 = vector.broadcast %min3A_306 : i32 to vector<16xi32>
        %min3A_308 = arith.minsi %add3A_302, %min3A_307 : vector<16xi32>
        %gather3A_309 = tpu.vector_load_idx %arg8[%min3A_308] : memref<50016xi32, #tpu.memory_space<vmem>>[vector<16xi32>], vector<16xi32>,
        %min3A_310 = arith.constant 50000 : i32
        %min3A_311 = vector.broadcast %min3A_310 : i32 to vector<16xi32>
        %min3A_312 = arith.minsi %add3A_305, %min3A_311 : vector<16xi32>
        %gather3A_313 = tpu.vector_load_idx %arg8[%min3A_312] : memref<50016xi32, #tpu.memory_space<vmem>>[vector<16xi32>], vector<16xi32>,
        %le3A_314 = arith.constant 50000 : i32
        %le3A_315 = vector.broadcast %le3A_314 : i32 to vector<16xi32>
        %le3A_316 = arith.cmpi sle, %add3A_302, %le3A_315 : vector<16xi32>
        %le3A_317 = arith.cmpi sle, %gather3A_309, %min3A_208 : vector<16xi32>
        %and3A_318 = arith.andi %le3A_316, %le3A_317 : vector<16xi1>
        %select_n3A_319 = arith.select %and3A_318, %add3A_302, %select_n3A_293 : vector<16xi1>, vector<16xi32>
        %le3A_320 = arith.constant 50000 : i32
        %le3A_321 = vector.broadcast %le3A_320 : i32 to vector<16xi32>
        %le3A_322 = arith.cmpi sle, %add3A_305, %le3A_321 : vector<16xi32>
        %le3A_323 = arith.cmpi sle, %gather3A_313, %min3A_220 : vector<16xi32>
        %and3A_324 = arith.andi %le3A_322, %le3A_323 : vector<16xi1>
        %select_n3A_325 = arith.select %and3A_324, %add3A_305, %select_n3A_299 : vector<16xi1>, vector<16xi32>
        %add3A_326 = arith.constant 4096 : i32
        %add3A_327 = vector.broadcast %add3A_326 : i32 to vector<16xi32>
        %add3A_328 = arith.addi %select_n3A_319, %add3A_327 : vector<16xi32>
        %add3A_329 = arith.constant 4096 : i32
        %add3A_330 = vector.broadcast %add3A_329 : i32 to vector<16xi32>
        %add3A_331 = arith.addi %select_n3A_325, %add3A_330 : vector<16xi32>
        %min3A_332 = arith.constant 50000 : i32
        %min3A_333 = vector.broadcast %min3A_332 : i32 to vector<16xi32>
        %min3A_334 = arith.minsi %add3A_328, %min3A_333 : vector<16xi32>
        %gather3A_335 = tpu.vector_load_idx %arg8[%min3A_334] : memref<50016xi32, #tpu.memory_space<vmem>>[vector<16xi32>], vector<16xi32>,
        %min3A_336 = arith.constant 50000 : i32
        %min3A_337 = vector.broadcast %min3A_336 : i32 to vector<16xi32>
        %min3A_338 = arith.minsi %add3A_331, %min3A_337 : vector<16xi32>
        %gather3A_339 = tpu.vector_load_idx %arg8[%min3A_338] : memref<50016xi32, #tpu.memory_space<vmem>>[vector<16xi32>], vector<16xi32>,
        %le3A_340 = arith.constant 50000 : i32
        %le3A_341 = vector.broadcast %le3A_340 : i32 to vector<16xi32>
        %le3A_342 = arith.cmpi sle, %add3A_328, %le3A_341 : vector<16xi32>
        %le3A_343 = arith.cmpi sle, %gather3A_335, %min3A_208 : vector<16xi32>
        %and3A_344 = arith.andi %le3A_342, %le3A_343 : vector<16xi1>
        %select_n3A_345 = arith.select %and3A_344, %add3A_328, %select_n3A_319 : vector<16xi1>, vector<16xi32>
        %le3A_346 = arith.constant 50000 : i32
        %le3A_347 = vector.broadcast %le3A_346 : i32 to vector<16xi32>
        %le3A_348 = arith.cmpi sle, %add3A_331, %le3A_347 : vector<16xi32>
        %le3A_349 = arith.cmpi sle, %gather3A_339, %min3A_220 : vector<16xi32>
        %and3A_350 = arith.andi %le3A_348, %le3A_349 : vector<16xi1>
        %select_n3A_351 = arith.select %and3A_350, %add3A_331, %select_n3A_325 : vector<16xi1>, vector<16xi32>
        %add3A_352 = arith.constant 2048 : i32
        %add3A_353 = vector.broadcast %add3A_352 : i32 to vector<16xi32>
        %add3A_354 = arith.addi %select_n3A_345, %add3A_353 : vector<16xi32>
        %add3A_355 = arith.constant 2048 : i32
        %add3A_356 = vector.broadcast %add3A_355 : i32 to vector<16xi32>
        %add3A_357 = arith.addi %select_n3A_351, %add3A_356 : vector<16xi32>
        %min3A_358 = arith.constant 50000 : i32
        %min3A_359 = vector.broadcast %min3A_358 : i32 to vector<16xi32>
        %min3A_360 = arith.minsi %add3A_354, %min3A_359 : vector<16xi32>
        %gather3A_361 = tpu.vector_load_idx %arg8[%min3A_360] : memref<50016xi32, #tpu.memory_space<vmem>>[vector<16xi32>], vector<16xi32>,
        %min3A_362 = arith.constant 50000 : i32
        %min3A_363 = vector.broadcast %min3A_362 : i32 to vector<16xi32>
        %min3A_364 = arith.minsi %add3A_357, %min3A_363 : vector<16xi32>
        %gather3A_365 = tpu.vector_load_idx %arg8[%min3A_364] : memref<50016xi32, #tpu.memory_space<vmem>>[vector<16xi32>], vector<16xi32>,
        %le3A_366 = arith.constant 50000 : i32
        %le3A_367 = vector.broadcast %le3A_366 : i32 to vector<16xi32>
        %le3A_368 = arith.cmpi sle, %add3A_354, %le3A_367 : vector<16xi32>
        %le3A_369 = arith.cmpi sle, %gather3A_361, %min3A_208 : vector<16xi32>
        %and3A_370 = arith.andi %le3A_368, %le3A_369 : vector<16xi1>
        %select_n3A_371 = arith.select %and3A_370, %add3A_354, %select_n3A_345 : vector<16xi1>, vector<16xi32>
        %le3A_372 = arith.constant 50000 : i32
        %le3A_373 = vector.broadcast %le3A_372 : i32 to vector<16xi32>
        %le3A_374 = arith.cmpi sle, %add3A_357, %le3A_373 : vector<16xi32>
        %le3A_375 = arith.cmpi sle, %gather3A_365, %min3A_220 : vector<16xi32>
        %and3A_376 = arith.andi %le3A_374, %le3A_375 : vector<16xi1>
        %select_n3A_377 = arith.select %and3A_376, %add3A_357, %select_n3A_351 : vector<16xi1>, vector<16xi32>
        %add3A_378 = arith.constant 1024 : i32
        %add3A_379 = vector.broadcast %add3A_378 : i32 to vector<16xi32>
        %add3A_380 = arith.addi %select_n3A_371, %add3A_379 : vector<16xi32>
        %add3A_381 = arith.constant 1024 : i32
        %add3A_382 = vector.broadcast %add3A_381 : i32 to vector<16xi32>
        %add3A_383 = arith.addi %select_n3A_377, %add3A_382 : vector<16xi32>
        %min3A_384 = arith.constant 50000 : i32
        %min3A_385 = vector.broadcast %min3A_384 : i32 to vector<16xi32>
        %min3A_386 = arith.minsi %add3A_380, %min3A_385 : vector<16xi32>
        %gather3A_387 = tpu.vector_load_idx %arg8[%min3A_386] : memref<50016xi32, #tpu.memory_space<vmem>>[vector<16xi32>], vector<16xi32>,
        %min3A_388 = arith.constant 50000 : i32
        %min3A_389 = vector.broadcast %min3A_388 : i32 to vector<16xi32>
        %min3A_390 = arith.minsi %add3A_383, %min3A_389 : vector<16xi32>
        %gather3A_391 = tpu.vector_load_idx %arg8[%min3A_390] : memref<50016xi32, #tpu.memory_space<vmem>>[vector<16xi32>], vector<16xi32>,
        %le3A_392 = arith.constant 50000 : i32
        %le3A_393 = vector.broadcast %le3A_392 : i32 to vector<16xi32>
        %le3A_394 = arith.cmpi sle, %add3A_380, %le3A_393 : vector<16xi32>
        %le3A_395 = arith.cmpi sle, %gather3A_387, %min3A_208 : vector<16xi32>
        %and3A_396 = arith.andi %le3A_394, %le3A_395 : vector<16xi1>
        %select_n3A_397 = arith.select %and3A_396, %add3A_380, %select_n3A_371 : vector<16xi1>, vector<16xi32>
        %le3A_398 = arith.constant 50000 : i32
        %le3A_399 = vector.broadcast %le3A_398 : i32 to vector<16xi32>
        %le3A_400 = arith.cmpi sle, %add3A_383, %le3A_399 : vector<16xi32>
        %le3A_401 = arith.cmpi sle, %gather3A_391, %min3A_220 : vector<16xi32>
        %and3A_402 = arith.andi %le3A_400, %le3A_401 : vector<16xi1>
        %select_n3A_403 = arith.select %and3A_402, %add3A_383, %select_n3A_377 : vector<16xi1>, vector<16xi32>
        %add3A_404 = arith.constant 512 : i32
        %add3A_405 = vector.broadcast %add3A_404 : i32 to vector<16xi32>
        %add3A_406 = arith.addi %select_n3A_397, %add3A_405 : vector<16xi32>
        %add3A_407 = arith.constant 512 : i32
        %add3A_408 = vector.broadcast %add3A_407 : i32 to vector<16xi32>
        %add3A_409 = arith.addi %select_n3A_403, %add3A_408 : vector<16xi32>
        %min3A_410 = arith.constant 50000 : i32
        %min3A_411 = vector.broadcast %min3A_410 : i32 to vector<16xi32>
        %min3A_412 = arith.minsi %add3A_406, %min3A_411 : vector<16xi32>
        %gather3A_413 = tpu.vector_load_idx %arg8[%min3A_412] : memref<50016xi32, #tpu.memory_space<vmem>>[vector<16xi32>], vector<16xi32>,
        %min3A_414 = arith.constant 50000 : i32
        %min3A_415 = vector.broadcast %min3A_414 : i32 to vector<16xi32>
        %min3A_416 = arith.minsi %add3A_409, %min3A_415 : vector<16xi32>
        %gather3A_417 = tpu.vector_load_idx %arg8[%min3A_416] : memref<50016xi32, #tpu.memory_space<vmem>>[vector<16xi32>], vector<16xi32>,
        %le3A_418 = arith.constant 50000 : i32
        %le3A_419 = vector.broadcast %le3A_418 : i32 to vector<16xi32>
        %le3A_420 = arith.cmpi sle, %add3A_406, %le3A_419 : vector<16xi32>
        %le3A_421 = arith.cmpi sle, %gather3A_413, %min3A_208 : vector<16xi32>
        %and3A_422 = arith.andi %le3A_420, %le3A_421 : vector<16xi1>
        %select_n3A_423 = arith.select %and3A_422, %add3A_406, %select_n3A_397 : vector<16xi1>, vector<16xi32>
        %le3A_424 = arith.constant 50000 : i32
        %le3A_425 = vector.broadcast %le3A_424 : i32 to vector<16xi32>
        %le3A_426 = arith.cmpi sle, %add3A_409, %le3A_425 : vector<16xi32>
        %le3A_427 = arith.cmpi sle, %gather3A_417, %min3A_220 : vector<16xi32>
        %and3A_428 = arith.andi %le3A_426, %le3A_427 : vector<16xi1>
        %select_n3A_429 = arith.select %and3A_428, %add3A_409, %select_n3A_403 : vector<16xi1>, vector<16xi32>
        %add3A_430 = arith.constant 256 : i32
        %add3A_431 = vector.broadcast %add3A_430 : i32 to vector<16xi32>
        %add3A_432 = arith.addi %select_n3A_423, %add3A_431 : vector<16xi32>
        %add3A_433 = arith.constant 256 : i32
        %add3A_434 = vector.broadcast %add3A_433 : i32 to vector<16xi32>
        %add3A_435 = arith.addi %select_n3A_429, %add3A_434 : vector<16xi32>
        %min3A_436 = arith.constant 50000 : i32
        %min3A_437 = vector.broadcast %min3A_436 : i32 to vector<16xi32>
        %min3A_438 = arith.minsi %add3A_432, %min3A_437 : vector<16xi32>
        %gather3A_439 = tpu.vector_load_idx %arg8[%min3A_438] : memref<50016xi32, #tpu.memory_space<vmem>>[vector<16xi32>], vector<16xi32>,
        %min3A_440 = arith.constant 50000 : i32
        %min3A_441 = vector.broadcast %min3A_440 : i32 to vector<16xi32>
        %min3A_442 = arith.minsi %add3A_435, %min3A_441 : vector<16xi32>
        %gather3A_443 = tpu.vector_load_idx %arg8[%min3A_442] : memref<50016xi32, #tpu.memory_space<vmem>>[vector<16xi32>], vector<16xi32>,
        %le3A_444 = arith.constant 50000 : i32
        %le3A_445 = vector.broadcast %le3A_444 : i32 to vector<16xi32>
        %le3A_446 = arith.cmpi sle, %add3A_432, %le3A_445 : vector<16xi32>
        %le3A_447 = arith.cmpi sle, %gather3A_439, %min3A_208 : vector<16xi32>
        %and3A_448 = arith.andi %le3A_446, %le3A_447 : vector<16xi1>
        %select_n3A_449 = arith.select %and3A_448, %add3A_432, %select_n3A_423 : vector<16xi1>, vector<16xi32>
        %le3A_450 = arith.constant 50000 : i32
        %le3A_451 = vector.broadcast %le3A_450 : i32 to vector<16xi32>
        %le3A_452 = arith.cmpi sle, %add3A_435, %le3A_451 : vector<16xi32>
        %le3A_453 = arith.cmpi sle, %gather3A_443, %min3A_220 : vector<16xi32>
        %and3A_454 = arith.andi %le3A_452, %le3A_453 : vector<16xi1>
        %select_n3A_455 = arith.select %and3A_454, %add3A_435, %select_n3A_429 : vector<16xi1>, vector<16xi32>
        %add3A_456 = arith.constant 128 : i32
        %add3A_457 = vector.broadcast %add3A_456 : i32 to vector<16xi32>
        %add3A_458 = arith.addi %select_n3A_449, %add3A_457 : vector<16xi32>
        %add3A_459 = arith.constant 128 : i32
        %add3A_460 = vector.broadcast %add3A_459 : i32 to vector<16xi32>
        %add3A_461 = arith.addi %select_n3A_455, %add3A_460 : vector<16xi32>
        %min3A_462 = arith.constant 50000 : i32
        %min3A_463 = vector.broadcast %min3A_462 : i32 to vector<16xi32>
        %min3A_464 = arith.minsi %add3A_458, %min3A_463 : vector<16xi32>
        %gather3A_465 = tpu.vector_load_idx %arg8[%min3A_464] : memref<50016xi32, #tpu.memory_space<vmem>>[vector<16xi32>], vector<16xi32>,
        %min3A_466 = arith.constant 50000 : i32
        %min3A_467 = vector.broadcast %min3A_466 : i32 to vector<16xi32>
        %min3A_468 = arith.minsi %add3A_461, %min3A_467 : vector<16xi32>
        %gather3A_469 = tpu.vector_load_idx %arg8[%min3A_468] : memref<50016xi32, #tpu.memory_space<vmem>>[vector<16xi32>], vector<16xi32>,
        %le3A_470 = arith.constant 50000 : i32
        %le3A_471 = vector.broadcast %le3A_470 : i32 to vector<16xi32>
        %le3A_472 = arith.cmpi sle, %add3A_458, %le3A_471 : vector<16xi32>
        %le3A_473 = arith.cmpi sle, %gather3A_465, %min3A_208 : vector<16xi32>
        %and3A_474 = arith.andi %le3A_472, %le3A_473 : vector<16xi1>
        %select_n3A_475 = arith.select %and3A_474, %add3A_458, %select_n3A_449 : vector<16xi1>, vector<16xi32>
        %le3A_476 = arith.constant 50000 : i32
        %le3A_477 = vector.broadcast %le3A_476 : i32 to vector<16xi32>
        %le3A_478 = arith.cmpi sle, %add3A_461, %le3A_477 : vector<16xi32>
        %le3A_479 = arith.cmpi sle, %gather3A_469, %min3A_220 : vector<16xi32>
        %and3A_480 = arith.andi %le3A_478, %le3A_479 : vector<16xi1>
        %select_n3A_481 = arith.select %and3A_480, %add3A_461, %select_n3A_455 : vector<16xi1>, vector<16xi32>
        %add3A_482 = arith.constant 64 : i32
        %add3A_483 = vector.broadcast %add3A_482 : i32 to vector<16xi32>
        %add3A_484 = arith.addi %select_n3A_475, %add3A_483 : vector<16xi32>
        %add3A_485 = arith.constant 64 : i32
        %add3A_486 = vector.broadcast %add3A_485 : i32 to vector<16xi32>
        %add3A_487 = arith.addi %select_n3A_481, %add3A_486 : vector<16xi32>
        %min3A_488 = arith.constant 50000 : i32
        %min3A_489 = vector.broadcast %min3A_488 : i32 to vector<16xi32>
        %min3A_490 = arith.minsi %add3A_484, %min3A_489 : vector<16xi32>
        %gather3A_491 = tpu.vector_load_idx %arg8[%min3A_490] : memref<50016xi32, #tpu.memory_space<vmem>>[vector<16xi32>], vector<16xi32>,
        %min3A_492 = arith.constant 50000 : i32
        %min3A_493 = vector.broadcast %min3A_492 : i32 to vector<16xi32>
        %min3A_494 = arith.minsi %add3A_487, %min3A_493 : vector<16xi32>
        %gather3A_495 = tpu.vector_load_idx %arg8[%min3A_494] : memref<50016xi32, #tpu.memory_space<vmem>>[vector<16xi32>], vector<16xi32>,
        %le3A_496 = arith.constant 50000 : i32
        %le3A_497 = vector.broadcast %le3A_496 : i32 to vector<16xi32>
        %le3A_498 = arith.cmpi sle, %add3A_484, %le3A_497 : vector<16xi32>
        %le3A_499 = arith.cmpi sle, %gather3A_491, %min3A_208 : vector<16xi32>
        %and3A_500 = arith.andi %le3A_498, %le3A_499 : vector<16xi1>
        %select_n3A_501 = arith.select %and3A_500, %add3A_484, %select_n3A_475 : vector<16xi1>, vector<16xi32>
        %le3A_502 = arith.constant 50000 : i32
        %le3A_503 = vector.broadcast %le3A_502 : i32 to vector<16xi32>
        %le3A_504 = arith.cmpi sle, %add3A_487, %le3A_503 : vector<16xi32>
        %le3A_505 = arith.cmpi sle, %gather3A_495, %min3A_220 : vector<16xi32>
        %and3A_506 = arith.andi %le3A_504, %le3A_505 : vector<16xi1>
        %select_n3A_507 = arith.select %and3A_506, %add3A_487, %select_n3A_481 : vector<16xi1>, vector<16xi32>
        %add3A_508 = arith.constant 32 : i32
        %add3A_509 = vector.broadcast %add3A_508 : i32 to vector<16xi32>
        %add3A_510 = arith.addi %select_n3A_501, %add3A_509 : vector<16xi32>
        %add3A_511 = arith.constant 32 : i32
        %add3A_512 = vector.broadcast %add3A_511 : i32 to vector<16xi32>
        %add3A_513 = arith.addi %select_n3A_507, %add3A_512 : vector<16xi32>
        %min3A_514 = arith.constant 50000 : i32
        %min3A_515 = vector.broadcast %min3A_514 : i32 to vector<16xi32>
        %min3A_516 = arith.minsi %add3A_510, %min3A_515 : vector<16xi32>
        %gather3A_517 = tpu.vector_load_idx %arg8[%min3A_516] : memref<50016xi32, #tpu.memory_space<vmem>>[vector<16xi32>], vector<16xi32>,
        %min3A_518 = arith.constant 50000 : i32
        %min3A_519 = vector.broadcast %min3A_518 : i32 to vector<16xi32>
        %min3A_520 = arith.minsi %add3A_513, %min3A_519 : vector<16xi32>
        %gather3A_521 = tpu.vector_load_idx %arg8[%min3A_520] : memref<50016xi32, #tpu.memory_space<vmem>>[vector<16xi32>], vector<16xi32>,
        %le3A_522 = arith.constant 50000 : i32
        %le3A_523 = vector.broadcast %le3A_522 : i32 to vector<16xi32>
        %le3A_524 = arith.cmpi sle, %add3A_510, %le3A_523 : vector<16xi32>
        %le3A_525 = arith.cmpi sle, %gather3A_517, %min3A_208 : vector<16xi32>
        %and3A_526 = arith.andi %le3A_524, %le3A_525 : vector<16xi1>
        %select_n3A_527 = arith.select %and3A_526, %add3A_510, %select_n3A_501 : vector<16xi1>, vector<16xi32>
        %le3A_528 = arith.constant 50000 : i32
        %le3A_529 = vector.broadcast %le3A_528 : i32 to vector<16xi32>
        %le3A_530 = arith.cmpi sle, %add3A_513, %le3A_529 : vector<16xi32>
        %le3A_531 = arith.cmpi sle, %gather3A_521, %min3A_220 : vector<16xi32>
        %and3A_532 = arith.andi %le3A_530, %le3A_531 : vector<16xi1>
        %select_n3A_533 = arith.select %and3A_532, %add3A_513, %select_n3A_507 : vector<16xi1>, vector<16xi32>
        %add3A_534 = arith.constant 16 : i32
        %add3A_535 = vector.broadcast %add3A_534 : i32 to vector<16xi32>
        %add3A_536 = arith.addi %select_n3A_527, %add3A_535 : vector<16xi32>
        %add3A_537 = arith.constant 16 : i32
        %add3A_538 = vector.broadcast %add3A_537 : i32 to vector<16xi32>
        %add3A_539 = arith.addi %select_n3A_533, %add3A_538 : vector<16xi32>
        %min3A_540 = arith.constant 50000 : i32
        %min3A_541 = vector.broadcast %min3A_540 : i32 to vector<16xi32>
        %min3A_542 = arith.minsi %add3A_536, %min3A_541 : vector<16xi32>
        %gather3A_543 = tpu.vector_load_idx %arg8[%min3A_542] : memref<50016xi32, #tpu.memory_space<vmem>>[vector<16xi32>], vector<16xi32>,
        %min3A_544 = arith.constant 50000 : i32
        %min3A_545 = vector.broadcast %min3A_544 : i32 to vector<16xi32>
        %min3A_546 = arith.minsi %add3A_539, %min3A_545 : vector<16xi32>
        %gather3A_547 = tpu.vector_load_idx %arg8[%min3A_546] : memref<50016xi32, #tpu.memory_space<vmem>>[vector<16xi32>], vector<16xi32>,
        %le3A_548 = arith.constant 50000 : i32
        %le3A_549 = vector.broadcast %le3A_548 : i32 to vector<16xi32>
        %le3A_550 = arith.cmpi sle, %add3A_536, %le3A_549 : vector<16xi32>
        %le3A_551 = arith.cmpi sle, %gather3A_543, %min3A_208 : vector<16xi32>
        %and3A_552 = arith.andi %le3A_550, %le3A_551 : vector<16xi1>
        %select_n3A_553 = arith.select %and3A_552, %add3A_536, %select_n3A_527 : vector<16xi1>, vector<16xi32>
        %le3A_554 = arith.constant 50000 : i32
        %le3A_555 = vector.broadcast %le3A_554 : i32 to vector<16xi32>
        %le3A_556 = arith.cmpi sle, %add3A_539, %le3A_555 : vector<16xi32>
        %le3A_557 = arith.cmpi sle, %gather3A_547, %min3A_220 : vector<16xi32>
        %and3A_558 = arith.andi %le3A_556, %le3A_557 : vector<16xi1>
        %select_n3A_559 = arith.select %and3A_558, %add3A_539, %select_n3A_533 : vector<16xi1>, vector<16xi32>
        %add3A_560 = arith.constant 8 : i32
        %add3A_561 = vector.broadcast %add3A_560 : i32 to vector<16xi32>
        %add3A_562 = arith.addi %select_n3A_553, %add3A_561 : vector<16xi32>
        %add3A_563 = arith.constant 8 : i32
        %add3A_564 = vector.broadcast %add3A_563 : i32 to vector<16xi32>
        %add3A_565 = arith.addi %select_n3A_559, %add3A_564 : vector<16xi32>
        %min3A_566 = arith.constant 50000 : i32
        %min3A_567 = vector.broadcast %min3A_566 : i32 to vector<16xi32>
        %min3A_568 = arith.minsi %add3A_562, %min3A_567 : vector<16xi32>
        %gather3A_569 = tpu.vector_load_idx %arg8[%min3A_568] : memref<50016xi32, #tpu.memory_space<vmem>>[vector<16xi32>], vector<16xi32>,
        %min3A_570 = arith.constant 50000 : i32
        %min3A_571 = vector.broadcast %min3A_570 : i32 to vector<16xi32>
        %min3A_572 = arith.minsi %add3A_565, %min3A_571 : vector<16xi32>
        %gather3A_573 = tpu.vector_load_idx %arg8[%min3A_572] : memref<50016xi32, #tpu.memory_space<vmem>>[vector<16xi32>], vector<16xi32>,
        %le3A_574 = arith.constant 50000 : i32
        %le3A_575 = vector.broadcast %le3A_574 : i32 to vector<16xi32>
        %le3A_576 = arith.cmpi sle, %add3A_562, %le3A_575 : vector<16xi32>
        %le3A_577 = arith.cmpi sle, %gather3A_569, %min3A_208 : vector<16xi32>
        %and3A_578 = arith.andi %le3A_576, %le3A_577 : vector<16xi1>
        %select_n3A_579 = arith.select %and3A_578, %add3A_562, %select_n3A_553 : vector<16xi1>, vector<16xi32>
        %le3A_580 = arith.constant 50000 : i32
        %le3A_581 = vector.broadcast %le3A_580 : i32 to vector<16xi32>
        %le3A_582 = arith.cmpi sle, %add3A_565, %le3A_581 : vector<16xi32>
        %le3A_583 = arith.cmpi sle, %gather3A_573, %min3A_220 : vector<16xi32>
        %and3A_584 = arith.andi %le3A_582, %le3A_583 : vector<16xi1>
        %select_n3A_585 = arith.select %and3A_584, %add3A_565, %select_n3A_559 : vector<16xi1>, vector<16xi32>
        %add3A_586 = arith.constant 4 : i32
        %add3A_587 = vector.broadcast %add3A_586 : i32 to vector<16xi32>
        %add3A_588 = arith.addi %select_n3A_579, %add3A_587 : vector<16xi32>
        %add3A_589 = arith.constant 4 : i32
        %add3A_590 = vector.broadcast %add3A_589 : i32 to vector<16xi32>
        %add3A_591 = arith.addi %select_n3A_585, %add3A_590 : vector<16xi32>
        %min3A_592 = arith.constant 50000 : i32
        %min3A_593 = vector.broadcast %min3A_592 : i32 to vector<16xi32>
        %min3A_594 = arith.minsi %add3A_588, %min3A_593 : vector<16xi32>
        %gather3A_595 = tpu.vector_load_idx %arg8[%min3A_594] : memref<50016xi32, #tpu.memory_space<vmem>>[vector<16xi32>], vector<16xi32>,
        %min3A_596 = arith.constant 50000 : i32
        %min3A_597 = vector.broadcast %min3A_596 : i32 to vector<16xi32>
        %min3A_598 = arith.minsi %add3A_591, %min3A_597 : vector<16xi32>
        %gather3A_599 = tpu.vector_load_idx %arg8[%min3A_598] : memref<50016xi32, #tpu.memory_space<vmem>>[vector<16xi32>], vector<16xi32>,
        %le3A_600 = arith.constant 50000 : i32
        %le3A_601 = vector.broadcast %le3A_600 : i32 to vector<16xi32>
        %le3A_602 = arith.cmpi sle, %add3A_588, %le3A_601 : vector<16xi32>
        %le3A_603 = arith.cmpi sle, %gather3A_595, %min3A_208 : vector<16xi32>
        %and3A_604 = arith.andi %le3A_602, %le3A_603 : vector<16xi1>
        %select_n3A_605 = arith.select %and3A_604, %add3A_588, %select_n3A_579 : vector<16xi1>, vector<16xi32>
        %le3A_606 = arith.constant 50000 : i32
        %le3A_607 = vector.broadcast %le3A_606 : i32 to vector<16xi32>
        %le3A_608 = arith.cmpi sle, %add3A_591, %le3A_607 : vector<16xi32>
        %le3A_609 = arith.cmpi sle, %gather3A_599, %min3A_220 : vector<16xi32>
        %and3A_610 = arith.andi %le3A_608, %le3A_609 : vector<16xi1>
        %select_n3A_611 = arith.select %and3A_610, %add3A_591, %select_n3A_585 : vector<16xi1>, vector<16xi32>
        %add3A_612 = arith.constant 2 : i32
        %add3A_613 = vector.broadcast %add3A_612 : i32 to vector<16xi32>
        %add3A_614 = arith.addi %select_n3A_605, %add3A_613 : vector<16xi32>
        %add3A_615 = arith.constant 2 : i32
        %add3A_616 = vector.broadcast %add3A_615 : i32 to vector<16xi32>
        %add3A_617 = arith.addi %select_n3A_611, %add3A_616 : vector<16xi32>
        %min3A_618 = arith.constant 50000 : i32
        %min3A_619 = vector.broadcast %min3A_618 : i32 to vector<16xi32>
        %min3A_620 = arith.minsi %add3A_614, %min3A_619 : vector<16xi32>
        %gather3A_621 = tpu.vector_load_idx %arg8[%min3A_620] : memref<50016xi32, #tpu.memory_space<vmem>>[vector<16xi32>], vector<16xi32>,
        %min3A_622 = arith.constant 50000 : i32
        %min3A_623 = vector.broadcast %min3A_622 : i32 to vector<16xi32>
        %min3A_624 = arith.minsi %add3A_617, %min3A_623 : vector<16xi32>
        %gather3A_625 = tpu.vector_load_idx %arg8[%min3A_624] : memref<50016xi32, #tpu.memory_space<vmem>>[vector<16xi32>], vector<16xi32>,
        %le3A_626 = arith.constant 50000 : i32
        %le3A_627 = vector.broadcast %le3A_626 : i32 to vector<16xi32>
        %le3A_628 = arith.cmpi sle, %add3A_614, %le3A_627 : vector<16xi32>
        %le3A_629 = arith.cmpi sle, %gather3A_621, %min3A_208 : vector<16xi32>
        %and3A_630 = arith.andi %le3A_628, %le3A_629 : vector<16xi1>
        %select_n3A_631 = arith.select %and3A_630, %add3A_614, %select_n3A_605 : vector<16xi1>, vector<16xi32>
        %le3A_632 = arith.constant 50000 : i32
        %le3A_633 = vector.broadcast %le3A_632 : i32 to vector<16xi32>
        %le3A_634 = arith.cmpi sle, %add3A_617, %le3A_633 : vector<16xi32>
        %le3A_635 = arith.cmpi sle, %gather3A_625, %min3A_220 : vector<16xi32>
        %and3A_636 = arith.andi %le3A_634, %le3A_635 : vector<16xi1>
        %select_n3A_637 = arith.select %and3A_636, %add3A_617, %select_n3A_611 : vector<16xi1>, vector<16xi32>
        %add3A_638 = arith.constant 1 : i32
        %add3A_639 = vector.broadcast %add3A_638 : i32 to vector<16xi32>
        %add3A_640 = arith.addi %select_n3A_631, %add3A_639 : vector<16xi32>
        %add3A_641 = arith.constant 1 : i32
        %add3A_642 = vector.broadcast %add3A_641 : i32 to vector<16xi32>
        %add3A_643 = arith.addi %select_n3A_637, %add3A_642 : vector<16xi32>
        %min3A_644 = arith.constant 50000 : i32
        %min3A_645 = vector.broadcast %min3A_644 : i32 to vector<16xi32>
        %min3A_646 = arith.minsi %add3A_640, %min3A_645 : vector<16xi32>
        %gather3A_647 = tpu.vector_load_idx %arg8[%min3A_646] : memref<50016xi32, #tpu.memory_space<vmem>>[vector<16xi32>], vector<16xi32>,
        %min3A_648 = arith.constant 50000 : i32
        %min3A_649 = vector.broadcast %min3A_648 : i32 to vector<16xi32>
        %min3A_650 = arith.minsi %add3A_643, %min3A_649 : vector<16xi32>
        %gather3A_651 = tpu.vector_load_idx %arg8[%min3A_650] : memref<50016xi32, #tpu.memory_space<vmem>>[vector<16xi32>], vector<16xi32>,
        %le3A_652 = arith.constant 50000 : i32
        %le3A_653 = vector.broadcast %le3A_652 : i32 to vector<16xi32>
        %le3A_654 = arith.cmpi sle, %add3A_640, %le3A_653 : vector<16xi32>
        %le3A_655 = arith.cmpi sle, %gather3A_647, %min3A_208 : vector<16xi32>
        %and3A_656 = arith.andi %le3A_654, %le3A_655 : vector<16xi1>
        %select_n3A_657 = arith.select %and3A_656, %add3A_640, %select_n3A_631 : vector<16xi1>, vector<16xi32>
        %le3A_658 = arith.constant 50000 : i32
        %le3A_659 = vector.broadcast %le3A_658 : i32 to vector<16xi32>
        %le3A_660 = arith.cmpi sle, %add3A_643, %le3A_659 : vector<16xi32>
        %le3A_661 = arith.cmpi sle, %gather3A_651, %min3A_220 : vector<16xi32>
        %and3A_662 = arith.andi %le3A_660, %le3A_661 : vector<16xi1>
        %select_n3A_663 = arith.select %and3A_662, %add3A_643, %select_n3A_637 : vector<16xi1>, vector<16xi32>
        %mul3A_664 = arith.constant 2 : i32
        %mul3A_665 = arith.muli %mul3A_664, %scan3A_198 : i32
        %mul3A_666 = arith.constant 16 : i32
        %mul3A_667 = arith.muli %mul3A_665, %mul3A_666 : i32
        %swap3A = arith.index_cast %select_n3A_107 : i32 to index
        %swap3A_668 = arith.index_cast %mul3A_667 : i32 to index
        %swap3A_669 = tpu.vector_load %arg10[%swap3A, %swap3A_668] {strides = array<i32>} : memref<2x1024xi32, #tpu.memory_space<vmem>>, vector<16xi32>,
        tpu.vector_store %arg10[%swap3A, %swap3A_668], %select_n3A_657 {strides = array<i32>} : memref<2x1024xi32, #tpu.memory_space<vmem>>, vector<16xi32>,
        %mul3A_670 = arith.constant 2 : i32
        %mul3A_671 = arith.muli %mul3A_670, %scan3A_198 : i32
        %add3A_672 = arith.constant 1 : i32
        %add3A_673 = arith.addi %mul3A_671, %add3A_672 : i32
        %mul3A_674 = arith.constant 16 : i32
        %mul3A_675 = arith.muli %add3A_673, %mul3A_674 : i32
        %swap3A_676 = arith.index_cast %select_n3A_107 : i32 to index
        %swap3A_677 = arith.index_cast %mul3A_675 : i32 to index
        %swap3A_678 = tpu.vector_load %arg10[%swap3A_676, %swap3A_677] {strides = array<i32>} : memref<2x1024xi32, #tpu.memory_space<vmem>>, vector<16xi32>,
        tpu.vector_store %arg10[%swap3A_676, %swap3A_677], %select_n3A_663 {strides = array<i32>} : memref<2x1024xi32, #tpu.memory_space<vmem>>, vector<16xi32>,
        %scan3A_679 = arith.constant 0 : i32
        scf.yield %scan3A_679 : i32
      }
      %scan3A_118 = arith.constant 32 : i32
      %dma_wait3A_119 = arith.constant 0 : i32
      %dma_wait3A_120 = arith.constant 0 : i32
      %dma_wait3A_121 = tpu.memref_slice %arg11[%select_n3A_107, %dma_wait3A_119, %dma_wait3A_120] : memref<2x1024x16xf32, #tpu.memory_space<vmem>> -> memref<1x1024x16xf32, #tpu.memory_space<vmem>>
      %dma_wait3A_122 = tpu.memref_squeeze %dma_wait3A_121 : memref<1x1024x16xf32, #tpu.memory_space<vmem>> -> memref<1024x16xf32, #tpu.memory_space<vmem>>
      %dma_wait3A_123 = arith.constant 0 : i32
      %dma_wait3A_124 = tpu.memref_slice %arg9[%select_n3A_107, %dma_wait3A_123] : memref<2x1024xi32, #tpu.memory_space<vmem>> -> memref<1x1024xi32, #tpu.memory_space<vmem>>
      %dma_wait3A_125 = tpu.memref_squeeze %dma_wait3A_124 : memref<1x1024xi32, #tpu.memory_space<vmem>> -> memref<1024xi32, #tpu.memory_space<vmem>>
      %dma_wait3A_126 = arith.constant 0 : i32
      %dma_wait3A_127 = arith.constant 0 : i32
      %dma_wait3A_128 = tpu.memref_slice %arg2[%dma_wait3A_126, %dma_wait3A_127] : memref<50000x16xf32, #tpu.memory_space<hbm>> -> memref<50000x16xf32, #tpu.memory_space<hbm>>
      %dma_wait3A_129 = tpu.memref_slice %arg13[%select_n3A_107] : memref<2x!tpu.dma_semaphore, #tpu.memory_space<semaphore_mem>> -> memref<1x!tpu.dma_semaphore, #tpu.memory_space<semaphore_mem>>
      %dma_wait3A_130 = tpu.memref_squeeze %dma_wait3A_129 : memref<1x!tpu.dma_semaphore, #tpu.memory_space<semaphore_mem>> -> memref<!tpu.dma_semaphore, #tpu.memory_space<semaphore_mem>>
      tpu.wait_indirect_dma semaphore(%dma_wait3A_130 : memref<!tpu.dma_semaphore, #tpu.memory_space<semaphore_mem>>) src(%dma_wait3A_128 : memref<50000x16xf32, #tpu.memory_space<hbm>>) dst(%dma_wait3A_122 : memref<1024x16xf32, #tpu.memory_space<vmem>>)
      %ge3A = arith.constant 2 : i32
      %ge3A_131 = arith.cmpi sge, %add3A_98, %ge3A : i32
      %convert_element_type3A = arith.extui %ge3A_131 : i1 to i32
      %cond3A = arith.constant 0 : i32
      %cond3A_132 = arith.cmpi ne, %convert_element_type3A, %cond3A : i32
      scf.if %cond3A_132 {
        %mul3A_198 = arith.constant 1024 : i32
        %mul3A_199 = arith.muli %add3A_98, %mul3A_198 : i32
        %add3A_200 = arith.addi %mul3A_2, %mul3A_199 : i32
        %dma_wait3A_201 = arith.constant 0 : i32
        %dma_wait3A_202 = arith.constant 0 : i32
        %dma_wait3A_203 = tpu.memref_slice %arg12[%select_n3A_107, %dma_wait3A_201, %dma_wait3A_202] : memref<2x1024x16xf32, #tpu.memory_space<vmem>> -> memref<1x1024x16xf32, #tpu.memory_space<vmem>>
        %dma_wait3A_204 = tpu.memref_squeeze %dma_wait3A_203 : memref<1x1024x16xf32, #tpu.memory_space<vmem>> -> memref<1024x16xf32, #tpu.memory_space<vmem>>
        %dma_wait3A_205 = arith.constant 0 : i32
        %dma_wait3A_206 = tpu.memref_slice %arg7[%add3A_200, %dma_wait3A_205] : memref<819200x16xf32, #tpu.memory_space<hbm>> -> memref<1024x16xf32, #tpu.memory_space<hbm>>
        %dma_wait3A_207 = tpu.memref_slice %arg16[%select_n3A_107] : memref<2x!tpu.dma_semaphore, #tpu.memory_space<semaphore_mem>> -> memref<1x!tpu.dma_semaphore, #tpu.memory_space<semaphore_mem>>
        %dma_wait3A_208 = tpu.memref_squeeze %dma_wait3A_207 : memref<1x!tpu.dma_semaphore, #tpu.memory_space<semaphore_mem>> -> memref<!tpu.dma_semaphore, #tpu.memory_space<semaphore_mem>>
        %dma_wait3A_209 = arith.constant 0 : i32
        %dma_wait3A_210 = tpu.memref_slice %arg7[%add3A_200, %dma_wait3A_209] : memref<819200x16xf32, #tpu.memory_space<hbm>> -> memref<1024x16xf32, #tpu.memory_space<hbm>>
        %dma_wait3A_211 = arith.constant 0 : i32
        %dma_wait3A_212 = arith.constant 0 : i32
        %dma_wait3A_213 = tpu.memref_slice %arg12[%select_n3A_107, %dma_wait3A_211, %dma_wait3A_212] : memref<2x1024x16xf32, #tpu.memory_space<vmem>> -> memref<1x1024x16xf32, #tpu.memory_space<vmem>>
        %dma_wait3A_214 = tpu.memref_squeeze %dma_wait3A_213 : memref<1x1024x16xf32, #tpu.memory_space<vmem>> -> memref<1024x16xf32, #tpu.memory_space<vmem>>
        tpu.wait_dma2 semaphore(%dma_wait3A_208 : memref<!tpu.dma_semaphore, #tpu.memory_space<semaphore_mem>>) src(%dma_wait3A_214 : memref<1024x16xf32, #tpu.memory_space<vmem>>) dst(%dma_wait3A_210 : memref<1024x16xf32, #tpu.memory_space<hbm>>)
      } else {
      }
      %dma_start3A_133 = arith.constant 0 : i32
      %dma_start3A_134 = arith.constant 0 : i32
      %dma_start3A_135 = tpu.memref_slice %arg12[%select_n3A_107, %dma_start3A_133, %dma_start3A_134] : memref<2x1024x16xf32, #tpu.memory_space<vmem>> -> memref<1x1024x16xf32, #tpu.memory_space<vmem>>
      %dma_start3A_136 = tpu.memref_squeeze %dma_start3A_135 : memref<1x1024x16xf32, #tpu.memory_space<vmem>> -> memref<1024x16xf32, #tpu.memory_space<vmem>>
      %dma_start3A_137 = arith.constant 0 : i32
      %dma_start3A_138 = tpu.memref_slice %arg10[%select_n3A_107, %dma_start3A_137] : memref<2x1024xi32, #tpu.memory_space<vmem>> -> memref<1x1024xi32, #tpu.memory_space<vmem>>
      %dma_start3A_139 = tpu.memref_squeeze %dma_start3A_138 : memref<1x1024xi32, #tpu.memory_space<vmem>> -> memref<1024xi32, #tpu.memory_space<vmem>>
      %dma_start3A_140 = arith.constant 0 : i32
      %dma_start3A_141 = arith.constant 0 : i32
      %dma_start3A_142 = tpu.memref_slice %arg3[%dma_start3A_140, %dma_start3A_141] : memref<50000x16xf32, #tpu.memory_space<hbm>> -> memref<50000x16xf32, #tpu.memory_space<hbm>>
      %dma_start3A_143 = tpu.memref_slice %arg14[%select_n3A_107] : memref<2x!tpu.dma_semaphore, #tpu.memory_space<semaphore_mem>> -> memref<1x!tpu.dma_semaphore, #tpu.memory_space<semaphore_mem>>
      %dma_start3A_144 = tpu.memref_squeeze %dma_start3A_143 : memref<1x!tpu.dma_semaphore, #tpu.memory_space<semaphore_mem>> -> memref<!tpu.dma_semaphore, #tpu.memory_space<semaphore_mem>>
      tpu.enqueue_indirect_dma source(%dma_start3A_142 : memref<50000x16xf32, #tpu.memory_space<hbm>>) target(%dma_start3A_136 : memref<1024x16xf32, #tpu.memory_space<vmem>>) offsets(%dma_start3A_139 : memref<1024xi32, #tpu.memory_space<vmem>>) semaphore(%dma_start3A_144 : memref<!tpu.dma_semaphore, #tpu.memory_space<semaphore_mem>>)
      %add3A_145 = arith.constant 1 : i32
      %add3A_146 = arith.addi %add3A_98, %add3A_145 : i32
      %lt3A_147 = arith.constant 25 : i32
      %lt3A_148 = arith.cmpi slt, %add3A_146, %lt3A_147 : i32
      %convert_element_type3A_149 = arith.extui %lt3A_148 : i1 to i32
      %cond3A_150 = arith.constant 0 : i32
      %cond3A_151 = arith.cmpi ne, %convert_element_type3A_149, %cond3A_150 : i32
      scf.if %cond3A_151 {
        %ge3A_198 = arith.constant 1 : i32
        %ge3A_199 = arith.cmpi sge, %add3A_98, %ge3A_198 : i32
        %convert_element_type3A_200 = arith.extui %ge3A_199 : i1 to i32
        %cond3A_201 = arith.constant 0 : i32
        %cond3A_202 = arith.cmpi ne, %convert_element_type3A_200, %cond3A_201 : i32
        scf.if %cond3A_202 {
          %mul3A_222 = arith.constant 1024 : i32
          %mul3A_223 = arith.muli %add3A_98, %mul3A_222 : i32
          %add3A_224 = arith.addi %mul3A_2, %mul3A_223 : i32
          %dma_wait3A_225 = arith.constant 0 : i32
          %dma_wait3A_226 = arith.constant 0 : i32
          %dma_wait3A_227 = tpu.memref_slice %arg11[%sub3A_108, %dma_wait3A_225, %dma_wait3A_226] : memref<2x1024x16xf32, #tpu.memory_space<vmem>> -> memref<1x1024x16xf32, #tpu.memory_space<vmem>>
          %dma_wait3A_228 = tpu.memref_squeeze %dma_wait3A_227 : memref<1x1024x16xf32, #tpu.memory_space<vmem>> -> memref<1024x16xf32, #tpu.memory_space<vmem>>
          %dma_wait3A_229 = arith.constant 0 : i32
          %dma_wait3A_230 = tpu.memref_slice %arg6[%add3A_224, %dma_wait3A_229] : memref<819200x16xf32, #tpu.memory_space<hbm>> -> memref<1024x16xf32, #tpu.memory_space<hbm>>
          %dma_wait3A_231 = tpu.memref_slice %arg15[%sub3A_108] : memref<2x!tpu.dma_semaphore, #tpu.memory_space<semaphore_mem>> -> memref<1x!tpu.dma_semaphore, #tpu.memory_space<semaphore_mem>>
          %dma_wait3A_232 = tpu.memref_squeeze %dma_wait3A_231 : memref<1x!tpu.dma_semaphore, #tpu.memory_space<semaphore_mem>> -> memref<!tpu.dma_semaphore, #tpu.memory_space<semaphore_mem>>
          %dma_wait3A_233 = arith.constant 0 : i32
          %dma_wait3A_234 = tpu.memref_slice %arg6[%add3A_224, %dma_wait3A_233] : memref<819200x16xf32, #tpu.memory_space<hbm>> -> memref<1024x16xf32, #tpu.memory_space<hbm>>
          %dma_wait3A_235 = arith.constant 0 : i32
          %dma_wait3A_236 = arith.constant 0 : i32
          %dma_wait3A_237 = tpu.memref_slice %arg11[%sub3A_108, %dma_wait3A_235, %dma_wait3A_236] : memref<2x1024x16xf32, #tpu.memory_space<vmem>> -> memref<1x1024x16xf32, #tpu.memory_space<vmem>>
          %dma_wait3A_238 = tpu.memref_squeeze %dma_wait3A_237 : memref<1x1024x16xf32, #tpu.memory_space<vmem>> -> memref<1024x16xf32, #tpu.memory_space<vmem>>
          tpu.wait_dma2 semaphore(%dma_wait3A_232 : memref<!tpu.dma_semaphore, #tpu.memory_space<semaphore_mem>>) src(%dma_wait3A_238 : memref<1024x16xf32, #tpu.memory_space<vmem>>) dst(%dma_wait3A_234 : memref<1024x16xf32, #tpu.memory_space<hbm>>)
        } else {
        }
        %add3A_203 = arith.constant 1 : i32
        %add3A_204 = arith.addi %add3A_98, %add3A_203 : i32
        %mul3A_205 = arith.constant 1024 : i32
        %mul3A_206 = arith.muli %add3A_204, %mul3A_205 : i32
        %add3A_207 = arith.addi %mul3A_2, %mul3A_206 : i32
        "tpu.region"() ({
          %run_scoped3A_222 = tpu.sem_alloc : memref<!tpu.dma_semaphore, #tpu.memory_space<semaphore_mem>>
          %dma_start3A_223 = arith.constant 0 : i32
          %dma_start3A_224 = tpu.memref_slice %arg9[%sub3A_108, %dma_start3A_223] : memref<2x1024xi32, #tpu.memory_space<vmem>> -> memref<1x1024xi32, #tpu.memory_space<vmem>>
          %dma_start3A_225 = tpu.memref_squeeze %dma_start3A_224 : memref<1x1024xi32, #tpu.memory_space<vmem>> -> memref<1024xi32, #tpu.memory_space<vmem>>
          %dma_start3A_226 = tpu.memref_slice %arg4[%add3A_207] : memref<819200xi32, #tpu.memory_space<hbm>> -> memref<1024xi32, #tpu.memory_space<hbm>>
          %dma_start3A_227 = arith.constant 0 : i32
          %dma_start3A_228 = tpu.memref_slice %arg9[%sub3A_108, %dma_start3A_227] : memref<2x1024xi32, #tpu.memory_space<vmem>> -> memref<1x1024xi32, #tpu.memory_space<vmem>>
          %dma_start3A_229 = tpu.memref_squeeze %dma_start3A_228 : memref<1x1024xi32, #tpu.memory_space<vmem>> -> memref<1024xi32, #tpu.memory_space<vmem>>
          %dma_start3A_230 = tpu.memref_slice %arg4[%add3A_207] : memref<819200xi32, #tpu.memory_space<hbm>> -> memref<1024xi32, #tpu.memory_space<hbm>>
          tpu.enqueue_dma source(%dma_start3A_230 : memref<1024xi32, #tpu.memory_space<hbm>>) target(%dma_start3A_229 : memref<1024xi32, #tpu.memory_space<vmem>>) target_semaphore(%run_scoped3A_222 : memref<!tpu.dma_semaphore, #tpu.memory_space<semaphore_mem>>)
          %dma_wait3A_231 = arith.constant 0 : i32
          %dma_wait3A_232 = tpu.memref_slice %arg9[%sub3A_108, %dma_wait3A_231] : memref<2x1024xi32, #tpu.memory_space<vmem>> -> memref<1x1024xi32, #tpu.memory_space<vmem>>
          %dma_wait3A_233 = tpu.memref_squeeze %dma_wait3A_232 : memref<1x1024xi32, #tpu.memory_space<vmem>> -> memref<1024xi32, #tpu.memory_space<vmem>>
          %dma_wait3A_234 = tpu.memref_slice %arg4[%add3A_207] : memref<819200xi32, #tpu.memory_space<hbm>> -> memref<1024xi32, #tpu.memory_space<hbm>>
          %dma_wait3A_235 = arith.constant 0 : i32
          %dma_wait3A_236 = tpu.memref_slice %arg9[%sub3A_108, %dma_wait3A_235] : memref<2x1024xi32, #tpu.memory_space<vmem>> -> memref<1x1024xi32, #tpu.memory_space<vmem>>
          %dma_wait3A_237 = tpu.memref_squeeze %dma_wait3A_236 : memref<1x1024xi32, #tpu.memory_space<vmem>> -> memref<1024xi32, #tpu.memory_space<vmem>>
          %dma_wait3A_238 = tpu.memref_slice %arg4[%add3A_207] : memref<819200xi32, #tpu.memory_space<hbm>> -> memref<1024xi32, #tpu.memory_space<hbm>>
          tpu.wait_dma2 semaphore(%run_scoped3A_222 : memref<!tpu.dma_semaphore, #tpu.memory_space<semaphore_mem>>) src(%dma_wait3A_238 : memref<1024xi32, #tpu.memory_space<hbm>>) dst(%dma_wait3A_237 : memref<1024xi32, #tpu.memory_space<vmem>>)
          tpu.yield
        }) : () -> ()
        %add3A_208 = arith.constant 1 : i32
        %add3A_209 = arith.addi %add3A_98, %add3A_208 : i32
        %dma_start3A_210 = arith.constant 0 : i32
        %dma_start3A_211 = arith.constant 0 : i32
        %dma_start3A_212 = tpu.memref_slice %arg11[%sub3A_108, %dma_start3A_210, %dma_start3A_211] : memref<2x1024x16xf32, #tpu.memory_space<vmem>> -> memref<1x1024x16xf32, #tpu.memory_space<vmem>>
        %dma_start3A_213 = tpu.memref_squeeze %dma_start3A_212 : memref<1x1024x16xf32, #tpu.memory_space<vmem>> -> memref<1024x16xf32, #tpu.memory_space<vmem>>
        %dma_start3A_214 = arith.constant 0 : i32
        %dma_start3A_215 = tpu.memref_slice %arg9[%sub3A_108, %dma_start3A_214] : memref<2x1024xi32, #tpu.memory_space<vmem>> -> memref<1x1024xi32, #tpu.memory_space<vmem>>
        %dma_start3A_216 = tpu.memref_squeeze %dma_start3A_215 : memref<1x1024xi32, #tpu.memory_space<vmem>> -> memref<1024xi32, #tpu.memory_space<vmem>>
        %dma_start3A_217 = arith.constant 0 : i32
        %dma_start3A_218 = arith.constant 0 : i32
        %dma_start3A_219 = tpu.memref_slice %arg2[%dma_start3A_217, %dma_start3A_218] : memref<50000x16xf32, #tpu.memory_space<hbm>> -> memref<50000x16xf32, #tpu.memory_space<hbm>>
        %dma_start3A_220 = tpu.memref_slice %arg13[%sub3A_108] : memref<2x!tpu.dma_semaphore, #tpu.memory_space<semaphore_mem>> -> memref<1x!tpu.dma_semaphore, #tpu.memory_space<semaphore_mem>>
        %dma_start3A_221 = tpu.memref_squeeze %dma_start3A_220 : memref<1x!tpu.dma_semaphore, #tpu.memory_space<semaphore_mem>> -> memref<!tpu.dma_semaphore, #tpu.memory_space<semaphore_mem>>
        tpu.enqueue_indirect_dma source(%dma_start3A_219 : memref<50000x16xf32, #tpu.memory_space<hbm>>) target(%dma_start3A_213 : memref<1024x16xf32, #tpu.memory_space<vmem>>) offsets(%dma_start3A_216 : memref<1024xi32, #tpu.memory_space<vmem>>) semaphore(%dma_start3A_221 : memref<!tpu.dma_semaphore, #tpu.memory_space<semaphore_mem>>)
      } else {
      }
      %mul3A_152 = arith.constant 1024 : i32
      %mul3A_153 = arith.muli %add3A_98, %mul3A_152 : i32
      %add3A_154 = arith.addi %mul3A_2, %mul3A_153 : i32
      %dma_start3A_155 = arith.constant 0 : i32
      %dma_start3A_156 = arith.constant 0 : i32
      %dma_start3A_157 = tpu.memref_slice %arg11[%select_n3A_107, %dma_start3A_155, %dma_start3A_156] : memref<2x1024x16xf32, #tpu.memory_space<vmem>> -> memref<1x1024x16xf32, #tpu.memory_space<vmem>>
      %dma_start3A_158 = tpu.memref_squeeze %dma_start3A_157 : memref<1x1024x16xf32, #tpu.memory_space<vmem>> -> memref<1024x16xf32, #tpu.memory_space<vmem>>
      %dma_start3A_159 = arith.constant 0 : i32
      %dma_start3A_160 = tpu.memref_slice %arg6[%add3A_154, %dma_start3A_159] : memref<819200x16xf32, #tpu.memory_space<hbm>> -> memref<1024x16xf32, #tpu.memory_space<hbm>>
      %dma_start3A_161 = tpu.memref_slice %arg15[%select_n3A_107] : memref<2x!tpu.dma_semaphore, #tpu.memory_space<semaphore_mem>> -> memref<1x!tpu.dma_semaphore, #tpu.memory_space<semaphore_mem>>
      %dma_start3A_162 = tpu.memref_squeeze %dma_start3A_161 : memref<1x!tpu.dma_semaphore, #tpu.memory_space<semaphore_mem>> -> memref<!tpu.dma_semaphore, #tpu.memory_space<semaphore_mem>>
      %dma_start3A_163 = arith.constant 0 : i32
      %dma_start3A_164 = tpu.memref_slice %arg6[%add3A_154, %dma_start3A_163] : memref<819200x16xf32, #tpu.memory_space<hbm>> -> memref<1024x16xf32, #tpu.memory_space<hbm>>
      %dma_start3A_165 = arith.constant 0 : i32
      %dma_start3A_166 = arith.constant 0 : i32
      %dma_start3A_167 = tpu.memref_slice %arg11[%select_n3A_107, %dma_start3A_165, %dma_start3A_166] : memref<2x1024x16xf32, #tpu.memory_space<vmem>> -> memref<1x1024x16xf32, #tpu.memory_space<vmem>>
      %dma_start3A_168 = tpu.memref_squeeze %dma_start3A_167 : memref<1x1024x16xf32, #tpu.memory_space<vmem>> -> memref<1024x16xf32, #tpu.memory_space<vmem>>
      tpu.enqueue_dma source(%dma_start3A_168 : memref<1024x16xf32, #tpu.memory_space<vmem>>) target(%dma_start3A_164 : memref<1024x16xf32, #tpu.memory_space<hbm>>) target_semaphore(%dma_start3A_162 : memref<!tpu.dma_semaphore, #tpu.memory_space<semaphore_mem>>)
      %dma_wait3A_169 = arith.constant 0 : i32
      %dma_wait3A_170 = arith.constant 0 : i32
      %dma_wait3A_171 = tpu.memref_slice %arg12[%select_n3A_107, %dma_wait3A_169, %dma_wait3A_170] : memref<2x1024x16xf32, #tpu.memory_space<vmem>> -> memref<1x1024x16xf32, #tpu.memory_space<vmem>>
      %dma_wait3A_172 = tpu.memref_squeeze %dma_wait3A_171 : memref<1x1024x16xf32, #tpu.memory_space<vmem>> -> memref<1024x16xf32, #tpu.memory_space<vmem>>
      %dma_wait3A_173 = arith.constant 0 : i32
      %dma_wait3A_174 = tpu.memref_slice %arg10[%select_n3A_107, %dma_wait3A_173] : memref<2x1024xi32, #tpu.memory_space<vmem>> -> memref<1x1024xi32, #tpu.memory_space<vmem>>
      %dma_wait3A_175 = tpu.memref_squeeze %dma_wait3A_174 : memref<1x1024xi32, #tpu.memory_space<vmem>> -> memref<1024xi32, #tpu.memory_space<vmem>>
      %dma_wait3A_176 = arith.constant 0 : i32
      %dma_wait3A_177 = arith.constant 0 : i32
      %dma_wait3A_178 = tpu.memref_slice %arg3[%dma_wait3A_176, %dma_wait3A_177] : memref<50000x16xf32, #tpu.memory_space<hbm>> -> memref<50000x16xf32, #tpu.memory_space<hbm>>
      %dma_wait3A_179 = tpu.memref_slice %arg14[%select_n3A_107] : memref<2x!tpu.dma_semaphore, #tpu.memory_space<semaphore_mem>> -> memref<1x!tpu.dma_semaphore, #tpu.memory_space<semaphore_mem>>
      %dma_wait3A_180 = tpu.memref_squeeze %dma_wait3A_179 : memref<1x!tpu.dma_semaphore, #tpu.memory_space<semaphore_mem>> -> memref<!tpu.dma_semaphore, #tpu.memory_space<semaphore_mem>>
      tpu.wait_indirect_dma semaphore(%dma_wait3A_180 : memref<!tpu.dma_semaphore, #tpu.memory_space<semaphore_mem>>) src(%dma_wait3A_178 : memref<50000x16xf32, #tpu.memory_space<hbm>>) dst(%dma_wait3A_172 : memref<1024x16xf32, #tpu.memory_space<vmem>>)
      %mul3A_181 = arith.constant 1024 : i32
      %mul3A_182 = arith.muli %add3A_98, %mul3A_181 : i32
      %add3A_183 = arith.addi %mul3A_2, %mul3A_182 : i32
      %dma_start3A_184 = arith.constant 0 : i32
      %dma_start3A_185 = arith.constant 0 : i32
      %dma_start3A_186 = tpu.memref_slice %arg12[%select_n3A_107, %dma_start3A_184, %dma_start3A_185] : memref<2x1024x16xf32, #tpu.memory_space<vmem>> -> memref<1x1024x16xf32, #tpu.memory_space<vmem>>
      %dma_start3A_187 = tpu.memref_squeeze %dma_start3A_186 : memref<1x1024x16xf32, #tpu.memory_space<vmem>> -> memref<1024x16xf32, #tpu.memory_space<vmem>>
      %dma_start3A_188 = arith.constant 0 : i32
      %dma_start3A_189 = tpu.memref_slice %arg7[%add3A_183, %dma_start3A_188] : memref<819200x16xf32, #tpu.memory_space<hbm>> -> memref<1024x16xf32, #tpu.memory_space<hbm>>
      %dma_start3A_190 = tpu.memref_slice %arg16[%select_n3A_107] : memref<2x!tpu.dma_semaphore, #tpu.memory_space<semaphore_mem>> -> memref<1x!tpu.dma_semaphore, #tpu.memory_space<semaphore_mem>>
      %dma_start3A_191 = tpu.memref_squeeze %dma_start3A_190 : memref<1x!tpu.dma_semaphore, #tpu.memory_space<semaphore_mem>> -> memref<!tpu.dma_semaphore, #tpu.memory_space<semaphore_mem>>
      %dma_start3A_192 = arith.constant 0 : i32
      %dma_start3A_193 = tpu.memref_slice %arg7[%add3A_183, %dma_start3A_192] : memref<819200x16xf32, #tpu.memory_space<hbm>> -> memref<1024x16xf32, #tpu.memory_space<hbm>>
      %dma_start3A_194 = arith.constant 0 : i32
      %dma_start3A_195 = arith.constant 0 : i32
      %dma_start3A_196 = tpu.memref_slice %arg12[%select_n3A_107, %dma_start3A_194, %dma_start3A_195] : memref<2x1024x16xf32, #tpu.memory_space<vmem>> -> memref<1x1024x16xf32, #tpu.memory_space<vmem>>
      %dma_start3A_197 = tpu.memref_squeeze %dma_start3A_196 : memref<1x1024x16xf32, #tpu.memory_space<vmem>> -> memref<1024x16xf32, #tpu.memory_space<vmem>>
      tpu.enqueue_dma source(%dma_start3A_197 : memref<1024x16xf32, #tpu.memory_space<vmem>>) target(%dma_start3A_193 : memref<1024x16xf32, #tpu.memory_space<hbm>>) target_semaphore(%dma_start3A_191 : memref<!tpu.dma_semaphore, #tpu.memory_space<semaphore_mem>>)
    }
    %scan3A_22 = arith.constant 25 : i32
    %add3A_23 = arith.constant 23552 : i32
    %add3A_24 = arith.addi %mul3A_2, %add3A_23 : i32
    %dma_wait3A = arith.constant 1 : i32
    %dma_wait3A_25 = arith.constant 1 : i32
    %dma_wait3A_26 = arith.constant 0 : i32
    %dma_wait3A_27 = arith.constant 0 : i32
    %dma_wait3A_28 = tpu.memref_slice %arg11[%dma_wait3A, %dma_wait3A_26, %dma_wait3A_27] : memref<2x1024x16xf32, #tpu.memory_space<vmem>> -> memref<1x1024x16xf32, #tpu.memory_space<vmem>>
    %dma_wait3A_29 = tpu.memref_squeeze %dma_wait3A_28 : memref<1x1024x16xf32, #tpu.memory_space<vmem>> -> memref<1024x16xf32, #tpu.memory_space<vmem>>
    %dma_wait3A_30 = arith.constant 0 : i32
    %dma_wait3A_31 = tpu.memref_slice %arg6[%add3A_24, %dma_wait3A_30] : memref<819200x16xf32, #tpu.memory_space<hbm>> -> memref<1024x16xf32, #tpu.memory_space<hbm>>
    %dma_wait3A_32 = tpu.memref_slice %arg15[%dma_wait3A_25] : memref<2x!tpu.dma_semaphore, #tpu.memory_space<semaphore_mem>> -> memref<1x!tpu.dma_semaphore, #tpu.memory_space<semaphore_mem>>
    %dma_wait3A_33 = tpu.memref_squeeze %dma_wait3A_32 : memref<1x!tpu.dma_semaphore, #tpu.memory_space<semaphore_mem>> -> memref<!tpu.dma_semaphore, #tpu.memory_space<semaphore_mem>>
    %dma_wait3A_34 = arith.constant 0 : i32
    %dma_wait3A_35 = tpu.memref_slice %arg6[%add3A_24, %dma_wait3A_34] : memref<819200x16xf32, #tpu.memory_space<hbm>> -> memref<1024x16xf32, #tpu.memory_space<hbm>>
    %dma_wait3A_36 = arith.constant 0 : i32
    %dma_wait3A_37 = arith.constant 0 : i32
    %dma_wait3A_38 = tpu.memref_slice %arg11[%dma_wait3A, %dma_wait3A_36, %dma_wait3A_37] : memref<2x1024x16xf32, #tpu.memory_space<vmem>> -> memref<1x1024x16xf32, #tpu.memory_space<vmem>>
    %dma_wait3A_39 = tpu.memref_squeeze %dma_wait3A_38 : memref<1x1024x16xf32, #tpu.memory_space<vmem>> -> memref<1024x16xf32, #tpu.memory_space<vmem>>
    tpu.wait_dma2 semaphore(%dma_wait3A_33 : memref<!tpu.dma_semaphore, #tpu.memory_space<semaphore_mem>>) src(%dma_wait3A_39 : memref<1024x16xf32, #tpu.memory_space<vmem>>) dst(%dma_wait3A_35 : memref<1024x16xf32, #tpu.memory_space<hbm>>)
    %add3A_40 = arith.constant 24576 : i32
    %add3A_41 = arith.addi %mul3A_2, %add3A_40 : i32
    %dma_wait3A_42 = arith.constant 0 : i32
    %dma_wait3A_43 = arith.constant 0 : i32
    %dma_wait3A_44 = arith.constant 0 : i32
    %dma_wait3A_45 = arith.constant 0 : i32
    %dma_wait3A_46 = tpu.memref_slice %arg11[%dma_wait3A_42, %dma_wait3A_44, %dma_wait3A_45] : memref<2x1024x16xf32, #tpu.memory_space<vmem>> -> memref<1x1024x16xf32, #tpu.memory_space<vmem>>
    %dma_wait3A_47 = tpu.memref_squeeze %dma_wait3A_46 : memref<1x1024x16xf32, #tpu.memory_space<vmem>> -> memref<1024x16xf32, #tpu.memory_space<vmem>>
    %dma_wait3A_48 = arith.constant 0 : i32
    %dma_wait3A_49 = tpu.memref_slice %arg6[%add3A_41, %dma_wait3A_48] : memref<819200x16xf32, #tpu.memory_space<hbm>> -> memref<1024x16xf32, #tpu.memory_space<hbm>>
    %dma_wait3A_50 = tpu.memref_slice %arg15[%dma_wait3A_43] : memref<2x!tpu.dma_semaphore, #tpu.memory_space<semaphore_mem>> -> memref<1x!tpu.dma_semaphore, #tpu.memory_space<semaphore_mem>>
    %dma_wait3A_51 = tpu.memref_squeeze %dma_wait3A_50 : memref<1x!tpu.dma_semaphore, #tpu.memory_space<semaphore_mem>> -> memref<!tpu.dma_semaphore, #tpu.memory_space<semaphore_mem>>
    %dma_wait3A_52 = arith.constant 0 : i32
    %dma_wait3A_53 = tpu.memref_slice %arg6[%add3A_41, %dma_wait3A_52] : memref<819200x16xf32, #tpu.memory_space<hbm>> -> memref<1024x16xf32, #tpu.memory_space<hbm>>
    %dma_wait3A_54 = arith.constant 0 : i32
    %dma_wait3A_55 = arith.constant 0 : i32
    %dma_wait3A_56 = tpu.memref_slice %arg11[%dma_wait3A_42, %dma_wait3A_54, %dma_wait3A_55] : memref<2x1024x16xf32, #tpu.memory_space<vmem>> -> memref<1x1024x16xf32, #tpu.memory_space<vmem>>
    %dma_wait3A_57 = tpu.memref_squeeze %dma_wait3A_56 : memref<1x1024x16xf32, #tpu.memory_space<vmem>> -> memref<1024x16xf32, #tpu.memory_space<vmem>>
    tpu.wait_dma2 semaphore(%dma_wait3A_51 : memref<!tpu.dma_semaphore, #tpu.memory_space<semaphore_mem>>) src(%dma_wait3A_57 : memref<1024x16xf32, #tpu.memory_space<vmem>>) dst(%dma_wait3A_53 : memref<1024x16xf32, #tpu.memory_space<hbm>>)
    %add3A_58 = arith.constant 23552 : i32
    %add3A_59 = arith.addi %mul3A_2, %add3A_58 : i32
    %dma_wait3A_60 = arith.constant 1 : i32
    %dma_wait3A_61 = arith.constant 1 : i32
    %dma_wait3A_62 = arith.constant 0 : i32
    %dma_wait3A_63 = arith.constant 0 : i32
    %dma_wait3A_64 = tpu.memref_slice %arg12[%dma_wait3A_60, %dma_wait3A_62, %dma_wait3A_63] : memref<2x1024x16xf32, #tpu.memory_space<vmem>> -> memref<1x1024x16xf32, #tpu.memory_space<vmem>>
    %dma_wait3A_65 = tpu.memref_squeeze %dma_wait3A_64 : memref<1x1024x16xf32, #tpu.memory_space<vmem>> -> memref<1024x16xf32, #tpu.memory_space<vmem>>
    %dma_wait3A_66 = arith.constant 0 : i32
    %dma_wait3A_67 = tpu.memref_slice %arg7[%add3A_59, %dma_wait3A_66] : memref<819200x16xf32, #tpu.memory_space<hbm>> -> memref<1024x16xf32, #tpu.memory_space<hbm>>
    %dma_wait3A_68 = tpu.memref_slice %arg16[%dma_wait3A_61] : memref<2x!tpu.dma_semaphore, #tpu.memory_space<semaphore_mem>> -> memref<1x!tpu.dma_semaphore, #tpu.memory_space<semaphore_mem>>
    %dma_wait3A_69 = tpu.memref_squeeze %dma_wait3A_68 : memref<1x!tpu.dma_semaphore, #tpu.memory_space<semaphore_mem>> -> memref<!tpu.dma_semaphore, #tpu.memory_space<semaphore_mem>>
    %dma_wait3A_70 = arith.constant 0 : i32
    %dma_wait3A_71 = tpu.memref_slice %arg7[%add3A_59, %dma_wait3A_70] : memref<819200x16xf32, #tpu.memory_space<hbm>> -> memref<1024x16xf32, #tpu.memory_space<hbm>>
    %dma_wait3A_72 = arith.constant 0 : i32
    %dma_wait3A_73 = arith.constant 0 : i32
    %dma_wait3A_74 = tpu.memref_slice %arg12[%dma_wait3A_60, %dma_wait3A_72, %dma_wait3A_73] : memref<2x1024x16xf32, #tpu.memory_space<vmem>> -> memref<1x1024x16xf32, #tpu.memory_space<vmem>>
    %dma_wait3A_75 = tpu.memref_squeeze %dma_wait3A_74 : memref<1x1024x16xf32, #tpu.memory_space<vmem>> -> memref<1024x16xf32, #tpu.memory_space<vmem>>
    tpu.wait_dma2 semaphore(%dma_wait3A_69 : memref<!tpu.dma_semaphore, #tpu.memory_space<semaphore_mem>>) src(%dma_wait3A_75 : memref<1024x16xf32, #tpu.memory_space<vmem>>) dst(%dma_wait3A_71 : memref<1024x16xf32, #tpu.memory_space<hbm>>)
    %add3A_76 = arith.constant 24576 : i32
    %add3A_77 = arith.addi %mul3A_2, %add3A_76 : i32
    %dma_wait3A_78 = arith.constant 0 : i32
    %dma_wait3A_79 = arith.constant 0 : i32
    %dma_wait3A_80 = arith.constant 0 : i32
    %dma_wait3A_81 = arith.constant 0 : i32
    %dma_wait3A_82 = tpu.memref_slice %arg12[%dma_wait3A_78, %dma_wait3A_80, %dma_wait3A_81] : memref<2x1024x16xf32, #tpu.memory_space<vmem>> -> memref<1x1024x16xf32, #tpu.memory_space<vmem>>
    %dma_wait3A_83 = tpu.memref_squeeze %dma_wait3A_82 : memref<1x1024x16xf32, #tpu.memory_space<vmem>> -> memref<1024x16xf32, #tpu.memory_space<vmem>>
    %dma_wait3A_84 = arith.constant 0 : i32
    %dma_wait3A_85 = tpu.memref_slice %arg7[%add3A_77, %dma_wait3A_84] : memref<819200x16xf32, #tpu.memory_space<hbm>> -> memref<1024x16xf32, #tpu.memory_space<hbm>>
    %dma_wait3A_86 = tpu.memref_slice %arg16[%dma_wait3A_79] : memref<2x!tpu.dma_semaphore, #tpu.memory_space<semaphore_mem>> -> memref<1x!tpu.dma_semaphore, #tpu.memory_space<semaphore_mem>>
    %dma_wait3A_87 = tpu.memref_squeeze %dma_wait3A_86 : memref<1x!tpu.dma_semaphore, #tpu.memory_space<semaphore_mem>> -> memref<!tpu.dma_semaphore, #tpu.memory_space<semaphore_mem>>
    %dma_wait3A_88 = arith.constant 0 : i32
    %dma_wait3A_89 = tpu.memref_slice %arg7[%add3A_77, %dma_wait3A_88] : memref<819200x16xf32, #tpu.memory_space<hbm>> -> memref<1024x16xf32, #tpu.memory_space<hbm>>
    %dma_wait3A_90 = arith.constant 0 : i32
    %dma_wait3A_91 = arith.constant 0 : i32
    %dma_wait3A_92 = tpu.memref_slice %arg12[%dma_wait3A_78, %dma_wait3A_90, %dma_wait3A_91] : memref<2x1024x16xf32, #tpu.memory_space<vmem>> -> memref<1x1024x16xf32, #tpu.memory_space<vmem>>
    %dma_wait3A_93 = tpu.memref_squeeze %dma_wait3A_92 : memref<1x1024x16xf32, #tpu.memory_space<vmem>> -> memref<1024x16xf32, #tpu.memory_space<vmem>>
    tpu.wait_dma2 semaphore(%dma_wait3A_87 : memref<!tpu.dma_semaphore, #tpu.memory_space<semaphore_mem>>) src(%dma_wait3A_93 : memref<1024x16xf32, #tpu.memory_space<vmem>>) dst(%dma_wait3A_89 : memref<1024x16xf32, #tpu.memory_space<hbm>>)
    return
  }
}

#map = affine_map<(d0, d1) -> (0)>
#map1 = affine_map<(d0, d1) -> (0, 0)>
module attributes {stable_mosaic.version = 14 : i64} {
  func.func @k(%arg0: i32, %arg1: i32, %arg2: memref<52428800xf32, #tpu.memory_space<hbm>>, %arg3: memref<50000x64xf32, #tpu.memory_space<hbm>>, %arg4: memref<819200xi32, #tpu.memory_space<hbm>>, %arg5: memref<50688xi32, #tpu.memory_space<hbm>>, %arg6: memref<3211264xf32, #tpu.memory_space<hbm>>, %arg7: memref<244xi32, #tpu.memory_space<vmem>>, %arg8: memref<2x24576xf32, #tpu.memory_space<vmem>>, %arg9: memref<2x400xi32, #tpu.memory_space<vmem>>, %arg10: memref<2x400x64xf32, #tpu.memory_space<vmem>>, %arg11: memref<12544xf32, #tpu.memory_space<vmem>>, %arg12: memref<2x!tpu.dma_semaphore, #tpu.memory_space<semaphore_mem>>, %arg13: memref<2x!tpu.dma_semaphore, #tpu.memory_space<semaphore_mem>>) attributes {dimension_semantics = [#tpu.dimension_semantics<core_parallel>, #tpu.dimension_semantics<subcore_parallel>], iteration_bounds = array<i64: 2, 16>, scalar_prefetch = 0 : i64, scratch_operands = 7 : i64, tpu.core_type = #tpu.core_type<sc_vector_subcore>, window_params = [{transform_indices = #map}, {transform_indices = #map1}, {transform_indices = #map}, {transform_indices = #map}, {transform_indices = #map}]} {
    %mul3A = arith.constant 2 : i32
    %mul3A_0 = arith.muli %arg1, %mul3A : i32
    %add3A = arith.addi %mul3A_0, %arg0 : i32
    %mul3A_1 = arith.constant 1568 : i32
    %mul3A_2 = arith.muli %add3A, %mul3A_1 : i32
    %broadcast_in_dim3A = arith.constant 0.000000e+00 : f32
    %broadcast_in_dim3A_3 = vector.broadcast %broadcast_in_dim3A : f32 to vector<16xf32>
    %scan3A = arith.constant 0 : i32
    %scan3A_4 = arith.constant 8 : i32
    %scan3A_5 = arith.addi %scan3A, %scan3A_4 : i32
    %scan3A_6 = arith.constant 1 : i32
    scf.for %scan3A_8 = %scan3A to %scan3A_5 step %scan3A_6  : i32 {
      %mul3A_9 = arith.constant 1 : i32
      %mul3A_10 = arith.muli %scan3A_8, %mul3A_9 : i32
      %add3A_11 = arith.constant 0 : i32
      %add3A_12 = arith.addi %add3A_11, %mul3A_10 : i32
      %mul3A_13 = arith.constant 196 : i32
      %mul3A_14 = arith.muli %add3A_12, %mul3A_13 : i32
      %add3A_15 = arith.addi %mul3A_2, %mul3A_14 : i32
      %jit3A = arith.constant 16 : i32
      %div3A = arith.divsi %add3A_15, %jit3A : i32
      %sign3A = arith.constant 0 : i32
      %sign3A_16 = arith.cmpi sgt, %add3A_15, %sign3A : i32
      %sign3A_17 = arith.extui %sign3A_16 : i1 to i32
      %sign3A_18 = arith.constant 0 : i32
      %sign3A_19 = arith.cmpi slt, %add3A_15, %sign3A_18 : i32
      %sign3A_20 = arith.extui %sign3A_19 : i1 to i32
      %sign3A_21 = arith.subi %sign3A_17, %sign3A_20 : i32
      %sign3A_22 = arith.constant 0 : i32
      %sign3A_23 = arith.cmpi sgt, %jit3A, %sign3A_22 : i32
      %sign3A_24 = arith.extui %sign3A_23 : i1 to i32
      %sign3A_25 = arith.constant 0 : i32
      %sign3A_26 = arith.cmpi slt, %jit3A, %sign3A_25 : i32
      %sign3A_27 = arith.extui %sign3A_26 : i1 to i32
      %sign3A_28 = arith.subi %sign3A_24, %sign3A_27 : i32
      %ne3A = arith.cmpi ne, %sign3A_21, %sign3A_28 : i32
      %rem3A = arith.remsi %add3A_15, %jit3A : i32
      %ne3A_29 = arith.constant 0 : i32
      %ne3A_30 = arith.cmpi ne, %rem3A, %ne3A_29 : i32
      %and3A = arith.andi %ne3A, %ne3A_30 : i1
      %sub3A = arith.constant 1 : i32
      %sub3A_31 = arith.subi %div3A, %sub3A : i32
      %select_n3A = arith.select %and3A, %sub3A_31, %div3A : i32
      %mul3A_32 = arith.constant 16 : i32
      %mul3A_33 = arith.muli %select_n3A, %mul3A_32 : i32
      %sub3A_34 = arith.subi %add3A_15, %mul3A_33 : i32
      "tpu.region"() ({
        %run_scoped3A_138 = tpu.sem_alloc : memref<!tpu.dma_semaphore, #tpu.memory_space<semaphore_mem>>
        %dma_start3A_139 = tpu.memref_slice %arg5[%mul3A_33] : memref<50688xi32, #tpu.memory_space<hbm>> -> memref<244xi32, #tpu.memory_space<hbm>>
        %dma_start3A_140 = tpu.memref_slice %arg5[%mul3A_33] : memref<50688xi32, #tpu.memory_space<hbm>> -> memref<244xi32, #tpu.memory_space<hbm>>
        tpu.enqueue_dma source(%dma_start3A_140 : memref<244xi32, #tpu.memory_space<hbm>>) target(%arg7 : memref<244xi32, #tpu.memory_space<vmem>>) target_semaphore(%run_scoped3A_138 : memref<!tpu.dma_semaphore, #tpu.memory_space<semaphore_mem>>)
        %dma_wait3A = tpu.memref_slice %arg5[%mul3A_33] : memref<50688xi32, #tpu.memory_space<hbm>> -> memref<244xi32, #tpu.memory_space<hbm>>
        %dma_wait3A_141 = tpu.memref_slice %arg5[%mul3A_33] : memref<50688xi32, #tpu.memory_space<hbm>> -> memref<244xi32, #tpu.memory_space<hbm>>
        tpu.wait_dma2 semaphore(%run_scoped3A_138 : memref<!tpu.dma_semaphore, #tpu.memory_space<semaphore_mem>>) src(%dma_wait3A_141 : memref<244xi32, #tpu.memory_space<hbm>>) dst(%arg7 : memref<244xi32, #tpu.memory_space<vmem>>)
        tpu.yield
      }) : () -> ()
      %get3A = arith.index_cast %sub3A_34 : i32 to index
      %get3A_35 = tpu.vector_load %arg7[%get3A] {strides = array<i32>} : memref<244xi32, #tpu.memory_space<vmem>>, vector<16xi32>,
      %slice3A = vector.extract_strided_slice %get3A_35 {offsets = [0], sizes = [1], strides = [1]} : vector<16xi32> to vector<1xi32>
      %squeeze3A = vector.extract %slice3A[0] : i32 from vector<1xi32>
      %add3A_36 = arith.constant 196 : i32
      %add3A_37 = arith.addi %sub3A_34, %add3A_36 : i32
      %get3A_38 = arith.index_cast %add3A_37 : i32 to index
      %get3A_39 = tpu.vector_load %arg7[%get3A_38] {strides = array<i32>} : memref<244xi32, #tpu.memory_space<vmem>>, vector<16xi32>,
      %slice3A_40 = vector.extract_strided_slice %get3A_39 {offsets = [0], sizes = [1], strides = [1]} : vector<16xi32> to vector<1xi32>
      %squeeze3A_41 = vector.extract %slice3A_40[0] : i32 from vector<1xi32>
      %sub3A_42 = arith.subi %squeeze3A_41, %squeeze3A : i32
      %add3A_43 = arith.constant 384 : i32
      %add3A_44 = arith.addi %sub3A_42, %add3A_43 : i32
      %sub3A_45 = arith.constant 1 : i32
      %sub3A_46 = arith.subi %add3A_44, %sub3A_45 : i32
      %jit3A_47 = arith.constant 384 : i32
      %div3A_48 = arith.divsi %sub3A_46, %jit3A_47 : i32
      %sign3A_49 = arith.constant 0 : i32
      %sign3A_50 = arith.cmpi sgt, %sub3A_46, %sign3A_49 : i32
      %sign3A_51 = arith.extui %sign3A_50 : i1 to i32
      %sign3A_52 = arith.constant 0 : i32
      %sign3A_53 = arith.cmpi slt, %sub3A_46, %sign3A_52 : i32
      %sign3A_54 = arith.extui %sign3A_53 : i1 to i32
      %sign3A_55 = arith.subi %sign3A_51, %sign3A_54 : i32
      %sign3A_56 = arith.constant 0 : i32
      %sign3A_57 = arith.cmpi sgt, %jit3A_47, %sign3A_56 : i32
      %sign3A_58 = arith.extui %sign3A_57 : i1 to i32
      %sign3A_59 = arith.constant 0 : i32
      %sign3A_60 = arith.cmpi slt, %jit3A_47, %sign3A_59 : i32
      %sign3A_61 = arith.extui %sign3A_60 : i1 to i32
      %sign3A_62 = arith.subi %sign3A_58, %sign3A_61 : i32
      %ne3A_63 = arith.cmpi ne, %sign3A_55, %sign3A_62 : i32
      %rem3A_64 = arith.remsi %sub3A_46, %jit3A_47 : i32
      %ne3A_65 = arith.constant 0 : i32
      %ne3A_66 = arith.cmpi ne, %rem3A_64, %ne3A_65 : i32
      %and3A_67 = arith.andi %ne3A_63, %ne3A_66 : i1
      %sub3A_68 = arith.constant 1 : i32
      %sub3A_69 = arith.subi %div3A_48, %sub3A_68 : i32
      %select_n3A_70 = arith.select %and3A_67, %sub3A_69, %div3A_48 : i32
      %max3A = arith.constant 1 : i32
      %max3A_71 = arith.maxsi %select_n3A_70, %max3A : i32
      %jit3A_72 = arith.constant 16 : i32
      %div3A_73 = arith.divsi %squeeze3A, %jit3A_72 : i32
      %sign3A_74 = arith.constant 0 : i32
      %sign3A_75 = arith.cmpi sgt, %squeeze3A, %sign3A_74 : i32
      %sign3A_76 = arith.extui %sign3A_75 : i1 to i32
      %sign3A_77 = arith.constant 0 : i32
      %sign3A_78 = arith.cmpi slt, %squeeze3A, %sign3A_77 : i32
      %sign3A_79 = arith.extui %sign3A_78 : i1 to i32
      %sign3A_80 = arith.subi %sign3A_76, %sign3A_79 : i32
      %sign3A_81 = arith.constant 0 : i32
      %sign3A_82 = arith.cmpi sgt, %jit3A_72, %sign3A_81 : i32
      %sign3A_83 = arith.extui %sign3A_82 : i1 to i32
      %sign3A_84 = arith.constant 0 : i32
      %sign3A_85 = arith.cmpi slt, %jit3A_72, %sign3A_84 : i32
      %sign3A_86 = arith.extui %sign3A_85 : i1 to i32
      %sign3A_87 = arith.subi %sign3A_83, %sign3A_86 : i32
      %ne3A_88 = arith.cmpi ne, %sign3A_80, %sign3A_87 : i32
      %rem3A_89 = arith.remsi %squeeze3A, %jit3A_72 : i32
      %ne3A_90 = arith.constant 0 : i32
      %ne3A_91 = arith.cmpi ne, %rem3A_89, %ne3A_90 : i32
      %and3A_92 = arith.andi %ne3A_88, %ne3A_91 : i1
      %sub3A_93 = arith.constant 1 : i32
      %sub3A_94 = arith.subi %div3A_73, %sub3A_93 : i32
      %select_n3A_95 = arith.select %and3A_92, %sub3A_94, %div3A_73 : i32
      %mul3A_96 = arith.constant 16 : i32
      %mul3A_97 = arith.muli %select_n3A_95, %mul3A_96 : i32
      %run_scoped3A = arith.constant 0 : i32
      "tpu.region"() ({
        %run_scoped3A_138 = tpu.sem_alloc : memref<!tpu.dma_semaphore, #tpu.memory_space<semaphore_mem>>
        %dma_start3A_139 = arith.constant 0 : i32
        %dma_start3A_140 = tpu.memref_slice %arg9[%run_scoped3A, %dma_start3A_139] : memref<2x400xi32, #tpu.memory_space<vmem>> -> memref<1x400xi32, #tpu.memory_space<vmem>>
        %dma_start3A_141 = tpu.memref_squeeze %dma_start3A_140 : memref<1x400xi32, #tpu.memory_space<vmem>> -> memref<400xi32, #tpu.memory_space<vmem>>
        %dma_start3A_142 = tpu.memref_slice %arg4[%mul3A_97] : memref<819200xi32, #tpu.memory_space<hbm>> -> memref<400xi32, #tpu.memory_space<hbm>>
        %dma_start3A_143 = arith.constant 0 : i32
        %dma_start3A_144 = tpu.memref_slice %arg9[%run_scoped3A, %dma_start3A_143] : memref<2x400xi32, #tpu.memory_space<vmem>> -> memref<1x400xi32, #tpu.memory_space<vmem>>
        %dma_start3A_145 = tpu.memref_squeeze %dma_start3A_144 : memref<1x400xi32, #tpu.memory_space<vmem>> -> memref<400xi32, #tpu.memory_space<vmem>>
        %dma_start3A_146 = tpu.memref_slice %arg4[%mul3A_97] : memref<819200xi32, #tpu.memory_space<hbm>> -> memref<400xi32, #tpu.memory_space<hbm>>
        tpu.enqueue_dma source(%dma_start3A_146 : memref<400xi32, #tpu.memory_space<hbm>>) target(%dma_start3A_145 : memref<400xi32, #tpu.memory_space<vmem>>) target_semaphore(%run_scoped3A_138 : memref<!tpu.dma_semaphore, #tpu.memory_space<semaphore_mem>>)
        %dma_wait3A = arith.constant 0 : i32
        %dma_wait3A_147 = tpu.memref_slice %arg9[%run_scoped3A, %dma_wait3A] : memref<2x400xi32, #tpu.memory_space<vmem>> -> memref<1x400xi32, #tpu.memory_space<vmem>>
        %dma_wait3A_148 = tpu.memref_squeeze %dma_wait3A_147 : memref<1x400xi32, #tpu.memory_space<vmem>> -> memref<400xi32, #tpu.memory_space<vmem>>
        %dma_wait3A_149 = tpu.memref_slice %arg4[%mul3A_97] : memref<819200xi32, #tpu.memory_space<hbm>> -> memref<400xi32, #tpu.memory_space<hbm>>
        %dma_wait3A_150 = arith.constant 0 : i32
        %dma_wait3A_151 = tpu.memref_slice %arg9[%run_scoped3A, %dma_wait3A_150] : memref<2x400xi32, #tpu.memory_space<vmem>> -> memref<1x400xi32, #tpu.memory_space<vmem>>
        %dma_wait3A_152 = tpu.memref_squeeze %dma_wait3A_151 : memref<1x400xi32, #tpu.memory_space<vmem>> -> memref<400xi32, #tpu.memory_space<vmem>>
        %dma_wait3A_153 = tpu.memref_slice %arg4[%mul3A_97] : memref<819200xi32, #tpu.memory_space<hbm>> -> memref<400xi32, #tpu.memory_space<hbm>>
        tpu.wait_dma2 semaphore(%run_scoped3A_138 : memref<!tpu.dma_semaphore, #tpu.memory_space<semaphore_mem>>) src(%dma_wait3A_153 : memref<400xi32, #tpu.memory_space<hbm>>) dst(%dma_wait3A_152 : memref<400xi32, #tpu.memory_space<vmem>>)
        tpu.yield
      }) : () -> ()
      %dma_start3A = arith.constant 0 : i32
      %dma_start3A_98 = arith.constant 0 : i32
      %dma_start3A_99 = arith.constant 0 : i32
      %dma_start3A_100 = arith.constant 0 : i32
      %dma_start3A_101 = arith.constant 0 : i32
      %dma_start3A_102 = tpu.memref_slice %arg10[%dma_start3A_98, %dma_start3A_100, %dma_start3A_101] : memref<2x400x64xf32, #tpu.memory_space<vmem>> -> memref<1x400x64xf32, #tpu.memory_space<vmem>>
      %dma_start3A_103 = tpu.memref_squeeze %dma_start3A_102 : memref<1x400x64xf32, #tpu.memory_space<vmem>> -> memref<400x64xf32, #tpu.memory_space<vmem>>
      %dma_start3A_104 = arith.constant 0 : i32
      %dma_start3A_105 = tpu.memref_slice %arg9[%dma_start3A, %dma_start3A_104] : memref<2x400xi32, #tpu.memory_space<vmem>> -> memref<1x400xi32, #tpu.memory_space<vmem>>
      %dma_start3A_106 = tpu.memref_squeeze %dma_start3A_105 : memref<1x400xi32, #tpu.memory_space<vmem>> -> memref<400xi32, #tpu.memory_space<vmem>>
      %dma_start3A_107 = arith.constant 0 : i32
      %dma_start3A_108 = arith.constant 0 : i32
      %dma_start3A_109 = tpu.memref_slice %arg3[%dma_start3A_107, %dma_start3A_108] : memref<50000x64xf32, #tpu.memory_space<hbm>> -> memref<50000x64xf32, #tpu.memory_space<hbm>>
      %dma_start3A_110 = tpu.memref_slice %arg12[%dma_start3A_99] : memref<2x!tpu.dma_semaphore, #tpu.memory_space<semaphore_mem>> -> memref<1x!tpu.dma_semaphore, #tpu.memory_space<semaphore_mem>>
      %dma_start3A_111 = tpu.memref_squeeze %dma_start3A_110 : memref<1x!tpu.dma_semaphore, #tpu.memory_space<semaphore_mem>> -> memref<!tpu.dma_semaphore, #tpu.memory_space<semaphore_mem>>
      tpu.enqueue_indirect_dma source(%dma_start3A_109 : memref<50000x64xf32, #tpu.memory_space<hbm>>) target(%dma_start3A_103 : memref<400x64xf32, #tpu.memory_space<vmem>>) offsets(%dma_start3A_106 : memref<400xi32, #tpu.memory_space<vmem>>) semaphore(%dma_start3A_111 : memref<!tpu.dma_semaphore, #tpu.memory_space<semaphore_mem>>)
      %mul3A_112 = arith.constant 64 : i32
      %mul3A_113 = arith.muli %squeeze3A, %mul3A_112 : i32
      %dma_start3A_114 = arith.constant 0 : i32
      %dma_start3A_115 = arith.constant 0 : i32
      %dma_start3A_116 = arith.constant 0 : i32
      %dma_start3A_117 = tpu.memref_slice %arg8[%dma_start3A_114, %dma_start3A_116] : memref<2x24576xf32, #tpu.memory_space<vmem>> -> memref<1x24576xf32, #tpu.memory_space<vmem>>
      %dma_start3A_118 = tpu.memref_squeeze %dma_start3A_117 : memref<1x24576xf32, #tpu.memory_space<vmem>> -> memref<24576xf32, #tpu.memory_space<vmem>>
      %dma_start3A_119 = tpu.memref_slice %arg2[%mul3A_113] : memref<52428800xf32, #tpu.memory_space<hbm>> -> memref<24576xf32, #tpu.memory_space<hbm>>
      %dma_start3A_120 = tpu.memref_slice %arg13[%dma_start3A_115] : memref<2x!tpu.dma_semaphore, #tpu.memory_space<semaphore_mem>> -> memref<1x!tpu.dma_semaphore, #tpu.memory_space<semaphore_mem>>
      %dma_start3A_121 = tpu.memref_squeeze %dma_start3A_120 : memref<1x!tpu.dma_semaphore, #tpu.memory_space<semaphore_mem>> -> memref<!tpu.dma_semaphore, #tpu.memory_space<semaphore_mem>>
      %dma_start3A_122 = arith.constant 0 : i32
      %dma_start3A_123 = tpu.memref_slice %arg8[%dma_start3A_114, %dma_start3A_122] : memref<2x24576xf32, #tpu.memory_space<vmem>> -> memref<1x24576xf32, #tpu.memory_space<vmem>>
      %dma_start3A_124 = tpu.memref_squeeze %dma_start3A_123 : memref<1x24576xf32, #tpu.memory_space<vmem>> -> memref<24576xf32, #tpu.memory_space<vmem>>
      %dma_start3A_125 = tpu.memref_slice %arg2[%mul3A_113] : memref<52428800xf32, #tpu.memory_space<hbm>> -> memref<24576xf32, #tpu.memory_space<hbm>>
      tpu.enqueue_dma source(%dma_start3A_125 : memref<24576xf32, #tpu.memory_space<hbm>>) target(%dma_start3A_124 : memref<24576xf32, #tpu.memory_space<vmem>>) target_semaphore(%dma_start3A_121 : memref<!tpu.dma_semaphore, #tpu.memory_space<semaphore_mem>>)
      %while3A = arith.constant 0 : i32
      %while3A_126 = arith.subi %max3A_71, %while3A : i32
      %while3A_127 = arith.addi %while3A, %while3A_126 : i32
      %while3A_128 = arith.constant 1 : i32
      %while3A_129 = arith.divsi %while3A_126, %while3A_128 : i32
      %while3A_130 = arith.muli %while3A_129, %while3A_128 : i32
      %while3A_131 = arith.addi %while3A, %while3A_130 : i32
      %while3A_132 = arith.constant 1 : i32
      %while3A_133:5 = scf.for %while3A_138 = %while3A to %while3A_131 step %while3A_132 iter_args(%while3A_139 = %add3A_15, %while3A_140 = %broadcast_in_dim3A_3, %while3A_141 = %broadcast_in_dim3A_3, %while3A_142 = %broadcast_in_dim3A_3, %while3A_143 = %broadcast_in_dim3A_3) -> (i32, vector<16xf32>, vector<16xf32>, vector<16xf32>, vector<16xf32>)  : i32 {
        %jit3A_144 = arith.constant 2 : i32
        %eq3A = arith.constant 0 : i32
        %eq3A_145 = arith.cmpi eq, %jit3A_144, %eq3A : i32
        %jit3A_146 = arith.constant 1 : i32
        %select_n3A_147 = arith.select %eq3A_145, %jit3A_146, %jit3A_144 : i32
        %rem3A_148 = arith.remsi %while3A_138, %select_n3A_147 : i32
        %ne3A_149 = arith.constant 0 : i32
        %ne3A_150 = arith.cmpi ne, %rem3A_148, %ne3A_149 : i32
        %lt3A = arith.constant 0 : i32
        %lt3A_151 = arith.cmpi slt, %rem3A_148, %lt3A : i32
        %lt3A_152 = arith.constant 0 : i32
        %lt3A_153 = arith.cmpi slt, %select_n3A_147, %lt3A_152 : i32
        %ne3A_154 = arith.xori %lt3A_151, %lt3A_153 : i1
        %and3A_155 = arith.andi %ne3A_154, %ne3A_150 : i1
        %add3A_156 = arith.addi %rem3A_148, %select_n3A_147 : i32
        %select_n3A_157 = arith.select %and3A_155, %add3A_156, %rem3A_148 : i32
        %mul3A_158 = arith.constant 384 : i32
        %mul3A_159 = arith.muli %while3A_138, %mul3A_158 : i32
        %add3A_160 = arith.addi %squeeze3A, %mul3A_159 : i32
        %add3A_161 = arith.constant 384 : i32
        %add3A_162 = arith.addi %add3A_160, %add3A_161 : i32
        %min3A = arith.minsi %add3A_162, %squeeze3A_41 : i32
        %jit3A_163 = arith.constant 16 : i32
        %div3A_164 = arith.divsi %add3A_160, %jit3A_163 : i32
        %sign3A_165 = arith.constant 0 : i32
        %sign3A_166 = arith.cmpi sgt, %add3A_160, %sign3A_165 : i32
        %sign3A_167 = arith.extui %sign3A_166 : i1 to i32
        %sign3A_168 = arith.constant 0 : i32
        %sign3A_169 = arith.cmpi slt, %add3A_160, %sign3A_168 : i32
        %sign3A_170 = arith.extui %sign3A_169 : i1 to i32
        %sign3A_171 = arith.subi %sign3A_167, %sign3A_170 : i32
        %sign3A_172 = arith.constant 0 : i32
        %sign3A_173 = arith.cmpi sgt, %jit3A_163, %sign3A_172 : i32
        %sign3A_174 = arith.extui %sign3A_173 : i1 to i32
        %sign3A_175 = arith.constant 0 : i32
        %sign3A_176 = arith.cmpi slt, %jit3A_163, %sign3A_175 : i32
        %sign3A_177 = arith.extui %sign3A_176 : i1 to i32
        %sign3A_178 = arith.subi %sign3A_174, %sign3A_177 : i32
        %ne3A_179 = arith.cmpi ne, %sign3A_171, %sign3A_178 : i32
        %rem3A_180 = arith.remsi %add3A_160, %jit3A_163 : i32
        %ne3A_181 = arith.constant 0 : i32
        %ne3A_182 = arith.cmpi ne, %rem3A_180, %ne3A_181 : i32
        %and3A_183 = arith.andi %ne3A_179, %ne3A_182 : i1
        %sub3A_184 = arith.constant 1 : i32
        %sub3A_185 = arith.subi %div3A_164, %sub3A_184 : i32
        %select_n3A_186 = arith.select %and3A_183, %sub3A_185, %div3A_164 : i32
        %mul3A_187 = arith.constant 16 : i32
        %mul3A_188 = arith.muli %select_n3A_186, %mul3A_187 : i32
        %add3A_189 = arith.constant 1 : i32
        %add3A_190 = arith.addi %while3A_138, %add3A_189 : i32
        %lt3A_191 = arith.cmpi slt, %add3A_190, %max3A_71 : i32
        %convert_element_type3A = arith.extui %lt3A_191 : i1 to i32
        %cond3A = arith.constant 0 : i32
        %cond3A_192 = arith.cmpi ne, %convert_element_type3A, %cond3A : i32
        scf.if %cond3A_192 {
          %add3A_234 = arith.constant 384 : i32
          %add3A_235 = arith.addi %add3A_160, %add3A_234 : i32
          %sub3A_236 = arith.constant 1 : i32
          %sub3A_237 = arith.subi %sub3A_236, %select_n3A_157 : i32
          %jit3A_238 = arith.constant 16 : i32
          %div3A_239 = arith.divsi %add3A_235, %jit3A_238 : i32
          %sign3A_240 = arith.constant 0 : i32
          %sign3A_241 = arith.cmpi sgt, %add3A_235, %sign3A_240 : i32
          %sign3A_242 = arith.extui %sign3A_241 : i1 to i32
          %sign3A_243 = arith.constant 0 : i32
          %sign3A_244 = arith.cmpi slt, %add3A_235, %sign3A_243 : i32
          %sign3A_245 = arith.extui %sign3A_244 : i1 to i32
          %sign3A_246 = arith.subi %sign3A_242, %sign3A_245 : i32
          %sign3A_247 = arith.constant 0 : i32
          %sign3A_248 = arith.cmpi sgt, %jit3A_238, %sign3A_247 : i32
          %sign3A_249 = arith.extui %sign3A_248 : i1 to i32
          %sign3A_250 = arith.constant 0 : i32
          %sign3A_251 = arith.cmpi slt, %jit3A_238, %sign3A_250 : i32
          %sign3A_252 = arith.extui %sign3A_251 : i1 to i32
          %sign3A_253 = arith.subi %sign3A_249, %sign3A_252 : i32
          %ne3A_254 = arith.cmpi ne, %sign3A_246, %sign3A_253 : i32
          %rem3A_255 = arith.remsi %add3A_235, %jit3A_238 : i32
          %ne3A_256 = arith.constant 0 : i32
          %ne3A_257 = arith.cmpi ne, %rem3A_255, %ne3A_256 : i32
          %and3A_258 = arith.andi %ne3A_254, %ne3A_257 : i1
          %sub3A_259 = arith.constant 1 : i32
          %sub3A_260 = arith.subi %div3A_239, %sub3A_259 : i32
          %select_n3A_261 = arith.select %and3A_258, %sub3A_260, %div3A_239 : i32
          %mul3A_262 = arith.constant 16 : i32
          %mul3A_263 = arith.muli %select_n3A_261, %mul3A_262 : i32
          "tpu.region"() ({
            %run_scoped3A_288 = tpu.sem_alloc : memref<!tpu.dma_semaphore, #tpu.memory_space<semaphore_mem>>
            %dma_start3A_289 = arith.constant 0 : i32
            %dma_start3A_290 = tpu.memref_slice %arg9[%sub3A_237, %dma_start3A_289] : memref<2x400xi32, #tpu.memory_space<vmem>> -> memref<1x400xi32, #tpu.memory_space<vmem>>
            %dma_start3A_291 = tpu.memref_squeeze %dma_start3A_290 : memref<1x400xi32, #tpu.memory_space<vmem>> -> memref<400xi32, #tpu.memory_space<vmem>>
            %dma_start3A_292 = tpu.memref_slice %arg4[%mul3A_263] : memref<819200xi32, #tpu.memory_space<hbm>> -> memref<400xi32, #tpu.memory_space<hbm>>
            %dma_start3A_293 = arith.constant 0 : i32
            %dma_start3A_294 = tpu.memref_slice %arg9[%sub3A_237, %dma_start3A_293] : memref<2x400xi32, #tpu.memory_space<vmem>> -> memref<1x400xi32, #tpu.memory_space<vmem>>
            %dma_start3A_295 = tpu.memref_squeeze %dma_start3A_294 : memref<1x400xi32, #tpu.memory_space<vmem>> -> memref<400xi32, #tpu.memory_space<vmem>>
            %dma_start3A_296 = tpu.memref_slice %arg4[%mul3A_263] : memref<819200xi32, #tpu.memory_space<hbm>> -> memref<400xi32, #tpu.memory_space<hbm>>
            tpu.enqueue_dma source(%dma_start3A_296 : memref<400xi32, #tpu.memory_space<hbm>>) target(%dma_start3A_295 : memref<400xi32, #tpu.memory_space<vmem>>) target_semaphore(%run_scoped3A_288 : memref<!tpu.dma_semaphore, #tpu.memory_space<semaphore_mem>>)
            %dma_wait3A_297 = arith.constant 0 : i32
            %dma_wait3A_298 = tpu.memref_slice %arg9[%sub3A_237, %dma_wait3A_297] : memref<2x400xi32, #tpu.memory_space<vmem>> -> memref<1x400xi32, #tpu.memory_space<vmem>>
            %dma_wait3A_299 = tpu.memref_squeeze %dma_wait3A_298 : memref<1x400xi32, #tpu.memory_space<vmem>> -> memref<400xi32, #tpu.memory_space<vmem>>
            %dma_wait3A_300 = tpu.memref_slice %arg4[%mul3A_263] : memref<819200xi32, #tpu.memory_space<hbm>> -> memref<400xi32, #tpu.memory_space<hbm>>
            %dma_wait3A_301 = arith.constant 0 : i32
            %dma_wait3A_302 = tpu.memref_slice %arg9[%sub3A_237, %dma_wait3A_301] : memref<2x400xi32, #tpu.memory_space<vmem>> -> memref<1x400xi32, #tpu.memory_space<vmem>>
            %dma_wait3A_303 = tpu.memref_squeeze %dma_wait3A_302 : memref<1x400xi32, #tpu.memory_space<vmem>> -> memref<400xi32, #tpu.memory_space<vmem>>
            %dma_wait3A_304 = tpu.memref_slice %arg4[%mul3A_263] : memref<819200xi32, #tpu.memory_space<hbm>> -> memref<400xi32, #tpu.memory_space<hbm>>
            tpu.wait_dma2 semaphore(%run_scoped3A_288 : memref<!tpu.dma_semaphore, #tpu.memory_space<semaphore_mem>>) src(%dma_wait3A_304 : memref<400xi32, #tpu.memory_space<hbm>>) dst(%dma_wait3A_303 : memref<400xi32, #tpu.memory_space<vmem>>)
            tpu.yield
          }) : () -> ()
          %dma_start3A_264 = arith.constant 0 : i32
          %dma_start3A_265 = arith.constant 0 : i32
          %dma_start3A_266 = tpu.memref_slice %arg10[%sub3A_237, %dma_start3A_264, %dma_start3A_265] : memref<2x400x64xf32, #tpu.memory_space<vmem>> -> memref<1x400x64xf32, #tpu.memory_space<vmem>>
          %dma_start3A_267 = tpu.memref_squeeze %dma_start3A_266 : memref<1x400x64xf32, #tpu.memory_space<vmem>> -> memref<400x64xf32, #tpu.memory_space<vmem>>
          %dma_start3A_268 = arith.constant 0 : i32
          %dma_start3A_269 = tpu.memref_slice %arg9[%sub3A_237, %dma_start3A_268] : memref<2x400xi32, #tpu.memory_space<vmem>> -> memref<1x400xi32, #tpu.memory_space<vmem>>
          %dma_start3A_270 = tpu.memref_squeeze %dma_start3A_269 : memref<1x400xi32, #tpu.memory_space<vmem>> -> memref<400xi32, #tpu.memory_space<vmem>>
          %dma_start3A_271 = arith.constant 0 : i32
          %dma_start3A_272 = arith.constant 0 : i32
          %dma_start3A_273 = tpu.memref_slice %arg3[%dma_start3A_271, %dma_start3A_272] : memref<50000x64xf32, #tpu.memory_space<hbm>> -> memref<50000x64xf32, #tpu.memory_space<hbm>>
          %dma_start3A_274 = tpu.memref_slice %arg12[%sub3A_237] : memref<2x!tpu.dma_semaphore, #tpu.memory_space<semaphore_mem>> -> memref<1x!tpu.dma_semaphore, #tpu.memory_space<semaphore_mem>>
          %dma_start3A_275 = tpu.memref_squeeze %dma_start3A_274 : memref<1x!tpu.dma_semaphore, #tpu.memory_space<semaphore_mem>> -> memref<!tpu.dma_semaphore, #tpu.memory_space<semaphore_mem>>
          tpu.enqueue_indirect_dma source(%dma_start3A_273 : memref<50000x64xf32, #tpu.memory_space<hbm>>) target(%dma_start3A_267 : memref<400x64xf32, #tpu.memory_space<vmem>>) offsets(%dma_start3A_270 : memref<400xi32, #tpu.memory_space<vmem>>) semaphore(%dma_start3A_275 : memref<!tpu.dma_semaphore, #tpu.memory_space<semaphore_mem>>)
          %mul3A_276 = arith.constant 64 : i32
          %mul3A_277 = arith.muli %add3A_235, %mul3A_276 : i32
          %dma_start3A_278 = arith.constant 0 : i32
          %dma_start3A_279 = tpu.memref_slice %arg8[%sub3A_237, %dma_start3A_278] : memref<2x24576xf32, #tpu.memory_space<vmem>> -> memref<1x24576xf32, #tpu.memory_space<vmem>>
          %dma_start3A_280 = tpu.memref_squeeze %dma_start3A_279 : memref<1x24576xf32, #tpu.memory_space<vmem>> -> memref<24576xf32, #tpu.memory_space<vmem>>
          %dma_start3A_281 = tpu.memref_slice %arg2[%mul3A_277] : memref<52428800xf32, #tpu.memory_space<hbm>> -> memref<24576xf32, #tpu.memory_space<hbm>>
          %dma_start3A_282 = tpu.memref_slice %arg13[%sub3A_237] : memref<2x!tpu.dma_semaphore, #tpu.memory_space<semaphore_mem>> -> memref<1x!tpu.dma_semaphore, #tpu.memory_space<semaphore_mem>>
          %dma_start3A_283 = tpu.memref_squeeze %dma_start3A_282 : memref<1x!tpu.dma_semaphore, #tpu.memory_space<semaphore_mem>> -> memref<!tpu.dma_semaphore, #tpu.memory_space<semaphore_mem>>
          %dma_start3A_284 = arith.constant 0 : i32
          %dma_start3A_285 = tpu.memref_slice %arg8[%sub3A_237, %dma_start3A_284] : memref<2x24576xf32, #tpu.memory_space<vmem>> -> memref<1x24576xf32, #tpu.memory_space<vmem>>
          %dma_start3A_286 = tpu.memref_squeeze %dma_start3A_285 : memref<1x24576xf32, #tpu.memory_space<vmem>> -> memref<24576xf32, #tpu.memory_space<vmem>>
          %dma_start3A_287 = tpu.memref_slice %arg2[%mul3A_277] : memref<52428800xf32, #tpu.memory_space<hbm>> -> memref<24576xf32, #tpu.memory_space<hbm>>
          tpu.enqueue_dma source(%dma_start3A_287 : memref<24576xf32, #tpu.memory_space<hbm>>) target(%dma_start3A_286 : memref<24576xf32, #tpu.memory_space<vmem>>) target_semaphore(%dma_start3A_283 : memref<!tpu.dma_semaphore, #tpu.memory_space<semaphore_mem>>)
        } else {
        }
        %dma_wait3A = arith.constant 0 : i32
        %dma_wait3A_193 = arith.constant 0 : i32
        %dma_wait3A_194 = tpu.memref_slice %arg10[%select_n3A_157, %dma_wait3A, %dma_wait3A_193] : memref<2x400x64xf32, #tpu.memory_space<vmem>> -> memref<1x400x64xf32, #tpu.memory_space<vmem>>
        %dma_wait3A_195 = tpu.memref_squeeze %dma_wait3A_194 : memref<1x400x64xf32, #tpu.memory_space<vmem>> -> memref<400x64xf32, #tpu.memory_space<vmem>>
        %dma_wait3A_196 = arith.constant 0 : i32
        %dma_wait3A_197 = tpu.memref_slice %arg9[%select_n3A_157, %dma_wait3A_196] : memref<2x400xi32, #tpu.memory_space<vmem>> -> memref<1x400xi32, #tpu.memory_space<vmem>>
        %dma_wait3A_198 = tpu.memref_squeeze %dma_wait3A_197 : memref<1x400xi32, #tpu.memory_space<vmem>> -> memref<400xi32, #tpu.memory_space<vmem>>
        %dma_wait3A_199 = arith.constant 0 : i32
        %dma_wait3A_200 = arith.constant 0 : i32
        %dma_wait3A_201 = tpu.memref_slice %arg3[%dma_wait3A_199, %dma_wait3A_200] : memref<50000x64xf32, #tpu.memory_space<hbm>> -> memref<50000x64xf32, #tpu.memory_space<hbm>>
        %dma_wait3A_202 = tpu.memref_slice %arg12[%select_n3A_157] : memref<2x!tpu.dma_semaphore, #tpu.memory_space<semaphore_mem>> -> memref<1x!tpu.dma_semaphore, #tpu.memory_space<semaphore_mem>>
        %dma_wait3A_203 = tpu.memref_squeeze %dma_wait3A_202 : memref<1x!tpu.dma_semaphore, #tpu.memory_space<semaphore_mem>> -> memref<!tpu.dma_semaphore, #tpu.memory_space<semaphore_mem>>
        tpu.wait_indirect_dma semaphore(%dma_wait3A_203 : memref<!tpu.dma_semaphore, #tpu.memory_space<semaphore_mem>>) src(%dma_wait3A_201 : memref<50000x64xf32, #tpu.memory_space<hbm>>) dst(%dma_wait3A_195 : memref<400x64xf32, #tpu.memory_space<vmem>>)
        %mul3A_204 = arith.constant 64 : i32
        %mul3A_205 = arith.muli %add3A_160, %mul3A_204 : i32
        %dma_wait3A_206 = arith.constant 0 : i32
        %dma_wait3A_207 = tpu.memref_slice %arg8[%select_n3A_157, %dma_wait3A_206] : memref<2x24576xf32, #tpu.memory_space<vmem>> -> memref<1x24576xf32, #tpu.memory_space<vmem>>
        %dma_wait3A_208 = tpu.memref_squeeze %dma_wait3A_207 : memref<1x24576xf32, #tpu.memory_space<vmem>> -> memref<24576xf32, #tpu.memory_space<vmem>>
        %dma_wait3A_209 = tpu.memref_slice %arg2[%mul3A_205] : memref<52428800xf32, #tpu.memory_space<hbm>> -> memref<24576xf32, #tpu.memory_space<hbm>>
        %dma_wait3A_210 = tpu.memref_slice %arg13[%select_n3A_157] : memref<2x!tpu.dma_semaphore, #tpu.memory_space<semaphore_mem>> -> memref<1x!tpu.dma_semaphore, #tpu.memory_space<semaphore_mem>>
        %dma_wait3A_211 = tpu.memref_squeeze %dma_wait3A_210 : memref<1x!tpu.dma_semaphore, #tpu.memory_space<semaphore_mem>> -> memref<!tpu.dma_semaphore, #tpu.memory_space<semaphore_mem>>
        %dma_wait3A_212 = arith.constant 0 : i32
        %dma_wait3A_213 = tpu.memref_slice %arg8[%select_n3A_157, %dma_wait3A_212] : memref<2x24576xf32, #tpu.memory_space<vmem>> -> memref<1x24576xf32, #tpu.memory_space<vmem>>
        %dma_wait3A_214 = tpu.memref_squeeze %dma_wait3A_213 : memref<1x24576xf32, #tpu.memory_space<vmem>> -> memref<24576xf32, #tpu.memory_space<vmem>>
        %dma_wait3A_215 = tpu.memref_slice %arg2[%mul3A_205] : memref<52428800xf32, #tpu.memory_space<hbm>> -> memref<24576xf32, #tpu.memory_space<hbm>>
        tpu.wait_dma2 semaphore(%dma_wait3A_211 : memref<!tpu.dma_semaphore, #tpu.memory_space<semaphore_mem>>) src(%dma_wait3A_215 : memref<24576xf32, #tpu.memory_space<hbm>>) dst(%dma_wait3A_214 : memref<24576xf32, #tpu.memory_space<vmem>>)
        %while3A_216:5 = scf.while (%while3A_234 = %while3A_139, %while3A_235 = %while3A_140, %while3A_236 = %while3A_141, %while3A_237 = %while3A_142, %while3A_238 = %while3A_143) : (i32, vector<16xf32>, vector<16xf32>, vector<16xf32>, vector<16xf32>) -> (i32, vector<16xf32>, vector<16xf32>, vector<16xf32>, vector<16xf32>) {
          %add3A_239 = arith.constant 196 : i32
          %add3A_240 = arith.addi %add3A_15, %add3A_239 : i32
          %lt3A_241 = arith.cmpi slt, %while3A_234, %add3A_240 : i32
          %add3A_242 = arith.constant 1 : i32
          %add3A_243 = arith.addi %while3A_234, %add3A_242 : i32
          %sub3A_244 = arith.subi %add3A_243, %mul3A_33 : i32
          %get3A_245 = arith.index_cast %sub3A_244 : i32 to index
          %get3A_246 = tpu.vector_load %arg7[%get3A_245] {strides = array<i32>} : memref<244xi32, #tpu.memory_space<vmem>>, vector<16xi32>,
          %slice3A_247 = vector.extract_strided_slice %get3A_246 {offsets = [0], sizes = [1], strides = [1]} : vector<16xi32> to vector<1xi32>
          %squeeze3A_248 = vector.extract %slice3A_247[0] : i32 from vector<1xi32>
          %le3A = arith.cmpi sle, %squeeze3A_248, %min3A : i32
          %and3A_249 = arith.andi %lt3A_241, %le3A : i1
          scf.condition(%and3A_249) %while3A_234, %while3A_235, %while3A_236, %while3A_237, %while3A_238 : i32, vector<16xf32>, vector<16xf32>, vector<16xf32>, vector<16xf32>
        } do {
        ^bb0(%while3A_234: i32, %while3A_235: vector<16xf32>, %while3A_236: vector<16xf32>, %while3A_237: vector<16xf32>, %while3A_238: vector<16xf32>):
          %sub3A_239 = arith.subi %while3A_234, %mul3A_33 : i32
          %get3A_240 = arith.index_cast %sub3A_239 : i32 to index
          %get3A_241 = tpu.vector_load %arg7[%get3A_240] {strides = array<i32>} : memref<244xi32, #tpu.memory_space<vmem>>, vector<16xi32>,
          %slice3A_242 = vector.extract_strided_slice %get3A_241 {offsets = [0], sizes = [1], strides = [1]} : vector<16xi32> to vector<1xi32>
          %squeeze3A_243 = vector.extract %slice3A_242[0] : i32 from vector<1xi32>
          %add3A_244 = arith.constant 1 : i32
          %add3A_245 = arith.addi %while3A_234, %add3A_244 : i32
          %sub3A_246 = arith.subi %add3A_245, %mul3A_33 : i32
          %get3A_247 = arith.index_cast %sub3A_246 : i32 to index
          %get3A_248 = tpu.vector_load %arg7[%get3A_247] {strides = array<i32>} : memref<244xi32, #tpu.memory_space<vmem>>, vector<16xi32>,
          %slice3A_249 = vector.extract_strided_slice %get3A_248 {offsets = [0], sizes = [1], strides = [1]} : vector<16xi32> to vector<1xi32>
          %squeeze3A_250 = vector.extract %slice3A_249[0] : i32 from vector<1xi32>
          %max3A_251 = arith.maxsi %squeeze3A_243, %add3A_160 : i32
          %while3A_252 = arith.subi %squeeze3A_250, %max3A_251 : i32
          %while3A_253 = arith.addi %max3A_251, %while3A_252 : i32
          %while3A_254 = arith.constant 1 : i32
          %while3A_255 = arith.divsi %while3A_252, %while3A_254 : i32
          %while3A_256 = arith.muli %while3A_255, %while3A_254 : i32
          %while3A_257 = arith.addi %max3A_251, %while3A_256 : i32
          %while3A_258 = arith.constant 1 : i32
          %while3A_259:4 = scf.for %while3A_292 = %max3A_251 to %while3A_257 step %while3A_258 iter_args(%while3A_293 = %while3A_235, %while3A_294 = %while3A_236, %while3A_295 = %while3A_237, %while3A_296 = %while3A_238) -> (vector<16xf32>, vector<16xf32>, vector<16xf32>, vector<16xf32>)  : i32 {
            %sub3A_297 = arith.subi %while3A_292, %add3A_160 : i32
            %mul3A_298 = arith.constant 64 : i32
            %mul3A_299 = arith.muli %sub3A_297, %mul3A_298 : i32
            %sub3A_300 = arith.subi %while3A_292, %mul3A_188 : i32
            %get3A_301 = arith.index_cast %select_n3A_157 : i32 to index
            %get3A_302 = arith.index_cast %mul3A_299 : i32 to index
            %get3A_303 = tpu.vector_load %arg8[%get3A_301, %get3A_302] {strides = array<i32>} : memref<2x24576xf32, #tpu.memory_space<vmem>>, vector<16xf32>,
            %get3A_304 = arith.index_cast %select_n3A_157 : i32 to index
            %get3A_305 = arith.index_cast %sub3A_300 : i32 to index
            %get3A_306 = arith.constant 0 : index
            %get3A_307 = tpu.vector_load %arg10[%get3A_304, %get3A_305, %get3A_306] {strides = array<i32>} : memref<2x400x64xf32, #tpu.memory_space<vmem>>, vector<16xf32>,
            %mul3A_308 = arith.mulf %get3A_303, %get3A_307 : vector<16xf32>
            %add3A_309 = arith.addf %while3A_293, %mul3A_308 : vector<16xf32>
            %add3A_310 = arith.constant 16 : i32
            %add3A_311 = arith.addi %mul3A_299, %add3A_310 : i32
            %get3A_312 = arith.index_cast %select_n3A_157 : i32 to index
            %get3A_313 = arith.index_cast %add3A_311 : i32 to index
            %get3A_314 = tpu.vector_load %arg8[%get3A_312, %get3A_313] {strides = array<i32>} : memref<2x24576xf32, #tpu.memory_space<vmem>>, vector<16xf32>,
            %get3A_315 = arith.index_cast %select_n3A_157 : i32 to index
            %get3A_316 = arith.index_cast %sub3A_300 : i32 to index
            %get3A_317 = arith.constant 16 : index
            %get3A_318 = tpu.vector_load %arg10[%get3A_315, %get3A_316, %get3A_317] {strides = array<i32>} : memref<2x400x64xf32, #tpu.memory_space<vmem>>, vector<16xf32>,
            %mul3A_319 = arith.mulf %get3A_314, %get3A_318 : vector<16xf32>
            %add3A_320 = arith.addf %while3A_294, %mul3A_319 : vector<16xf32>
            %add3A_321 = arith.constant 32 : i32
            %add3A_322 = arith.addi %mul3A_299, %add3A_321 : i32
            %get3A_323 = arith.index_cast %select_n3A_157 : i32 to index
            %get3A_324 = arith.index_cast %add3A_322 : i32 to index
            %get3A_325 = tpu.vector_load %arg8[%get3A_323, %get3A_324] {strides = array<i32>} : memref<2x24576xf32, #tpu.memory_space<vmem>>, vector<16xf32>,
            %get3A_326 = arith.index_cast %select_n3A_157 : i32 to index
            %get3A_327 = arith.index_cast %sub3A_300 : i32 to index
            %get3A_328 = arith.constant 32 : index
            %get3A_329 = tpu.vector_load %arg10[%get3A_326, %get3A_327, %get3A_328] {strides = array<i32>} : memref<2x400x64xf32, #tpu.memory_space<vmem>>, vector<16xf32>,
            %mul3A_330 = arith.mulf %get3A_325, %get3A_329 : vector<16xf32>
            %add3A_331 = arith.addf %while3A_295, %mul3A_330 : vector<16xf32>
            %add3A_332 = arith.constant 48 : i32
            %add3A_333 = arith.addi %mul3A_299, %add3A_332 : i32
            %get3A_334 = arith.index_cast %select_n3A_157 : i32 to index
            %get3A_335 = arith.index_cast %add3A_333 : i32 to index
            %get3A_336 = tpu.vector_load %arg8[%get3A_334, %get3A_335] {strides = array<i32>} : memref<2x24576xf32, #tpu.memory_space<vmem>>, vector<16xf32>,
            %get3A_337 = arith.index_cast %select_n3A_157 : i32 to index
            %get3A_338 = arith.index_cast %sub3A_300 : i32 to index
            %get3A_339 = arith.constant 48 : index
            %get3A_340 = tpu.vector_load %arg10[%get3A_337, %get3A_338, %get3A_339] {strides = array<i32>} : memref<2x400x64xf32, #tpu.memory_space<vmem>>, vector<16xf32>,
            %mul3A_341 = arith.mulf %get3A_336, %get3A_340 : vector<16xf32>
            %add3A_342 = arith.addf %while3A_296, %mul3A_341 : vector<16xf32>
            scf.yield %add3A_309, %add3A_320, %add3A_331, %add3A_342 : vector<16xf32>, vector<16xf32>, vector<16xf32>, vector<16xf32>
          }
          %while3A_260 = arith.constant 1 : i32
          %while3A_261:4 = scf.for %while3A_292 = %while3A_257 to %while3A_253 step %while3A_260 iter_args(%while3A_293 = %while3A_259#0, %while3A_294 = %while3A_259#1, %while3A_295 = %while3A_259#2, %while3A_296 = %while3A_259#3) -> (vector<16xf32>, vector<16xf32>, vector<16xf32>, vector<16xf32>)  : i32 {
            %sub3A_297 = arith.subi %while3A_292, %add3A_160 : i32
            %mul3A_298 = arith.constant 64 : i32
            %mul3A_299 = arith.muli %sub3A_297, %mul3A_298 : i32
            %sub3A_300 = arith.subi %while3A_292, %mul3A_188 : i32
            %get3A_301 = arith.index_cast %select_n3A_157 : i32 to index
            %get3A_302 = arith.index_cast %mul3A_299 : i32 to index
            %get3A_303 = tpu.vector_load %arg8[%get3A_301, %get3A_302] {strides = array<i32>} : memref<2x24576xf32, #tpu.memory_space<vmem>>, vector<16xf32>,
            %get3A_304 = arith.index_cast %select_n3A_157 : i32 to index
            %get3A_305 = arith.index_cast %sub3A_300 : i32 to index
            %get3A_306 = arith.constant 0 : index
            %get3A_307 = tpu.vector_load %arg10[%get3A_304, %get3A_305, %get3A_306] {strides = array<i32>} : memref<2x400x64xf32, #tpu.memory_space<vmem>>, vector<16xf32>,
            %mul3A_308 = arith.mulf %get3A_303, %get3A_307 : vector<16xf32>
            %add3A_309 = arith.addf %while3A_293, %mul3A_308 : vector<16xf32>
            %add3A_310 = arith.constant 16 : i32
            %add3A_311 = arith.addi %mul3A_299, %add3A_310 : i32
            %get3A_312 = arith.index_cast %select_n3A_157 : i32 to index
            %get3A_313 = arith.index_cast %add3A_311 : i32 to index
            %get3A_314 = tpu.vector_load %arg8[%get3A_312, %get3A_313] {strides = array<i32>} : memref<2x24576xf32, #tpu.memory_space<vmem>>, vector<16xf32>,
            %get3A_315 = arith.index_cast %select_n3A_157 : i32 to index
            %get3A_316 = arith.index_cast %sub3A_300 : i32 to index
            %get3A_317 = arith.constant 16 : index
            %get3A_318 = tpu.vector_load %arg10[%get3A_315, %get3A_316, %get3A_317] {strides = array<i32>} : memref<2x400x64xf32, #tpu.memory_space<vmem>>, vector<16xf32>,
            %mul3A_319 = arith.mulf %get3A_314, %get3A_318 : vector<16xf32>
            %add3A_320 = arith.addf %while3A_294, %mul3A_319 : vector<16xf32>
            %add3A_321 = arith.constant 32 : i32
            %add3A_322 = arith.addi %mul3A_299, %add3A_321 : i32
            %get3A_323 = arith.index_cast %select_n3A_157 : i32 to index
            %get3A_324 = arith.index_cast %add3A_322 : i32 to index
            %get3A_325 = tpu.vector_load %arg8[%get3A_323, %get3A_324] {strides = array<i32>} : memref<2x24576xf32, #tpu.memory_space<vmem>>, vector<16xf32>,
            %get3A_326 = arith.index_cast %select_n3A_157 : i32 to index
            %get3A_327 = arith.index_cast %sub3A_300 : i32 to index
            %get3A_328 = arith.constant 32 : index
            %get3A_329 = tpu.vector_load %arg10[%get3A_326, %get3A_327, %get3A_328] {strides = array<i32>} : memref<2x400x64xf32, #tpu.memory_space<vmem>>, vector<16xf32>,
            %mul3A_330 = arith.mulf %get3A_325, %get3A_329 : vector<16xf32>
            %add3A_331 = arith.addf %while3A_295, %mul3A_330 : vector<16xf32>
            %add3A_332 = arith.constant 48 : i32
            %add3A_333 = arith.addi %mul3A_299, %add3A_332 : i32
            %get3A_334 = arith.index_cast %select_n3A_157 : i32 to index
            %get3A_335 = arith.index_cast %add3A_333 : i32 to index
            %get3A_336 = tpu.vector_load %arg8[%get3A_334, %get3A_335] {strides = array<i32>} : memref<2x24576xf32, #tpu.memory_space<vmem>>, vector<16xf32>,
            %get3A_337 = arith.index_cast %select_n3A_157 : i32 to index
            %get3A_338 = arith.index_cast %sub3A_300 : i32 to index
            %get3A_339 = arith.constant 48 : index
            %get3A_340 = tpu.vector_load %arg10[%get3A_337, %get3A_338, %get3A_339] {strides = array<i32>} : memref<2x400x64xf32, #tpu.memory_space<vmem>>, vector<16xf32>,
            %mul3A_341 = arith.mulf %get3A_336, %get3A_340 : vector<16xf32>
            %add3A_342 = arith.addf %while3A_296, %mul3A_341 : vector<16xf32>
            scf.yield %add3A_309, %add3A_320, %add3A_331, %add3A_342 : vector<16xf32>, vector<16xf32>, vector<16xf32>, vector<16xf32>
          }
          %broadcast_in_dim3A_262 = arith.constant 1.000000e+00 : f32
          %broadcast_in_dim3A_263 = vector.broadcast %broadcast_in_dim3A_262 : f32 to vector<16xf32>
          %sub3A_264 = arith.subi %squeeze3A_250, %squeeze3A_243 : i32
          %max3A_265 = arith.constant 1 : i32
          %max3A_266 = arith.maxsi %sub3A_264, %max3A_265 : i32
          %convert_element_type3A_267 = arith.sitofp %max3A_266 : i32 to f32
          %broadcast_in_dim3A_268 = vector.broadcast %convert_element_type3A_267 : f32 to vector<16xf32>
          %div3A_269 = arith.divf %broadcast_in_dim3A_263, %broadcast_in_dim3A_268 : vector<16xf32>
          %sub3A_270 = arith.subi %while3A_234, %add3A_15 : i32
          %mul3A_271 = arith.constant 64 : i32
          %mul3A_272 = arith.muli %sub3A_270, %mul3A_271 : i32
          %mul3A_273 = arith.mulf %while3A_261#0, %div3A_269 : vector<16xf32>
          %swap3A = arith.index_cast %mul3A_272 : i32 to index
          %swap3A_274 = tpu.vector_load %arg11[%swap3A] {strides = array<i32>} : memref<12544xf32, #tpu.memory_space<vmem>>, vector<16xf32>,
          tpu.vector_store %arg11[%swap3A], %mul3A_273 {strides = array<i32>} : memref<12544xf32, #tpu.memory_space<vmem>>, vector<16xf32>,
          %mul3A_275 = arith.mulf %while3A_261#1, %div3A_269 : vector<16xf32>
          %add3A_276 = arith.constant 16 : i32
          %add3A_277 = arith.addi %mul3A_272, %add3A_276 : i32
          %swap3A_278 = arith.index_cast %add3A_277 : i32 to index
          %swap3A_279 = tpu.vector_load %arg11[%swap3A_278] {strides = array<i32>} : memref<12544xf32, #tpu.memory_space<vmem>>, vector<16xf32>,
          tpu.vector_store %arg11[%swap3A_278], %mul3A_275 {strides = array<i32>} : memref<12544xf32, #tpu.memory_space<vmem>>, vector<16xf32>,
          %mul3A_280 = arith.mulf %while3A_261#2, %div3A_269 : vector<16xf32>
          %add3A_281 = arith.constant 32 : i32
          %add3A_282 = arith.addi %mul3A_272, %add3A_281 : i32
          %swap3A_283 = arith.index_cast %add3A_282 : i32 to index
          %swap3A_284 = tpu.vector_load %arg11[%swap3A_283] {strides = array<i32>} : memref<12544xf32, #tpu.memory_space<vmem>>, vector<16xf32>,
          tpu.vector_store %arg11[%swap3A_283], %mul3A_280 {strides = array<i32>} : memref<12544xf32, #tpu.memory_space<vmem>>, vector<16xf32>,
          %mul3A_285 = arith.mulf %while3A_261#3, %div3A_269 : vector<16xf32>
          %add3A_286 = arith.constant 48 : i32
          %add3A_287 = arith.addi %mul3A_272, %add3A_286 : i32
          %swap3A_288 = arith.index_cast %add3A_287 : i32 to index
          %swap3A_289 = tpu.vector_load %arg11[%swap3A_288] {strides = array<i32>} : memref<12544xf32, #tpu.memory_space<vmem>>, vector<16xf32>,
          tpu.vector_store %arg11[%swap3A_288], %mul3A_285 {strides = array<i32>} : memref<12544xf32, #tpu.memory_space<vmem>>, vector<16xf32>,
          %add3A_290 = arith.constant 1 : i32
          %add3A_291 = arith.addi %while3A_234, %add3A_290 : i32
          scf.yield %add3A_291, %broadcast_in_dim3A_3, %broadcast_in_dim3A_3, %broadcast_in_dim3A_3, %broadcast_in_dim3A_3 : i32, vector<16xf32>, vector<16xf32>, vector<16xf32>, vector<16xf32>
        }
        %sub3A_217 = arith.subi %while3A_216#0, %mul3A_33 : i32
        %get3A_218 = arith.index_cast %sub3A_217 : i32 to index
        %get3A_219 = tpu.vector_load %arg7[%get3A_218] {strides = array<i32>} : memref<244xi32, #tpu.memory_space<vmem>>, vector<16xi32>,
        %slice3A_220 = vector.extract_strided_slice %get3A_219 {offsets = [0], sizes = [1], strides = [1]} : vector<16xi32> to vector<1xi32>
        %squeeze3A_221 = vector.extract %slice3A_220[0] : i32 from vector<1xi32>
        %max3A_222 = arith.maxsi %squeeze3A_221, %add3A_160 : i32
        %max3A_223 = arith.maxsi %min3A, %max3A_222 : i32
        %while3A_224 = arith.subi %max3A_223, %max3A_222 : i32
        %while3A_225 = arith.addi %max3A_222, %while3A_224 : i32
        %while3A_226 = arith.constant 1 : i32
        %while3A_227 = arith.divsi %while3A_224, %while3A_226 : i32
        %while3A_228 = arith.muli %while3A_227, %while3A_226 : i32
        %while3A_229 = arith.addi %max3A_222, %while3A_228 : i32
        %while3A_230 = arith.constant 1 : i32
        %while3A_231:4 = scf.for %while3A_234 = %max3A_222 to %while3A_229 step %while3A_230 iter_args(%while3A_235 = %while3A_216#1, %while3A_236 = %while3A_216#2, %while3A_237 = %while3A_216#3, %while3A_238 = %while3A_216#4) -> (vector<16xf32>, vector<16xf32>, vector<16xf32>, vector<16xf32>)  : i32 {
          %sub3A_239 = arith.subi %while3A_234, %add3A_160 : i32
          %mul3A_240 = arith.constant 64 : i32
          %mul3A_241 = arith.muli %sub3A_239, %mul3A_240 : i32
          %sub3A_242 = arith.subi %while3A_234, %mul3A_188 : i32
          %get3A_243 = arith.index_cast %select_n3A_157 : i32 to index
          %get3A_244 = arith.index_cast %mul3A_241 : i32 to index
          %get3A_245 = tpu.vector_load %arg8[%get3A_243, %get3A_244] {strides = array<i32>} : memref<2x24576xf32, #tpu.memory_space<vmem>>, vector<16xf32>,
          %get3A_246 = arith.index_cast %select_n3A_157 : i32 to index
          %get3A_247 = arith.index_cast %sub3A_242 : i32 to index
          %get3A_248 = arith.constant 0 : index
          %get3A_249 = tpu.vector_load %arg10[%get3A_246, %get3A_247, %get3A_248] {strides = array<i32>} : memref<2x400x64xf32, #tpu.memory_space<vmem>>, vector<16xf32>,
          %mul3A_250 = arith.mulf %get3A_245, %get3A_249 : vector<16xf32>
          %add3A_251 = arith.addf %while3A_235, %mul3A_250 : vector<16xf32>
          %add3A_252 = arith.constant 16 : i32
          %add3A_253 = arith.addi %mul3A_241, %add3A_252 : i32
          %get3A_254 = arith.index_cast %select_n3A_157 : i32 to index
          %get3A_255 = arith.index_cast %add3A_253 : i32 to index
          %get3A_256 = tpu.vector_load %arg8[%get3A_254, %get3A_255] {strides = array<i32>} : memref<2x24576xf32, #tpu.memory_space<vmem>>, vector<16xf32>,
          %get3A_257 = arith.index_cast %select_n3A_157 : i32 to index
          %get3A_258 = arith.index_cast %sub3A_242 : i32 to index
          %get3A_259 = arith.constant 16 : index
          %get3A_260 = tpu.vector_load %arg10[%get3A_257, %get3A_258, %get3A_259] {strides = array<i32>} : memref<2x400x64xf32, #tpu.memory_space<vmem>>, vector<16xf32>,
          %mul3A_261 = arith.mulf %get3A_256, %get3A_260 : vector<16xf32>
          %add3A_262 = arith.addf %while3A_236, %mul3A_261 : vector<16xf32>
          %add3A_263 = arith.constant 32 : i32
          %add3A_264 = arith.addi %mul3A_241, %add3A_263 : i32
          %get3A_265 = arith.index_cast %select_n3A_157 : i32 to index
          %get3A_266 = arith.index_cast %add3A_264 : i32 to index
          %get3A_267 = tpu.vector_load %arg8[%get3A_265, %get3A_266] {strides = array<i32>} : memref<2x24576xf32, #tpu.memory_space<vmem>>, vector<16xf32>,
          %get3A_268 = arith.index_cast %select_n3A_157 : i32 to index
          %get3A_269 = arith.index_cast %sub3A_242 : i32 to index
          %get3A_270 = arith.constant 32 : index
          %get3A_271 = tpu.vector_load %arg10[%get3A_268, %get3A_269, %get3A_270] {strides = array<i32>} : memref<2x400x64xf32, #tpu.memory_space<vmem>>, vector<16xf32>,
          %mul3A_272 = arith.mulf %get3A_267, %get3A_271 : vector<16xf32>
          %add3A_273 = arith.addf %while3A_237, %mul3A_272 : vector<16xf32>
          %add3A_274 = arith.constant 48 : i32
          %add3A_275 = arith.addi %mul3A_241, %add3A_274 : i32
          %get3A_276 = arith.index_cast %select_n3A_157 : i32 to index
          %get3A_277 = arith.index_cast %add3A_275 : i32 to index
          %get3A_278 = tpu.vector_load %arg8[%get3A_276, %get3A_277] {strides = array<i32>} : memref<2x24576xf32, #tpu.memory_space<vmem>>, vector<16xf32>,
          %get3A_279 = arith.index_cast %select_n3A_157 : i32 to index
          %get3A_280 = arith.index_cast %sub3A_242 : i32 to index
          %get3A_281 = arith.constant 48 : index
          %get3A_282 = tpu.vector_load %arg10[%get3A_279, %get3A_280, %get3A_281] {strides = array<i32>} : memref<2x400x64xf32, #tpu.memory_space<vmem>>, vector<16xf32>,
          %mul3A_283 = arith.mulf %get3A_278, %get3A_282 : vector<16xf32>
          %add3A_284 = arith.addf %while3A_238, %mul3A_283 : vector<16xf32>
          scf.yield %add3A_251, %add3A_262, %add3A_273, %add3A_284 : vector<16xf32>, vector<16xf32>, vector<16xf32>, vector<16xf32>
        }
        %while3A_232 = arith.constant 1 : i32
        %while3A_233:4 = scf.for %while3A_234 = %while3A_229 to %while3A_225 step %while3A_232 iter_args(%while3A_235 = %while3A_231#0, %while3A_236 = %while3A_231#1, %while3A_237 = %while3A_231#2, %while3A_238 = %while3A_231#3) -> (vector<16xf32>, vector<16xf32>, vector<16xf32>, vector<16xf32>)  : i32 {
          %sub3A_239 = arith.subi %while3A_234, %add3A_160 : i32
          %mul3A_240 = arith.constant 64 : i32
          %mul3A_241 = arith.muli %sub3A_239, %mul3A_240 : i32
          %sub3A_242 = arith.subi %while3A_234, %mul3A_188 : i32
          %get3A_243 = arith.index_cast %select_n3A_157 : i32 to index
          %get3A_244 = arith.index_cast %mul3A_241 : i32 to index
          %get3A_245 = tpu.vector_load %arg8[%get3A_243, %get3A_244] {strides = array<i32>} : memref<2x24576xf32, #tpu.memory_space<vmem>>, vector<16xf32>,
          %get3A_246 = arith.index_cast %select_n3A_157 : i32 to index
          %get3A_247 = arith.index_cast %sub3A_242 : i32 to index
          %get3A_248 = arith.constant 0 : index
          %get3A_249 = tpu.vector_load %arg10[%get3A_246, %get3A_247, %get3A_248] {strides = array<i32>} : memref<2x400x64xf32, #tpu.memory_space<vmem>>, vector<16xf32>,
          %mul3A_250 = arith.mulf %get3A_245, %get3A_249 : vector<16xf32>
          %add3A_251 = arith.addf %while3A_235, %mul3A_250 : vector<16xf32>
          %add3A_252 = arith.constant 16 : i32
          %add3A_253 = arith.addi %mul3A_241, %add3A_252 : i32
          %get3A_254 = arith.index_cast %select_n3A_157 : i32 to index
          %get3A_255 = arith.index_cast %add3A_253 : i32 to index
          %get3A_256 = tpu.vector_load %arg8[%get3A_254, %get3A_255] {strides = array<i32>} : memref<2x24576xf32, #tpu.memory_space<vmem>>, vector<16xf32>,
          %get3A_257 = arith.index_cast %select_n3A_157 : i32 to index
          %get3A_258 = arith.index_cast %sub3A_242 : i32 to index
          %get3A_259 = arith.constant 16 : index
          %get3A_260 = tpu.vector_load %arg10[%get3A_257, %get3A_258, %get3A_259] {strides = array<i32>} : memref<2x400x64xf32, #tpu.memory_space<vmem>>, vector<16xf32>,
          %mul3A_261 = arith.mulf %get3A_256, %get3A_260 : vector<16xf32>
          %add3A_262 = arith.addf %while3A_236, %mul3A_261 : vector<16xf32>
          %add3A_263 = arith.constant 32 : i32
          %add3A_264 = arith.addi %mul3A_241, %add3A_263 : i32
          %get3A_265 = arith.index_cast %select_n3A_157 : i32 to index
          %get3A_266 = arith.index_cast %add3A_264 : i32 to index
          %get3A_267 = tpu.vector_load %arg8[%get3A_265, %get3A_266] {strides = array<i32>} : memref<2x24576xf32, #tpu.memory_space<vmem>>, vector<16xf32>,
          %get3A_268 = arith.index_cast %select_n3A_157 : i32 to index
          %get3A_269 = arith.index_cast %sub3A_242 : i32 to index
          %get3A_270 = arith.constant 32 : index
          %get3A_271 = tpu.vector_load %arg10[%get3A_268, %get3A_269, %get3A_270] {strides = array<i32>} : memref<2x400x64xf32, #tpu.memory_space<vmem>>, vector<16xf32>,
          %mul3A_272 = arith.mulf %get3A_267, %get3A_271 : vector<16xf32>
          %add3A_273 = arith.addf %while3A_237, %mul3A_272 : vector<16xf32>
          %add3A_274 = arith.constant 48 : i32
          %add3A_275 = arith.addi %mul3A_241, %add3A_274 : i32
          %get3A_276 = arith.index_cast %select_n3A_157 : i32 to index
          %get3A_277 = arith.index_cast %add3A_275 : i32 to index
          %get3A_278 = tpu.vector_load %arg8[%get3A_276, %get3A_277] {strides = array<i32>} : memref<2x24576xf32, #tpu.memory_space<vmem>>, vector<16xf32>,
          %get3A_279 = arith.index_cast %select_n3A_157 : i32 to index
          %get3A_280 = arith.index_cast %sub3A_242 : i32 to index
          %get3A_281 = arith.constant 48 : index
          %get3A_282 = tpu.vector_load %arg10[%get3A_279, %get3A_280, %get3A_281] {strides = array<i32>} : memref<2x400x64xf32, #tpu.memory_space<vmem>>, vector<16xf32>,
          %mul3A_283 = arith.mulf %get3A_278, %get3A_282 : vector<16xf32>
          %add3A_284 = arith.addf %while3A_238, %mul3A_283 : vector<16xf32>
          scf.yield %add3A_251, %add3A_262, %add3A_273, %add3A_284 : vector<16xf32>, vector<16xf32>, vector<16xf32>, vector<16xf32>
        }
        scf.yield %while3A_216#0, %while3A_233#0, %while3A_233#1, %while3A_233#2, %while3A_233#3 : i32, vector<16xf32>, vector<16xf32>, vector<16xf32>, vector<16xf32>
      }
      %while3A_134 = arith.constant 1 : i32
      %while3A_135:5 = scf.for %while3A_138 = %while3A_131 to %while3A_127 step %while3A_134 iter_args(%while3A_139 = %while3A_133#0, %while3A_140 = %while3A_133#1, %while3A_141 = %while3A_133#2, %while3A_142 = %while3A_133#3, %while3A_143 = %while3A_133#4) -> (i32, vector<16xf32>, vector<16xf32>, vector<16xf32>, vector<16xf32>)  : i32 {
        %jit3A_144 = arith.constant 2 : i32
        %eq3A = arith.constant 0 : i32
        %eq3A_145 = arith.cmpi eq, %jit3A_144, %eq3A : i32
        %jit3A_146 = arith.constant 1 : i32
        %select_n3A_147 = arith.select %eq3A_145, %jit3A_146, %jit3A_144 : i32
        %rem3A_148 = arith.remsi %while3A_138, %select_n3A_147 : i32
        %ne3A_149 = arith.constant 0 : i32
        %ne3A_150 = arith.cmpi ne, %rem3A_148, %ne3A_149 : i32
        %lt3A = arith.constant 0 : i32
        %lt3A_151 = arith.cmpi slt, %rem3A_148, %lt3A : i32
        %lt3A_152 = arith.constant 0 : i32
        %lt3A_153 = arith.cmpi slt, %select_n3A_147, %lt3A_152 : i32
        %ne3A_154 = arith.xori %lt3A_151, %lt3A_153 : i1
        %and3A_155 = arith.andi %ne3A_154, %ne3A_150 : i1
        %add3A_156 = arith.addi %rem3A_148, %select_n3A_147 : i32
        %select_n3A_157 = arith.select %and3A_155, %add3A_156, %rem3A_148 : i32
        %mul3A_158 = arith.constant 384 : i32
        %mul3A_159 = arith.muli %while3A_138, %mul3A_158 : i32
        %add3A_160 = arith.addi %squeeze3A, %mul3A_159 : i32
        %add3A_161 = arith.constant 384 : i32
        %add3A_162 = arith.addi %add3A_160, %add3A_161 : i32
        %min3A = arith.minsi %add3A_162, %squeeze3A_41 : i32
        %jit3A_163 = arith.constant 16 : i32
        %div3A_164 = arith.divsi %add3A_160, %jit3A_163 : i32
        %sign3A_165 = arith.constant 0 : i32
        %sign3A_166 = arith.cmpi sgt, %add3A_160, %sign3A_165 : i32
        %sign3A_167 = arith.extui %sign3A_166 : i1 to i32
        %sign3A_168 = arith.constant 0 : i32
        %sign3A_169 = arith.cmpi slt, %add3A_160, %sign3A_168 : i32
        %sign3A_170 = arith.extui %sign3A_169 : i1 to i32
        %sign3A_171 = arith.subi %sign3A_167, %sign3A_170 : i32
        %sign3A_172 = arith.constant 0 : i32
        %sign3A_173 = arith.cmpi sgt, %jit3A_163, %sign3A_172 : i32
        %sign3A_174 = arith.extui %sign3A_173 : i1 to i32
        %sign3A_175 = arith.constant 0 : i32
        %sign3A_176 = arith.cmpi slt, %jit3A_163, %sign3A_175 : i32
        %sign3A_177 = arith.extui %sign3A_176 : i1 to i32
        %sign3A_178 = arith.subi %sign3A_174, %sign3A_177 : i32
        %ne3A_179 = arith.cmpi ne, %sign3A_171, %sign3A_178 : i32
        %rem3A_180 = arith.remsi %add3A_160, %jit3A_163 : i32
        %ne3A_181 = arith.constant 0 : i32
        %ne3A_182 = arith.cmpi ne, %rem3A_180, %ne3A_181 : i32
        %and3A_183 = arith.andi %ne3A_179, %ne3A_182 : i1
        %sub3A_184 = arith.constant 1 : i32
        %sub3A_185 = arith.subi %div3A_164, %sub3A_184 : i32
        %select_n3A_186 = arith.select %and3A_183, %sub3A_185, %div3A_164 : i32
        %mul3A_187 = arith.constant 16 : i32
        %mul3A_188 = arith.muli %select_n3A_186, %mul3A_187 : i32
        %add3A_189 = arith.constant 1 : i32
        %add3A_190 = arith.addi %while3A_138, %add3A_189 : i32
        %lt3A_191 = arith.cmpi slt, %add3A_190, %max3A_71 : i32
        %convert_element_type3A = arith.extui %lt3A_191 : i1 to i32
        %cond3A = arith.constant 0 : i32
        %cond3A_192 = arith.cmpi ne, %convert_element_type3A, %cond3A : i32
        scf.if %cond3A_192 {
          %add3A_234 = arith.constant 384 : i32
          %add3A_235 = arith.addi %add3A_160, %add3A_234 : i32
          %sub3A_236 = arith.constant 1 : i32
          %sub3A_237 = arith.subi %sub3A_236, %select_n3A_157 : i32
          %jit3A_238 = arith.constant 16 : i32
          %div3A_239 = arith.divsi %add3A_235, %jit3A_238 : i32
          %sign3A_240 = arith.constant 0 : i32
          %sign3A_241 = arith.cmpi sgt, %add3A_235, %sign3A_240 : i32
          %sign3A_242 = arith.extui %sign3A_241 : i1 to i32
          %sign3A_243 = arith.constant 0 : i32
          %sign3A_244 = arith.cmpi slt, %add3A_235, %sign3A_243 : i32
          %sign3A_245 = arith.extui %sign3A_244 : i1 to i32
          %sign3A_246 = arith.subi %sign3A_242, %sign3A_245 : i32
          %sign3A_247 = arith.constant 0 : i32
          %sign3A_248 = arith.cmpi sgt, %jit3A_238, %sign3A_247 : i32
          %sign3A_249 = arith.extui %sign3A_248 : i1 to i32
          %sign3A_250 = arith.constant 0 : i32
          %sign3A_251 = arith.cmpi slt, %jit3A_238, %sign3A_250 : i32
          %sign3A_252 = arith.extui %sign3A_251 : i1 to i32
          %sign3A_253 = arith.subi %sign3A_249, %sign3A_252 : i32
          %ne3A_254 = arith.cmpi ne, %sign3A_246, %sign3A_253 : i32
          %rem3A_255 = arith.remsi %add3A_235, %jit3A_238 : i32
          %ne3A_256 = arith.constant 0 : i32
          %ne3A_257 = arith.cmpi ne, %rem3A_255, %ne3A_256 : i32
          %and3A_258 = arith.andi %ne3A_254, %ne3A_257 : i1
          %sub3A_259 = arith.constant 1 : i32
          %sub3A_260 = arith.subi %div3A_239, %sub3A_259 : i32
          %select_n3A_261 = arith.select %and3A_258, %sub3A_260, %div3A_239 : i32
          %mul3A_262 = arith.constant 16 : i32
          %mul3A_263 = arith.muli %select_n3A_261, %mul3A_262 : i32
          "tpu.region"() ({
            %run_scoped3A_288 = tpu.sem_alloc : memref<!tpu.dma_semaphore, #tpu.memory_space<semaphore_mem>>
            %dma_start3A_289 = arith.constant 0 : i32
            %dma_start3A_290 = tpu.memref_slice %arg9[%sub3A_237, %dma_start3A_289] : memref<2x400xi32, #tpu.memory_space<vmem>> -> memref<1x400xi32, #tpu.memory_space<vmem>>
            %dma_start3A_291 = tpu.memref_squeeze %dma_start3A_290 : memref<1x400xi32, #tpu.memory_space<vmem>> -> memref<400xi32, #tpu.memory_space<vmem>>
            %dma_start3A_292 = tpu.memref_slice %arg4[%mul3A_263] : memref<819200xi32, #tpu.memory_space<hbm>> -> memref<400xi32, #tpu.memory_space<hbm>>
            %dma_start3A_293 = arith.constant 0 : i32
            %dma_start3A_294 = tpu.memref_slice %arg9[%sub3A_237, %dma_start3A_293] : memref<2x400xi32, #tpu.memory_space<vmem>> -> memref<1x400xi32, #tpu.memory_space<vmem>>
            %dma_start3A_295 = tpu.memref_squeeze %dma_start3A_294 : memref<1x400xi32, #tpu.memory_space<vmem>> -> memref<400xi32, #tpu.memory_space<vmem>>
            %dma_start3A_296 = tpu.memref_slice %arg4[%mul3A_263] : memref<819200xi32, #tpu.memory_space<hbm>> -> memref<400xi32, #tpu.memory_space<hbm>>
            tpu.enqueue_dma source(%dma_start3A_296 : memref<400xi32, #tpu.memory_space<hbm>>) target(%dma_start3A_295 : memref<400xi32, #tpu.memory_space<vmem>>) target_semaphore(%run_scoped3A_288 : memref<!tpu.dma_semaphore, #tpu.memory_space<semaphore_mem>>)
            %dma_wait3A_297 = arith.constant 0 : i32
            %dma_wait3A_298 = tpu.memref_slice %arg9[%sub3A_237, %dma_wait3A_297] : memref<2x400xi32, #tpu.memory_space<vmem>> -> memref<1x400xi32, #tpu.memory_space<vmem>>
            %dma_wait3A_299 = tpu.memref_squeeze %dma_wait3A_298 : memref<1x400xi32, #tpu.memory_space<vmem>> -> memref<400xi32, #tpu.memory_space<vmem>>
            %dma_wait3A_300 = tpu.memref_slice %arg4[%mul3A_263] : memref<819200xi32, #tpu.memory_space<hbm>> -> memref<400xi32, #tpu.memory_space<hbm>>
            %dma_wait3A_301 = arith.constant 0 : i32
            %dma_wait3A_302 = tpu.memref_slice %arg9[%sub3A_237, %dma_wait3A_301] : memref<2x400xi32, #tpu.memory_space<vmem>> -> memref<1x400xi32, #tpu.memory_space<vmem>>
            %dma_wait3A_303 = tpu.memref_squeeze %dma_wait3A_302 : memref<1x400xi32, #tpu.memory_space<vmem>> -> memref<400xi32, #tpu.memory_space<vmem>>
            %dma_wait3A_304 = tpu.memref_slice %arg4[%mul3A_263] : memref<819200xi32, #tpu.memory_space<hbm>> -> memref<400xi32, #tpu.memory_space<hbm>>
            tpu.wait_dma2 semaphore(%run_scoped3A_288 : memref<!tpu.dma_semaphore, #tpu.memory_space<semaphore_mem>>) src(%dma_wait3A_304 : memref<400xi32, #tpu.memory_space<hbm>>) dst(%dma_wait3A_303 : memref<400xi32, #tpu.memory_space<vmem>>)
            tpu.yield
          }) : () -> ()
          %dma_start3A_264 = arith.constant 0 : i32
          %dma_start3A_265 = arith.constant 0 : i32
          %dma_start3A_266 = tpu.memref_slice %arg10[%sub3A_237, %dma_start3A_264, %dma_start3A_265] : memref<2x400x64xf32, #tpu.memory_space<vmem>> -> memref<1x400x64xf32, #tpu.memory_space<vmem>>
          %dma_start3A_267 = tpu.memref_squeeze %dma_start3A_266 : memref<1x400x64xf32, #tpu.memory_space<vmem>> -> memref<400x64xf32, #tpu.memory_space<vmem>>
          %dma_start3A_268 = arith.constant 0 : i32
          %dma_start3A_269 = tpu.memref_slice %arg9[%sub3A_237, %dma_start3A_268] : memref<2x400xi32, #tpu.memory_space<vmem>> -> memref<1x400xi32, #tpu.memory_space<vmem>>
          %dma_start3A_270 = tpu.memref_squeeze %dma_start3A_269 : memref<1x400xi32, #tpu.memory_space<vmem>> -> memref<400xi32, #tpu.memory_space<vmem>>
          %dma_start3A_271 = arith.constant 0 : i32
          %dma_start3A_272 = arith.constant 0 : i32
          %dma_start3A_273 = tpu.memref_slice %arg3[%dma_start3A_271, %dma_start3A_272] : memref<50000x64xf32, #tpu.memory_space<hbm>> -> memref<50000x64xf32, #tpu.memory_space<hbm>>
          %dma_start3A_274 = tpu.memref_slice %arg12[%sub3A_237] : memref<2x!tpu.dma_semaphore, #tpu.memory_space<semaphore_mem>> -> memref<1x!tpu.dma_semaphore, #tpu.memory_space<semaphore_mem>>
          %dma_start3A_275 = tpu.memref_squeeze %dma_start3A_274 : memref<1x!tpu.dma_semaphore, #tpu.memory_space<semaphore_mem>> -> memref<!tpu.dma_semaphore, #tpu.memory_space<semaphore_mem>>
          tpu.enqueue_indirect_dma source(%dma_start3A_273 : memref<50000x64xf32, #tpu.memory_space<hbm>>) target(%dma_start3A_267 : memref<400x64xf32, #tpu.memory_space<vmem>>) offsets(%dma_start3A_270 : memref<400xi32, #tpu.memory_space<vmem>>) semaphore(%dma_start3A_275 : memref<!tpu.dma_semaphore, #tpu.memory_space<semaphore_mem>>)
          %mul3A_276 = arith.constant 64 : i32
          %mul3A_277 = arith.muli %add3A_235, %mul3A_276 : i32
          %dma_start3A_278 = arith.constant 0 : i32
          %dma_start3A_279 = tpu.memref_slice %arg8[%sub3A_237, %dma_start3A_278] : memref<2x24576xf32, #tpu.memory_space<vmem>> -> memref<1x24576xf32, #tpu.memory_space<vmem>>
          %dma_start3A_280 = tpu.memref_squeeze %dma_start3A_279 : memref<1x24576xf32, #tpu.memory_space<vmem>> -> memref<24576xf32, #tpu.memory_space<vmem>>
          %dma_start3A_281 = tpu.memref_slice %arg2[%mul3A_277] : memref<52428800xf32, #tpu.memory_space<hbm>> -> memref<24576xf32, #tpu.memory_space<hbm>>
          %dma_start3A_282 = tpu.memref_slice %arg13[%sub3A_237] : memref<2x!tpu.dma_semaphore, #tpu.memory_space<semaphore_mem>> -> memref<1x!tpu.dma_semaphore, #tpu.memory_space<semaphore_mem>>
          %dma_start3A_283 = tpu.memref_squeeze %dma_start3A_282 : memref<1x!tpu.dma_semaphore, #tpu.memory_space<semaphore_mem>> -> memref<!tpu.dma_semaphore, #tpu.memory_space<semaphore_mem>>
          %dma_start3A_284 = arith.constant 0 : i32
          %dma_start3A_285 = tpu.memref_slice %arg8[%sub3A_237, %dma_start3A_284] : memref<2x24576xf32, #tpu.memory_space<vmem>> -> memref<1x24576xf32, #tpu.memory_space<vmem>>
          %dma_start3A_286 = tpu.memref_squeeze %dma_start3A_285 : memref<1x24576xf32, #tpu.memory_space<vmem>> -> memref<24576xf32, #tpu.memory_space<vmem>>
          %dma_start3A_287 = tpu.memref_slice %arg2[%mul3A_277] : memref<52428800xf32, #tpu.memory_space<hbm>> -> memref<24576xf32, #tpu.memory_space<hbm>>
          tpu.enqueue_dma source(%dma_start3A_287 : memref<24576xf32, #tpu.memory_space<hbm>>) target(%dma_start3A_286 : memref<24576xf32, #tpu.memory_space<vmem>>) target_semaphore(%dma_start3A_283 : memref<!tpu.dma_semaphore, #tpu.memory_space<semaphore_mem>>)
        } else {
        }
        %dma_wait3A = arith.constant 0 : i32
        %dma_wait3A_193 = arith.constant 0 : i32
        %dma_wait3A_194 = tpu.memref_slice %arg10[%select_n3A_157, %dma_wait3A, %dma_wait3A_193] : memref<2x400x64xf32, #tpu.memory_space<vmem>> -> memref<1x400x64xf32, #tpu.memory_space<vmem>>
        %dma_wait3A_195 = tpu.memref_squeeze %dma_wait3A_194 : memref<1x400x64xf32, #tpu.memory_space<vmem>> -> memref<400x64xf32, #tpu.memory_space<vmem>>
        %dma_wait3A_196 = arith.constant 0 : i32
        %dma_wait3A_197 = tpu.memref_slice %arg9[%select_n3A_157, %dma_wait3A_196] : memref<2x400xi32, #tpu.memory_space<vmem>> -> memref<1x400xi32, #tpu.memory_space<vmem>>
        %dma_wait3A_198 = tpu.memref_squeeze %dma_wait3A_197 : memref<1x400xi32, #tpu.memory_space<vmem>> -> memref<400xi32, #tpu.memory_space<vmem>>
        %dma_wait3A_199 = arith.constant 0 : i32
        %dma_wait3A_200 = arith.constant 0 : i32
        %dma_wait3A_201 = tpu.memref_slice %arg3[%dma_wait3A_199, %dma_wait3A_200] : memref<50000x64xf32, #tpu.memory_space<hbm>> -> memref<50000x64xf32, #tpu.memory_space<hbm>>
        %dma_wait3A_202 = tpu.memref_slice %arg12[%select_n3A_157] : memref<2x!tpu.dma_semaphore, #tpu.memory_space<semaphore_mem>> -> memref<1x!tpu.dma_semaphore, #tpu.memory_space<semaphore_mem>>
        %dma_wait3A_203 = tpu.memref_squeeze %dma_wait3A_202 : memref<1x!tpu.dma_semaphore, #tpu.memory_space<semaphore_mem>> -> memref<!tpu.dma_semaphore, #tpu.memory_space<semaphore_mem>>
        tpu.wait_indirect_dma semaphore(%dma_wait3A_203 : memref<!tpu.dma_semaphore, #tpu.memory_space<semaphore_mem>>) src(%dma_wait3A_201 : memref<50000x64xf32, #tpu.memory_space<hbm>>) dst(%dma_wait3A_195 : memref<400x64xf32, #tpu.memory_space<vmem>>)
        %mul3A_204 = arith.constant 64 : i32
        %mul3A_205 = arith.muli %add3A_160, %mul3A_204 : i32
        %dma_wait3A_206 = arith.constant 0 : i32
        %dma_wait3A_207 = tpu.memref_slice %arg8[%select_n3A_157, %dma_wait3A_206] : memref<2x24576xf32, #tpu.memory_space<vmem>> -> memref<1x24576xf32, #tpu.memory_space<vmem>>
        %dma_wait3A_208 = tpu.memref_squeeze %dma_wait3A_207 : memref<1x24576xf32, #tpu.memory_space<vmem>> -> memref<24576xf32, #tpu.memory_space<vmem>>
        %dma_wait3A_209 = tpu.memref_slice %arg2[%mul3A_205] : memref<52428800xf32, #tpu.memory_space<hbm>> -> memref<24576xf32, #tpu.memory_space<hbm>>
        %dma_wait3A_210 = tpu.memref_slice %arg13[%select_n3A_157] : memref<2x!tpu.dma_semaphore, #tpu.memory_space<semaphore_mem>> -> memref<1x!tpu.dma_semaphore, #tpu.memory_space<semaphore_mem>>
        %dma_wait3A_211 = tpu.memref_squeeze %dma_wait3A_210 : memref<1x!tpu.dma_semaphore, #tpu.memory_space<semaphore_mem>> -> memref<!tpu.dma_semaphore, #tpu.memory_space<semaphore_mem>>
        %dma_wait3A_212 = arith.constant 0 : i32
        %dma_wait3A_213 = tpu.memref_slice %arg8[%select_n3A_157, %dma_wait3A_212] : memref<2x24576xf32, #tpu.memory_space<vmem>> -> memref<1x24576xf32, #tpu.memory_space<vmem>>
        %dma_wait3A_214 = tpu.memref_squeeze %dma_wait3A_213 : memref<1x24576xf32, #tpu.memory_space<vmem>> -> memref<24576xf32, #tpu.memory_space<vmem>>
        %dma_wait3A_215 = tpu.memref_slice %arg2[%mul3A_205] : memref<52428800xf32, #tpu.memory_space<hbm>> -> memref<24576xf32, #tpu.memory_space<hbm>>
        tpu.wait_dma2 semaphore(%dma_wait3A_211 : memref<!tpu.dma_semaphore, #tpu.memory_space<semaphore_mem>>) src(%dma_wait3A_215 : memref<24576xf32, #tpu.memory_space<hbm>>) dst(%dma_wait3A_214 : memref<24576xf32, #tpu.memory_space<vmem>>)
        %while3A_216:5 = scf.while (%while3A_234 = %while3A_139, %while3A_235 = %while3A_140, %while3A_236 = %while3A_141, %while3A_237 = %while3A_142, %while3A_238 = %while3A_143) : (i32, vector<16xf32>, vector<16xf32>, vector<16xf32>, vector<16xf32>) -> (i32, vector<16xf32>, vector<16xf32>, vector<16xf32>, vector<16xf32>) {
          %add3A_239 = arith.constant 196 : i32
          %add3A_240 = arith.addi %add3A_15, %add3A_239 : i32
          %lt3A_241 = arith.cmpi slt, %while3A_234, %add3A_240 : i32
          %add3A_242 = arith.constant 1 : i32
          %add3A_243 = arith.addi %while3A_234, %add3A_242 : i32
          %sub3A_244 = arith.subi %add3A_243, %mul3A_33 : i32
          %get3A_245 = arith.index_cast %sub3A_244 : i32 to index
          %get3A_246 = tpu.vector_load %arg7[%get3A_245] {strides = array<i32>} : memref<244xi32, #tpu.memory_space<vmem>>, vector<16xi32>,
          %slice3A_247 = vector.extract_strided_slice %get3A_246 {offsets = [0], sizes = [1], strides = [1]} : vector<16xi32> to vector<1xi32>
          %squeeze3A_248 = vector.extract %slice3A_247[0] : i32 from vector<1xi32>
          %le3A = arith.cmpi sle, %squeeze3A_248, %min3A : i32
          %and3A_249 = arith.andi %lt3A_241, %le3A : i1
          scf.condition(%and3A_249) %while3A_234, %while3A_235, %while3A_236, %while3A_237, %while3A_238 : i32, vector<16xf32>, vector<16xf32>, vector<16xf32>, vector<16xf32>
        } do {
        ^bb0(%while3A_234: i32, %while3A_235: vector<16xf32>, %while3A_236: vector<16xf32>, %while3A_237: vector<16xf32>, %while3A_238: vector<16xf32>):
          %sub3A_239 = arith.subi %while3A_234, %mul3A_33 : i32
          %get3A_240 = arith.index_cast %sub3A_239 : i32 to index
          %get3A_241 = tpu.vector_load %arg7[%get3A_240] {strides = array<i32>} : memref<244xi32, #tpu.memory_space<vmem>>, vector<16xi32>,
          %slice3A_242 = vector.extract_strided_slice %get3A_241 {offsets = [0], sizes = [1], strides = [1]} : vector<16xi32> to vector<1xi32>
          %squeeze3A_243 = vector.extract %slice3A_242[0] : i32 from vector<1xi32>
          %add3A_244 = arith.constant 1 : i32
          %add3A_245 = arith.addi %while3A_234, %add3A_244 : i32
          %sub3A_246 = arith.subi %add3A_245, %mul3A_33 : i32
          %get3A_247 = arith.index_cast %sub3A_246 : i32 to index
          %get3A_248 = tpu.vector_load %arg7[%get3A_247] {strides = array<i32>} : memref<244xi32, #tpu.memory_space<vmem>>, vector<16xi32>,
          %slice3A_249 = vector.extract_strided_slice %get3A_248 {offsets = [0], sizes = [1], strides = [1]} : vector<16xi32> to vector<1xi32>
          %squeeze3A_250 = vector.extract %slice3A_249[0] : i32 from vector<1xi32>
          %max3A_251 = arith.maxsi %squeeze3A_243, %add3A_160 : i32
          %while3A_252 = arith.subi %squeeze3A_250, %max3A_251 : i32
          %while3A_253 = arith.addi %max3A_251, %while3A_252 : i32
          %while3A_254 = arith.constant 1 : i32
          %while3A_255 = arith.divsi %while3A_252, %while3A_254 : i32
          %while3A_256 = arith.muli %while3A_255, %while3A_254 : i32
          %while3A_257 = arith.addi %max3A_251, %while3A_256 : i32
          %while3A_258 = arith.constant 1 : i32
          %while3A_259:4 = scf.for %while3A_292 = %max3A_251 to %while3A_257 step %while3A_258 iter_args(%while3A_293 = %while3A_235, %while3A_294 = %while3A_236, %while3A_295 = %while3A_237, %while3A_296 = %while3A_238) -> (vector<16xf32>, vector<16xf32>, vector<16xf32>, vector<16xf32>)  : i32 {
            %sub3A_297 = arith.subi %while3A_292, %add3A_160 : i32
            %mul3A_298 = arith.constant 64 : i32
            %mul3A_299 = arith.muli %sub3A_297, %mul3A_298 : i32
            %sub3A_300 = arith.subi %while3A_292, %mul3A_188 : i32
            %get3A_301 = arith.index_cast %select_n3A_157 : i32 to index
            %get3A_302 = arith.index_cast %mul3A_299 : i32 to index
            %get3A_303 = tpu.vector_load %arg8[%get3A_301, %get3A_302] {strides = array<i32>} : memref<2x24576xf32, #tpu.memory_space<vmem>>, vector<16xf32>,
            %get3A_304 = arith.index_cast %select_n3A_157 : i32 to index
            %get3A_305 = arith.index_cast %sub3A_300 : i32 to index
            %get3A_306 = arith.constant 0 : index
            %get3A_307 = tpu.vector_load %arg10[%get3A_304, %get3A_305, %get3A_306] {strides = array<i32>} : memref<2x400x64xf32, #tpu.memory_space<vmem>>, vector<16xf32>,
            %mul3A_308 = arith.mulf %get3A_303, %get3A_307 : vector<16xf32>
            %add3A_309 = arith.addf %while3A_293, %mul3A_308 : vector<16xf32>
            %add3A_310 = arith.constant 16 : i32
            %add3A_311 = arith.addi %mul3A_299, %add3A_310 : i32
            %get3A_312 = arith.index_cast %select_n3A_157 : i32 to index
            %get3A_313 = arith.index_cast %add3A_311 : i32 to index
            %get3A_314 = tpu.vector_load %arg8[%get3A_312, %get3A_313] {strides = array<i32>} : memref<2x24576xf32, #tpu.memory_space<vmem>>, vector<16xf32>,
            %get3A_315 = arith.index_cast %select_n3A_157 : i32 to index
            %get3A_316 = arith.index_cast %sub3A_300 : i32 to index
            %get3A_317 = arith.constant 16 : index
            %get3A_318 = tpu.vector_load %arg10[%get3A_315, %get3A_316, %get3A_317] {strides = array<i32>} : memref<2x400x64xf32, #tpu.memory_space<vmem>>, vector<16xf32>,
            %mul3A_319 = arith.mulf %get3A_314, %get3A_318 : vector<16xf32>
            %add3A_320 = arith.addf %while3A_294, %mul3A_319 : vector<16xf32>
            %add3A_321 = arith.constant 32 : i32
            %add3A_322 = arith.addi %mul3A_299, %add3A_321 : i32
            %get3A_323 = arith.index_cast %select_n3A_157 : i32 to index
            %get3A_324 = arith.index_cast %add3A_322 : i32 to index
            %get3A_325 = tpu.vector_load %arg8[%get3A_323, %get3A_324] {strides = array<i32>} : memref<2x24576xf32, #tpu.memory_space<vmem>>, vector<16xf32>,
            %get3A_326 = arith.index_cast %select_n3A_157 : i32 to index
            %get3A_327 = arith.index_cast %sub3A_300 : i32 to index
            %get3A_328 = arith.constant 32 : index
            %get3A_329 = tpu.vector_load %arg10[%get3A_326, %get3A_327, %get3A_328] {strides = array<i32>} : memref<2x400x64xf32, #tpu.memory_space<vmem>>, vector<16xf32>,
            %mul3A_330 = arith.mulf %get3A_325, %get3A_329 : vector<16xf32>
            %add3A_331 = arith.addf %while3A_295, %mul3A_330 : vector<16xf32>
            %add3A_332 = arith.constant 48 : i32
            %add3A_333 = arith.addi %mul3A_299, %add3A_332 : i32
            %get3A_334 = arith.index_cast %select_n3A_157 : i32 to index
            %get3A_335 = arith.index_cast %add3A_333 : i32 to index
            %get3A_336 = tpu.vector_load %arg8[%get3A_334, %get3A_335] {strides = array<i32>} : memref<2x24576xf32, #tpu.memory_space<vmem>>, vector<16xf32>,
            %get3A_337 = arith.index_cast %select_n3A_157 : i32 to index
            %get3A_338 = arith.index_cast %sub3A_300 : i32 to index
            %get3A_339 = arith.constant 48 : index
            %get3A_340 = tpu.vector_load %arg10[%get3A_337, %get3A_338, %get3A_339] {strides = array<i32>} : memref<2x400x64xf32, #tpu.memory_space<vmem>>, vector<16xf32>,
            %mul3A_341 = arith.mulf %get3A_336, %get3A_340 : vector<16xf32>
            %add3A_342 = arith.addf %while3A_296, %mul3A_341 : vector<16xf32>
            scf.yield %add3A_309, %add3A_320, %add3A_331, %add3A_342 : vector<16xf32>, vector<16xf32>, vector<16xf32>, vector<16xf32>
          }
          %while3A_260 = arith.constant 1 : i32
          %while3A_261:4 = scf.for %while3A_292 = %while3A_257 to %while3A_253 step %while3A_260 iter_args(%while3A_293 = %while3A_259#0, %while3A_294 = %while3A_259#1, %while3A_295 = %while3A_259#2, %while3A_296 = %while3A_259#3) -> (vector<16xf32>, vector<16xf32>, vector<16xf32>, vector<16xf32>)  : i32 {
            %sub3A_297 = arith.subi %while3A_292, %add3A_160 : i32
            %mul3A_298 = arith.constant 64 : i32
            %mul3A_299 = arith.muli %sub3A_297, %mul3A_298 : i32
            %sub3A_300 = arith.subi %while3A_292, %mul3A_188 : i32
            %get3A_301 = arith.index_cast %select_n3A_157 : i32 to index
            %get3A_302 = arith.index_cast %mul3A_299 : i32 to index
            %get3A_303 = tpu.vector_load %arg8[%get3A_301, %get3A_302] {strides = array<i32>} : memref<2x24576xf32, #tpu.memory_space<vmem>>, vector<16xf32>,
            %get3A_304 = arith.index_cast %select_n3A_157 : i32 to index
            %get3A_305 = arith.index_cast %sub3A_300 : i32 to index
            %get3A_306 = arith.constant 0 : index
            %get3A_307 = tpu.vector_load %arg10[%get3A_304, %get3A_305, %get3A_306] {strides = array<i32>} : memref<2x400x64xf32, #tpu.memory_space<vmem>>, vector<16xf32>,
            %mul3A_308 = arith.mulf %get3A_303, %get3A_307 : vector<16xf32>
            %add3A_309 = arith.addf %while3A_293, %mul3A_308 : vector<16xf32>
            %add3A_310 = arith.constant 16 : i32
            %add3A_311 = arith.addi %mul3A_299, %add3A_310 : i32
            %get3A_312 = arith.index_cast %select_n3A_157 : i32 to index
            %get3A_313 = arith.index_cast %add3A_311 : i32 to index
            %get3A_314 = tpu.vector_load %arg8[%get3A_312, %get3A_313] {strides = array<i32>} : memref<2x24576xf32, #tpu.memory_space<vmem>>, vector<16xf32>,
            %get3A_315 = arith.index_cast %select_n3A_157 : i32 to index
            %get3A_316 = arith.index_cast %sub3A_300 : i32 to index
            %get3A_317 = arith.constant 16 : index
            %get3A_318 = tpu.vector_load %arg10[%get3A_315, %get3A_316, %get3A_317] {strides = array<i32>} : memref<2x400x64xf32, #tpu.memory_space<vmem>>, vector<16xf32>,
            %mul3A_319 = arith.mulf %get3A_314, %get3A_318 : vector<16xf32>
            %add3A_320 = arith.addf %while3A_294, %mul3A_319 : vector<16xf32>
            %add3A_321 = arith.constant 32 : i32
            %add3A_322 = arith.addi %mul3A_299, %add3A_321 : i32
            %get3A_323 = arith.index_cast %select_n3A_157 : i32 to index
            %get3A_324 = arith.index_cast %add3A_322 : i32 to index
            %get3A_325 = tpu.vector_load %arg8[%get3A_323, %get3A_324] {strides = array<i32>} : memref<2x24576xf32, #tpu.memory_space<vmem>>, vector<16xf32>,
            %get3A_326 = arith.index_cast %select_n3A_157 : i32 to index
            %get3A_327 = arith.index_cast %sub3A_300 : i32 to index
            %get3A_328 = arith.constant 32 : index
            %get3A_329 = tpu.vector_load %arg10[%get3A_326, %get3A_327, %get3A_328] {strides = array<i32>} : memref<2x400x64xf32, #tpu.memory_space<vmem>>, vector<16xf32>,
            %mul3A_330 = arith.mulf %get3A_325, %get3A_329 : vector<16xf32>
            %add3A_331 = arith.addf %while3A_295, %mul3A_330 : vector<16xf32>
            %add3A_332 = arith.constant 48 : i32
            %add3A_333 = arith.addi %mul3A_299, %add3A_332 : i32
            %get3A_334 = arith.index_cast %select_n3A_157 : i32 to index
            %get3A_335 = arith.index_cast %add3A_333 : i32 to index
            %get3A_336 = tpu.vector_load %arg8[%get3A_334, %get3A_335] {strides = array<i32>} : memref<2x24576xf32, #tpu.memory_space<vmem>>, vector<16xf32>,
            %get3A_337 = arith.index_cast %select_n3A_157 : i32 to index
            %get3A_338 = arith.index_cast %sub3A_300 : i32 to index
            %get3A_339 = arith.constant 48 : index
            %get3A_340 = tpu.vector_load %arg10[%get3A_337, %get3A_338, %get3A_339] {strides = array<i32>} : memref<2x400x64xf32, #tpu.memory_space<vmem>>, vector<16xf32>,
            %mul3A_341 = arith.mulf %get3A_336, %get3A_340 : vector<16xf32>
            %add3A_342 = arith.addf %while3A_296, %mul3A_341 : vector<16xf32>
            scf.yield %add3A_309, %add3A_320, %add3A_331, %add3A_342 : vector<16xf32>, vector<16xf32>, vector<16xf32>, vector<16xf32>
          }
          %broadcast_in_dim3A_262 = arith.constant 1.000000e+00 : f32
          %broadcast_in_dim3A_263 = vector.broadcast %broadcast_in_dim3A_262 : f32 to vector<16xf32>
          %sub3A_264 = arith.subi %squeeze3A_250, %squeeze3A_243 : i32
          %max3A_265 = arith.constant 1 : i32
          %max3A_266 = arith.maxsi %sub3A_264, %max3A_265 : i32
          %convert_element_type3A_267 = arith.sitofp %max3A_266 : i32 to f32
          %broadcast_in_dim3A_268 = vector.broadcast %convert_element_type3A_267 : f32 to vector<16xf32>
          %div3A_269 = arith.divf %broadcast_in_dim3A_263, %broadcast_in_dim3A_268 : vector<16xf32>
          %sub3A_270 = arith.subi %while3A_234, %add3A_15 : i32
          %mul3A_271 = arith.constant 64 : i32
          %mul3A_272 = arith.muli %sub3A_270, %mul3A_271 : i32
          %mul3A_273 = arith.mulf %while3A_261#0, %div3A_269 : vector<16xf32>
          %swap3A = arith.index_cast %mul3A_272 : i32 to index
          %swap3A_274 = tpu.vector_load %arg11[%swap3A] {strides = array<i32>} : memref<12544xf32, #tpu.memory_space<vmem>>, vector<16xf32>,
          tpu.vector_store %arg11[%swap3A], %mul3A_273 {strides = array<i32>} : memref<12544xf32, #tpu.memory_space<vmem>>, vector<16xf32>,
          %mul3A_275 = arith.mulf %while3A_261#1, %div3A_269 : vector<16xf32>
          %add3A_276 = arith.constant 16 : i32
          %add3A_277 = arith.addi %mul3A_272, %add3A_276 : i32
          %swap3A_278 = arith.index_cast %add3A_277 : i32 to index
          %swap3A_279 = tpu.vector_load %arg11[%swap3A_278] {strides = array<i32>} : memref<12544xf32, #tpu.memory_space<vmem>>, vector<16xf32>,
          tpu.vector_store %arg11[%swap3A_278], %mul3A_275 {strides = array<i32>} : memref<12544xf32, #tpu.memory_space<vmem>>, vector<16xf32>,
          %mul3A_280 = arith.mulf %while3A_261#2, %div3A_269 : vector<16xf32>
          %add3A_281 = arith.constant 32 : i32
          %add3A_282 = arith.addi %mul3A_272, %add3A_281 : i32
          %swap3A_283 = arith.index_cast %add3A_282 : i32 to index
          %swap3A_284 = tpu.vector_load %arg11[%swap3A_283] {strides = array<i32>} : memref<12544xf32, #tpu.memory_space<vmem>>, vector<16xf32>,
          tpu.vector_store %arg11[%swap3A_283], %mul3A_280 {strides = array<i32>} : memref<12544xf32, #tpu.memory_space<vmem>>, vector<16xf32>,
          %mul3A_285 = arith.mulf %while3A_261#3, %div3A_269 : vector<16xf32>
          %add3A_286 = arith.constant 48 : i32
          %add3A_287 = arith.addi %mul3A_272, %add3A_286 : i32
          %swap3A_288 = arith.index_cast %add3A_287 : i32 to index
          %swap3A_289 = tpu.vector_load %arg11[%swap3A_288] {strides = array<i32>} : memref<12544xf32, #tpu.memory_space<vmem>>, vector<16xf32>,
          tpu.vector_store %arg11[%swap3A_288], %mul3A_285 {strides = array<i32>} : memref<12544xf32, #tpu.memory_space<vmem>>, vector<16xf32>,
          %add3A_290 = arith.constant 1 : i32
          %add3A_291 = arith.addi %while3A_234, %add3A_290 : i32
          scf.yield %add3A_291, %broadcast_in_dim3A_3, %broadcast_in_dim3A_3, %broadcast_in_dim3A_3, %broadcast_in_dim3A_3 : i32, vector<16xf32>, vector<16xf32>, vector<16xf32>, vector<16xf32>
        }
        %sub3A_217 = arith.subi %while3A_216#0, %mul3A_33 : i32
        %get3A_218 = arith.index_cast %sub3A_217 : i32 to index
        %get3A_219 = tpu.vector_load %arg7[%get3A_218] {strides = array<i32>} : memref<244xi32, #tpu.memory_space<vmem>>, vector<16xi32>,
        %slice3A_220 = vector.extract_strided_slice %get3A_219 {offsets = [0], sizes = [1], strides = [1]} : vector<16xi32> to vector<1xi32>
        %squeeze3A_221 = vector.extract %slice3A_220[0] : i32 from vector<1xi32>
        %max3A_222 = arith.maxsi %squeeze3A_221, %add3A_160 : i32
        %max3A_223 = arith.maxsi %min3A, %max3A_222 : i32
        %while3A_224 = arith.subi %max3A_223, %max3A_222 : i32
        %while3A_225 = arith.addi %max3A_222, %while3A_224 : i32
        %while3A_226 = arith.constant 1 : i32
        %while3A_227 = arith.divsi %while3A_224, %while3A_226 : i32
        %while3A_228 = arith.muli %while3A_227, %while3A_226 : i32
        %while3A_229 = arith.addi %max3A_222, %while3A_228 : i32
        %while3A_230 = arith.constant 1 : i32
        %while3A_231:4 = scf.for %while3A_234 = %max3A_222 to %while3A_229 step %while3A_230 iter_args(%while3A_235 = %while3A_216#1, %while3A_236 = %while3A_216#2, %while3A_237 = %while3A_216#3, %while3A_238 = %while3A_216#4) -> (vector<16xf32>, vector<16xf32>, vector<16xf32>, vector<16xf32>)  : i32 {
          %sub3A_239 = arith.subi %while3A_234, %add3A_160 : i32
          %mul3A_240 = arith.constant 64 : i32
          %mul3A_241 = arith.muli %sub3A_239, %mul3A_240 : i32
          %sub3A_242 = arith.subi %while3A_234, %mul3A_188 : i32
          %get3A_243 = arith.index_cast %select_n3A_157 : i32 to index
          %get3A_244 = arith.index_cast %mul3A_241 : i32 to index
          %get3A_245 = tpu.vector_load %arg8[%get3A_243, %get3A_244] {strides = array<i32>} : memref<2x24576xf32, #tpu.memory_space<vmem>>, vector<16xf32>,
          %get3A_246 = arith.index_cast %select_n3A_157 : i32 to index
          %get3A_247 = arith.index_cast %sub3A_242 : i32 to index
          %get3A_248 = arith.constant 0 : index
          %get3A_249 = tpu.vector_load %arg10[%get3A_246, %get3A_247, %get3A_248] {strides = array<i32>} : memref<2x400x64xf32, #tpu.memory_space<vmem>>, vector<16xf32>,
          %mul3A_250 = arith.mulf %get3A_245, %get3A_249 : vector<16xf32>
          %add3A_251 = arith.addf %while3A_235, %mul3A_250 : vector<16xf32>
          %add3A_252 = arith.constant 16 : i32
          %add3A_253 = arith.addi %mul3A_241, %add3A_252 : i32
          %get3A_254 = arith.index_cast %select_n3A_157 : i32 to index
          %get3A_255 = arith.index_cast %add3A_253 : i32 to index
          %get3A_256 = tpu.vector_load %arg8[%get3A_254, %get3A_255] {strides = array<i32>} : memref<2x24576xf32, #tpu.memory_space<vmem>>, vector<16xf32>,
          %get3A_257 = arith.index_cast %select_n3A_157 : i32 to index
          %get3A_258 = arith.index_cast %sub3A_242 : i32 to index
          %get3A_259 = arith.constant 16 : index
          %get3A_260 = tpu.vector_load %arg10[%get3A_257, %get3A_258, %get3A_259] {strides = array<i32>} : memref<2x400x64xf32, #tpu.memory_space<vmem>>, vector<16xf32>,
          %mul3A_261 = arith.mulf %get3A_256, %get3A_260 : vector<16xf32>
          %add3A_262 = arith.addf %while3A_236, %mul3A_261 : vector<16xf32>
          %add3A_263 = arith.constant 32 : i32
          %add3A_264 = arith.addi %mul3A_241, %add3A_263 : i32
          %get3A_265 = arith.index_cast %select_n3A_157 : i32 to index
          %get3A_266 = arith.index_cast %add3A_264 : i32 to index
          %get3A_267 = tpu.vector_load %arg8[%get3A_265, %get3A_266] {strides = array<i32>} : memref<2x24576xf32, #tpu.memory_space<vmem>>, vector<16xf32>,
          %get3A_268 = arith.index_cast %select_n3A_157 : i32 to index
          %get3A_269 = arith.index_cast %sub3A_242 : i32 to index
          %get3A_270 = arith.constant 32 : index
          %get3A_271 = tpu.vector_load %arg10[%get3A_268, %get3A_269, %get3A_270] {strides = array<i32>} : memref<2x400x64xf32, #tpu.memory_space<vmem>>, vector<16xf32>,
          %mul3A_272 = arith.mulf %get3A_267, %get3A_271 : vector<16xf32>
          %add3A_273 = arith.addf %while3A_237, %mul3A_272 : vector<16xf32>
          %add3A_274 = arith.constant 48 : i32
          %add3A_275 = arith.addi %mul3A_241, %add3A_274 : i32
          %get3A_276 = arith.index_cast %select_n3A_157 : i32 to index
          %get3A_277 = arith.index_cast %add3A_275 : i32 to index
          %get3A_278 = tpu.vector_load %arg8[%get3A_276, %get3A_277] {strides = array<i32>} : memref<2x24576xf32, #tpu.memory_space<vmem>>, vector<16xf32>,
          %get3A_279 = arith.index_cast %select_n3A_157 : i32 to index
          %get3A_280 = arith.index_cast %sub3A_242 : i32 to index
          %get3A_281 = arith.constant 48 : index
          %get3A_282 = tpu.vector_load %arg10[%get3A_279, %get3A_280, %get3A_281] {strides = array<i32>} : memref<2x400x64xf32, #tpu.memory_space<vmem>>, vector<16xf32>,
          %mul3A_283 = arith.mulf %get3A_278, %get3A_282 : vector<16xf32>
          %add3A_284 = arith.addf %while3A_238, %mul3A_283 : vector<16xf32>
          scf.yield %add3A_251, %add3A_262, %add3A_273, %add3A_284 : vector<16xf32>, vector<16xf32>, vector<16xf32>, vector<16xf32>
        }
        %while3A_232 = arith.constant 1 : i32
        %while3A_233:4 = scf.for %while3A_234 = %while3A_229 to %while3A_225 step %while3A_232 iter_args(%while3A_235 = %while3A_231#0, %while3A_236 = %while3A_231#1, %while3A_237 = %while3A_231#2, %while3A_238 = %while3A_231#3) -> (vector<16xf32>, vector<16xf32>, vector<16xf32>, vector<16xf32>)  : i32 {
          %sub3A_239 = arith.subi %while3A_234, %add3A_160 : i32
          %mul3A_240 = arith.constant 64 : i32
          %mul3A_241 = arith.muli %sub3A_239, %mul3A_240 : i32
          %sub3A_242 = arith.subi %while3A_234, %mul3A_188 : i32
          %get3A_243 = arith.index_cast %select_n3A_157 : i32 to index
          %get3A_244 = arith.index_cast %mul3A_241 : i32 to index
          %get3A_245 = tpu.vector_load %arg8[%get3A_243, %get3A_244] {strides = array<i32>} : memref<2x24576xf32, #tpu.memory_space<vmem>>, vector<16xf32>,
          %get3A_246 = arith.index_cast %select_n3A_157 : i32 to index
          %get3A_247 = arith.index_cast %sub3A_242 : i32 to index
          %get3A_248 = arith.constant 0 : index
          %get3A_249 = tpu.vector_load %arg10[%get3A_246, %get3A_247, %get3A_248] {strides = array<i32>} : memref<2x400x64xf32, #tpu.memory_space<vmem>>, vector<16xf32>,
          %mul3A_250 = arith.mulf %get3A_245, %get3A_249 : vector<16xf32>
          %add3A_251 = arith.addf %while3A_235, %mul3A_250 : vector<16xf32>
          %add3A_252 = arith.constant 16 : i32
          %add3A_253 = arith.addi %mul3A_241, %add3A_252 : i32
          %get3A_254 = arith.index_cast %select_n3A_157 : i32 to index
          %get3A_255 = arith.index_cast %add3A_253 : i32 to index
          %get3A_256 = tpu.vector_load %arg8[%get3A_254, %get3A_255] {strides = array<i32>} : memref<2x24576xf32, #tpu.memory_space<vmem>>, vector<16xf32>,
          %get3A_257 = arith.index_cast %select_n3A_157 : i32 to index
          %get3A_258 = arith.index_cast %sub3A_242 : i32 to index
          %get3A_259 = arith.constant 16 : index
          %get3A_260 = tpu.vector_load %arg10[%get3A_257, %get3A_258, %get3A_259] {strides = array<i32>} : memref<2x400x64xf32, #tpu.memory_space<vmem>>, vector<16xf32>,
          %mul3A_261 = arith.mulf %get3A_256, %get3A_260 : vector<16xf32>
          %add3A_262 = arith.addf %while3A_236, %mul3A_261 : vector<16xf32>
          %add3A_263 = arith.constant 32 : i32
          %add3A_264 = arith.addi %mul3A_241, %add3A_263 : i32
          %get3A_265 = arith.index_cast %select_n3A_157 : i32 to index
          %get3A_266 = arith.index_cast %add3A_264 : i32 to index
          %get3A_267 = tpu.vector_load %arg8[%get3A_265, %get3A_266] {strides = array<i32>} : memref<2x24576xf32, #tpu.memory_space<vmem>>, vector<16xf32>,
          %get3A_268 = arith.index_cast %select_n3A_157 : i32 to index
          %get3A_269 = arith.index_cast %sub3A_242 : i32 to index
          %get3A_270 = arith.constant 32 : index
          %get3A_271 = tpu.vector_load %arg10[%get3A_268, %get3A_269, %get3A_270] {strides = array<i32>} : memref<2x400x64xf32, #tpu.memory_space<vmem>>, vector<16xf32>,
          %mul3A_272 = arith.mulf %get3A_267, %get3A_271 : vector<16xf32>
          %add3A_273 = arith.addf %while3A_237, %mul3A_272 : vector<16xf32>
          %add3A_274 = arith.constant 48 : i32
          %add3A_275 = arith.addi %mul3A_241, %add3A_274 : i32
          %get3A_276 = arith.index_cast %select_n3A_157 : i32 to index
          %get3A_277 = arith.index_cast %add3A_275 : i32 to index
          %get3A_278 = tpu.vector_load %arg8[%get3A_276, %get3A_277] {strides = array<i32>} : memref<2x24576xf32, #tpu.memory_space<vmem>>, vector<16xf32>,
          %get3A_279 = arith.index_cast %select_n3A_157 : i32 to index
          %get3A_280 = arith.index_cast %sub3A_242 : i32 to index
          %get3A_281 = arith.constant 48 : index
          %get3A_282 = tpu.vector_load %arg10[%get3A_279, %get3A_280, %get3A_281] {strides = array<i32>} : memref<2x400x64xf32, #tpu.memory_space<vmem>>, vector<16xf32>,
          %mul3A_283 = arith.mulf %get3A_278, %get3A_282 : vector<16xf32>
          %add3A_284 = arith.addf %while3A_238, %mul3A_283 : vector<16xf32>
          scf.yield %add3A_251, %add3A_262, %add3A_273, %add3A_284 : vector<16xf32>, vector<16xf32>, vector<16xf32>, vector<16xf32>
        }
        scf.yield %while3A_216#0, %while3A_233#0, %while3A_233#1, %while3A_233#2, %while3A_233#3 : i32, vector<16xf32>, vector<16xf32>, vector<16xf32>, vector<16xf32>
      }
      %mul3A_136 = arith.constant 64 : i32
      %mul3A_137 = arith.muli %add3A_15, %mul3A_136 : i32
      "tpu.region"() ({
        %run_scoped3A_138 = tpu.sem_alloc : memref<!tpu.dma_semaphore, #tpu.memory_space<semaphore_mem>>
        %dma_start3A_139 = tpu.memref_slice %arg6[%mul3A_137] : memref<3211264xf32, #tpu.memory_space<hbm>> -> memref<12544xf32, #tpu.memory_space<hbm>>
        %dma_start3A_140 = tpu.memref_slice %arg6[%mul3A_137] : memref<3211264xf32, #tpu.memory_space<hbm>> -> memref<12544xf32, #tpu.memory_space<hbm>>
        tpu.enqueue_dma source(%arg11 : memref<12544xf32, #tpu.memory_space<vmem>>) target(%dma_start3A_140 : memref<12544xf32, #tpu.memory_space<hbm>>) target_semaphore(%run_scoped3A_138 : memref<!tpu.dma_semaphore, #tpu.memory_space<semaphore_mem>>)
        %dma_wait3A = tpu.memref_slice %arg6[%mul3A_137] : memref<3211264xf32, #tpu.memory_space<hbm>> -> memref<12544xf32, #tpu.memory_space<hbm>>
        %dma_wait3A_141 = tpu.memref_slice %arg6[%mul3A_137] : memref<3211264xf32, #tpu.memory_space<hbm>> -> memref<12544xf32, #tpu.memory_space<hbm>>
        tpu.wait_dma2 semaphore(%run_scoped3A_138 : memref<!tpu.dma_semaphore, #tpu.memory_space<semaphore_mem>>) src(%arg11 : memref<12544xf32, #tpu.memory_space<vmem>>) dst(%dma_wait3A_141 : memref<12544xf32, #tpu.memory_space<hbm>>)
        tpu.yield
      }) : () -> ()
    }
    %scan3A_7 = arith.constant 8 : i32
    return
  }
}

module attributes {stable_mosaic.version = 14 : i64} {
  func.func @body(%arg0: i32, %arg1: memref<512x128xf32, #tpu.memory_space<vmem>>, %arg2: memref<512x128xf32, #tpu.memory_space<vmem>>, %arg3: memref<128x512xf32, #tpu.memory_space<vmem>>, %arg4: memref<128x512xf32, #tpu.memory_space<vmem>>, %arg5: memref<1x512xf32, #tpu.memory_space<vmem>>, %arg6: memref<128x128xf32, #tpu.memory_space<vmem>>, %arg7: memref<1x128xf32, #tpu.memory_space<vmem>>, %arg8: memref<2048x128xf32, #tpu.memory_space<vmem>>) attributes {dimension_semantics = [#tpu.dimension_semantics<arbitrary>], iteration_bounds = array<i64: 200>, scalar_prefetch = 0 : i64, scratch_operands = 0 : i64, tpu.core_type = #tpu.core_type<tc>, window_params = [{transform_indices = @transform_0, window_bounds = array<i64: 512, 128>}, {transform_indices = @transform_1, window_bounds = array<i64: 512, 128>}, {pipeline_mode = #tpu.pipeline_mode<synchronous>, transform_indices = @transform_2, window_bounds = array<i64: 128, 512>}, {pipeline_mode = #tpu.pipeline_mode<synchronous>, transform_indices = @transform_3, window_bounds = array<i64: 128, 512>}, {pipeline_mode = #tpu.pipeline_mode<synchronous>, transform_indices = @transform_4, window_bounds = array<i64: 1, 512>}, {pipeline_mode = #tpu.pipeline_mode<synchronous>, transform_indices = @transform_5, window_bounds = array<i64: 128, 128>}, {pipeline_mode = #tpu.pipeline_mode<synchronous>, transform_indices = @transform_6, window_bounds = array<i64: 1, 128>}, {transform_indices = @transform_7, window_bounds = array<i64: 2048, 128>}]} {
    %get3A = arith.constant 0 : index
    %get3A_0 = arith.constant 0 : index
    %get3A_1 = vector.load %arg1[%get3A, %get3A_0] : memref<512x128xf32, #tpu.memory_space<vmem>>, vector<512x128xf32>
    %get3A_2 = arith.constant 0 : index
    %get3A_3 = arith.constant 0 : index
    %get3A_4 = vector.load %arg3[%get3A_2, %get3A_3] : memref<128x512xf32, #tpu.memory_space<vmem>>, vector<128x512xf32>
    %dot_general3A = arith.constant dense<0.000000e+00> : vector<512x512xf32>
    %dot_general3A_5 = tpu.matmul %get3A_1, %get3A_4, %dot_general3A {dimension_numbers = #tpu.dot_dimension_numbers<[1], [0], [0], [1], [0, 0, 1, 1], [], []>, transpose_lhs_hint = false} : vector<512x128xf32>, vector<128x512xf32>, vector<512x512xf32> -> vector<512x512xf32>
    %get3A_6 = arith.constant 0 : index
    %get3A_7 = arith.constant 0 : index
    %get3A_8 = vector.load %arg2[%get3A_6, %get3A_7] : memref<512x128xf32, #tpu.memory_space<vmem>>, vector<512x128xf32>
    %get3A_9 = arith.constant 0 : index
    %get3A_10 = arith.constant 0 : index
    %get3A_11 = vector.load %arg4[%get3A_9, %get3A_10] : memref<128x512xf32, #tpu.memory_space<vmem>>, vector<128x512xf32>
    %dot_general3A_12 = arith.constant dense<0.000000e+00> : vector<512x512xf32>
    %dot_general3A_13 = tpu.matmul %get3A_8, %get3A_11, %dot_general3A_12 {dimension_numbers = #tpu.dot_dimension_numbers<[1], [0], [0], [1], [0, 0, 1, 1], [], []>, transpose_lhs_hint = false} : vector<512x128xf32>, vector<128x512xf32>, vector<512x512xf32> -> vector<512x512xf32>
    %add3A = arith.addf %dot_general3A_5, %dot_general3A_13 : vector<512x512xf32>
    %get3A_14 = arith.constant 0 : index
    %get3A_15 = arith.constant 0 : index
    %get3A_16 = vector.load %arg5[%get3A_14, %get3A_15] : memref<1x512xf32, #tpu.memory_space<vmem>>, vector<1x512xf32>
    %add3A_17 = vector.broadcast %get3A_16 : vector<1x512xf32> to vector<512x512xf32>
    %add3A_18 = arith.addf %add3A, %add3A_17 : vector<512x512xf32>
    %integer_pow3A = arith.mulf %add3A_18, %add3A_18 : vector<512x512xf32>
    %integer_pow3A_19 = arith.mulf %add3A_18, %integer_pow3A : vector<512x512xf32>
    %mul3A = arith.constant 4.471500e-02 : f32
    %mul3A_20 = vector.broadcast %mul3A : f32 to vector<512x512xf32>
    %mul3A_21 = arith.mulf %mul3A_20, %integer_pow3A_19 : vector<512x512xf32>
    %add3A_22 = arith.addf %add3A_18, %mul3A_21 : vector<512x512xf32>
    %mul3A_23 = arith.constant 0.797884583 : f32
    %mul3A_24 = vector.broadcast %mul3A_23 : f32 to vector<512x512xf32>
    %mul3A_25 = arith.mulf %mul3A_24, %add3A_22 : vector<512x512xf32>
    %tanh3A = math.tanh %mul3A_25 : vector<512x512xf32>
    %add3A_26 = arith.constant 1.000000e+00 : f32
    %add3A_27 = vector.broadcast %add3A_26 : f32 to vector<512x512xf32>
    %add3A_28 = arith.addf %add3A_27, %tanh3A : vector<512x512xf32>
    %mul3A_29 = arith.constant 5.000000e-01 : f32
    %mul3A_30 = vector.broadcast %mul3A_29 : f32 to vector<512x512xf32>
    %mul3A_31 = arith.mulf %mul3A_30, %add3A_28 : vector<512x512xf32>
    %mul3A_32 = arith.mulf %add3A_18, %mul3A_31 : vector<512x512xf32>
    %reshape3A = vector.shape_cast %mul3A_32 : vector<512x512xf32> to vector<2048x128xf32>
    %get3A_33 = arith.constant 0 : index
    %get3A_34 = arith.constant 0 : index
    %get3A_35 = vector.load %arg6[%get3A_33, %get3A_34] : memref<128x128xf32, #tpu.memory_space<vmem>>, vector<128x128xf32>
    %dot_general3A_36 = arith.constant dense<0.000000e+00> : vector<2048x128xf32>
    %dot_general3A_37 = tpu.matmul %reshape3A, %get3A_35, %dot_general3A_36 {dimension_numbers = #tpu.dot_dimension_numbers<[1], [0], [0], [1], [0, 0, 1, 1], [], []>, transpose_lhs_hint = false} : vector<2048x128xf32>, vector<128x128xf32>, vector<2048x128xf32> -> vector<2048x128xf32>
    %get3A_38 = arith.constant 0 : index
    %get3A_39 = arith.constant 0 : index
    %get3A_40 = vector.load %arg7[%get3A_38, %get3A_39] : memref<1x128xf32, #tpu.memory_space<vmem>>, vector<1x128xf32>
    %add3A_41 = vector.broadcast %get3A_40 : vector<1x128xf32> to vector<2048x128xf32>
    %add3A_42 = arith.addf %dot_general3A_37, %add3A_41 : vector<2048x128xf32>
    %swap3A = arith.constant 0 : index
    %swap3A_43 = arith.constant 0 : index
    %swap3A_44 = vector.load %arg8[%swap3A, %swap3A_43] : memref<2048x128xf32, #tpu.memory_space<vmem>>, vector<2048x128xf32>
    tpu.vector_store %arg8[%swap3A, %swap3A_43], %add3A_42 {strides = array<i32>} : memref<2048x128xf32, #tpu.memory_space<vmem>>, vector<2048x128xf32>,
    return
  }
  func.func @transform_0(%arg0: i32) -> (i32, i32) {
    %c0_i32 = arith.constant 0 : i32
    %c0_i32_0 = arith.constant 0 : i32
    return %arg0, %c0_i32 : i32, i32
  }
  func.func @transform_1(%arg0: i32) -> (i32, i32) {
    %c0_i32 = arith.constant 0 : i32
    %c0_i32_0 = arith.constant 0 : i32
    return %arg0, %c0_i32 : i32, i32
  }
  func.func @transform_2(%arg0: i32) -> (i32, i32) {
    %c0_i32 = arith.constant 0 : i32
    %c0_i32_0 = arith.constant 0 : i32
    %c0_i32_1 = arith.constant 0 : i32
    return %c0_i32, %c0_i32_0 : i32, i32
  }
  func.func @transform_3(%arg0: i32) -> (i32, i32) {
    %c0_i32 = arith.constant 0 : i32
    %c0_i32_0 = arith.constant 0 : i32
    %c0_i32_1 = arith.constant 0 : i32
    return %c0_i32, %c0_i32_0 : i32, i32
  }
  func.func @transform_4(%arg0: i32) -> (i32, i32) {
    %c0_i32 = arith.constant 0 : i32
    %c0_i32_0 = arith.constant 0 : i32
    %c0_i32_1 = arith.constant 0 : i32
    return %c0_i32, %c0_i32_0 : i32, i32
  }
  func.func @transform_5(%arg0: i32) -> (i32, i32) {
    %c0_i32 = arith.constant 0 : i32
    %c0_i32_0 = arith.constant 0 : i32
    %c0_i32_1 = arith.constant 0 : i32
    return %c0_i32, %c0_i32_0 : i32, i32
  }
  func.func @transform_6(%arg0: i32) -> (i32, i32) {
    %c0_i32 = arith.constant 0 : i32
    %c0_i32_0 = arith.constant 0 : i32
    %c0_i32_1 = arith.constant 0 : i32
    return %c0_i32, %c0_i32_0 : i32, i32
  }
  func.func @transform_7(%arg0: i32) -> (i32, i32) {
    %c0_i32 = arith.constant 0 : i32
    %c0_i32_0 = arith.constant 0 : i32
    return %arg0, %c0_i32 : i32, i32
  }
}

</mosaic_0001>

<sc_bundles>
// kernel: kernel.5.cloned.1.call-start
scs
__scs_entry_jumppad:
0x0: {  	(pc) =	sbr.rel $0x88, $3  }
0x1: {  	(tag) =	ssettag $0x0;
	lr =	simm.s32 $0x1  }
0x2: {  	[smem:$0x3F98] =	sst lr;
	_ =	strace $0xD0000000  }
0x3: {  	_ = 	snop  }
0x4: {  	_ = 	snop  }
0x5: {  	_ = 	snop  }
0x6: {  	_ = 	snop  }
0x7: {  	_ = 	snop  }
__scs_overlays_trampoline_lowered:
0x8: {  	[smem:$0x3FA7] =	sst s0  }
0x9: {  	[smem:$0x3FA8] =	sst s1  }
0xa: {  	[smem:$0x3FA9] =	sst s2  }
0xb: {  	[smem:$0x3FAA] =	sst s3  }
0xc: {  	[smem:$0x3FAB] =	sst s4  }
0xd: {  	[smem:$0x3FAC] =	sst s5  }
0xe: {  	[smem:$0x3FAD] =	sst s6  }
0xf: {  	[smem:$0x3FAE] =	sst s7  }
0x10: {  	[smem:$0x3FAF] =	sst s8  }
0x11: {  	[smem:$0x3FB0] =	sst s9;
	s0 =	simm.s32 @!p0 $0x0  }
0x12: {  	s1 =	sld [smem:$0x3F96];
	s0 =	simm.s32 @p0 $0x1  }
0x13: {  	[smem:$0x3FB1] =	sst s0;
	s0 =	simm.s32 @!p1 $0x0  }
0x14: {  	s2 =	sld [smem:$0x3F95];
	s0 =	simm.s32 @p1 $0x1  }
0x15: {  	[smem:$0x3FB2] =	sst s0;
	s0 =	simm.s32 @!p2 $0x0  }
0x16: {  	s3 =	sld [smem:$0x3FDB];
	s0 =	simm.s32 @p2 $0x1  }
0x17: {  	s4 =	simm.s32 $0x1BF5;
	[smem:$0x3FB4] =	sst s0  }
0x18: {  	s0 =	sld [smem:$0x3F97];
	_ =	swait.ge [sflag:s4], $0x0  }
0x19: {  	s7 =	sld [smem:$0x3F98]  }
0x1a: {  	s8 =	sadd.s32 $0xFFFFE003, lr  }
0x1b: {  	s9 =	sadd.s32 $0xFFFFFEF7, lr;
	s5 =	simm.s32 $0xFFFFFFFF;
	p2 =	slt.u32 s8, $0xFFFFF086  }
0x1c: {  	p1 =	slt.u32 s9, $0xF7A;
	s5 =	simm.s32 @!p2 $0x0  }
0x1d: {  	s5 =	simm.s32 @p1 $0x1;
	p0 =	seq.s32 s7, s2  }
0x1e: {  	s7 =	smul.u32 @!p0 $0xF7A, s2;
	p2 =	seq.s32 @!p0 s5, $0x0  }
0x1f: {  	s9 =	smul.u32 $0xF7A, s1;
	s8 =	simm.s32 @!p0 $0x1BF5;
	p2 =	por !p2, p0  }
0x20: {  	[sflag:s8] =	ssyncset.s32 @!p0 $0xFFFFF086;
	s6 =	sadd.s32 @!p0 s3, s7;
	s7 =	simm.s32 @!p0 $0x108  }
0x21: {  	s3 =	sadd.s32 s3, s9;
	s6 =	sadd.s32 @!p0 $0x88, s6;
	s7 =	simm.s32 @p2 $0x1082  }
0x22: {  	[simem:s7], [sflag:s8] =	dma.local @!p0 [hbm:s6], $0xF7A  }
0x23: {  	s9 =	sor.u32 $0xD0000000, s2;
	s6 =	simm.s32 $0x108;
	_ =	swait.ge @!p0 [sflag:s8], $0x0  }
0x24: {  	s3 =	sadd.s32 $0x88, s3;
	s6 =	simm.s32 @!p1 $0x1082;
	[sflag:s4] =	ssyncset.s32 $0xFFFFF086  }
0x25: {  	[simem:s6], [sflag:s4] =	dma.local [hbm:s3], $0xF7A  }
0x26: {  	[smem:$0x3F98] =	sst s1;
	(tag) =	ssettag s2;
	_ =	strace s9  }
0x27: {  	s1 =	sld [smem:$0x3FA8]  }
0x28: {  	s2 =	sld [smem:$0x3FA9]  }
0x29: {  	s4 =	sld [smem:$0x3FAB]  }
0x2a: {  	p0 =	seq.s32 s5, $0x0;
	s5 =	sld [smem:$0x3FAC]  }
0x2b: {  	s6 =	sld [smem:$0x3FAD]  }
0x2c: {  	s7 =	sld [smem:$0x3FAE]  }
0x2d: {  	s3 =	simm.s32 $0x108;
	s8 =	sld [smem:$0x3FAF]  }
0x2e: {  	s3 =	simm.s32 @!p0 $0x1082;
	s9 =	sld [smem:$0x3FB0]  }
0x2f: {  	lr =	sadd.s32 s0, s3;
	s0 =	sld [smem:$0x3FA7]  }
0x30: {  	s3 =	sld [smem:$0x3FAA]  }
0x31: {  	[smem:$0x3FB3] =	sst s10  }
0x32: {  	s10 =	sld [smem:$0x3FB1];
	_ =	sdelay $0x3  }
0x33: {  	p0 =	seq.s32 s10, $0x1;
	s10 =	sld [smem:$0x3FB3];
	_ =	sdelay $0x3  }
0x34: {  	[smem:$0x3FB3] =	sst s10  }
0x35: {  	s10 =	sld [smem:$0x3FB2];
	_ =	sdelay $0x3  }
0x36: {  	p1 =	seq.s32 s10, $0x1;
	s10 =	sld [smem:$0x3FB3];
	_ =	sdelay $0x3  }
0x37: {  	[smem:$0x3FB3] =	sst s10  }
0x38: {  	s10 =	sld [smem:$0x3FB4]  }
0x39: {  	_ = 	snop;
	(pc) =	sbr.ind lr, $3  }
0x3a: {  	_ = 	snop  }
0x3b: {  	_ = 	snop  }
0x3c: {  	p2 =	seq.s32 s10, $0x1;
	s10 =	sld [smem:$0x3FB3]  }
0x3d: {  	_ =	shalt  }
0x3e: {  	_ =	shalt  }
0x3f: {  	_ =	shalt  }
0x40: {  	_ =	shalt  }
0x41: {  	_ =	shalt  }
0x42: {  	_ =	shalt  }
0x43: {  	_ =	shalt  }
0x44: {  	_ =	shalt  }
0x45: {  	_ =	shalt  }
0x46: {  	_ =	shalt  }
0x47: {  	_ =	shalt  }
0x48: {  	_ =	shalt  }
0x49: {  	_ =	shalt  }
0x4a: {  	_ =	shalt  }
0x4b: {  	_ =	shalt  }
0x4c: {  	_ =	shalt  }
0x4d: {  	_ =	shalt  }
0x4e: {  	_ =	shalt  }
0x4f: {  	_ =	shalt  }
0x50: {  	_ =	shalt  }
0x51: {  	_ =	shalt  }
0x52: {  	_ =	shalt  }
0x53: {  	_ =	shalt  }
0x54: {  	_ =	shalt  }
0x55: {  	_ =	shalt  }
0x56: {  	_ =	shalt  }
0x57: {  	_ =	shalt  }
0x58: {  	_ =	shalt  }
0x59: {  	_ =	shalt  }
0x5a: {  	_ =	shalt  }
0x5b: {  	_ =	shalt  }
0x5c: {  	_ =	shalt  }
0x5d: {  	_ =	shalt  }
0x5e: {  	_ =	shalt  }
0x5f: {  	_ =	shalt  }
0x60: {  	_ =	shalt  }
0x61: {  	_ =	shalt  }
0x62: {  	_ =	shalt  }
0x63: {  	_ =	shalt  }
0x64: {  	_ =	shalt  }
0x65: {  	_ =	shalt  }
0x66: {  	_ =	shalt  }
0x67: {  	_ =	shalt  }
0x68: {  	_ =	shalt  }
0x69: {  	_ =	shalt  }
0x6a: {  	_ =	shalt  }
0x6b: {  	_ =	shalt  }
0x6c: {  	_ =	shalt  }
0x6d: {  	_ =	shalt  }
0x6e: {  	_ =	shalt  }
0x6f: {  	_ =	shalt  }
0x70: {  	_ =	shalt  }
0x71: {  	_ =	shalt  }
0x72: {  	_ =	shalt  }
0x73: {  	_ =	shalt  }
0x74: {  	_ =	shalt  }
0x75: {  	_ =	shalt  }
0x76: {  	_ =	shalt  }
0x77: {  	_ =	shalt  }
0x78: {  	_ =	shalt  }
0x79: {  	_ =	shalt  }
0x7a: {  	_ =	shalt  }
0x7b: {  	_ =	shalt  }
0x7c: {  	_ =	shalt  }
0x7d: {  	_ =	shalt  }
0x7e: {  	_ =	shalt  }
0x7f: {  	_ =	shalt  }
0x80: {  	_ =	shalt  }
0x81: {  	_ =	shalt  }
0x82: {  	_ =	shalt  }
0x83: {  	_ =	shalt  }
0x84: {  	_ =	shalt  }
0x85: {  	_ =	shalt  }
0x86: {  	_ =	shalt  }
0x87: {  	_ =	shalt  }
.Lfunc_end0:
.L_simem_size_0:
called_computation_lowered:
.L_overlay_start_0:
0x88: {  	s2 =	sld [smem:$0x3FD9]  }
0x89: {  	s3 =	sld [smem:$0x3FFE];
	_ =	sdelay $0x1  }
0x8a: {  	s1 =	srdreg.scid  }
0x8b: {  	s0 =	sand.u32 $0x1, s1  }
0x8c: {  	s16 =	sshll.u32 s0, $0xA;
	s2 =	sadd.s32 s3, s2  }
0x8d: {  	s2 =	sadd.s32 s2, s16  }
0x8e: {  	[smem:$0x3FBF] =	sst s2  }
0x8f: {  	_ = 	snop  }
0x90: {  	(tm) =	ssettm $0x1  }
0x91: {  	s17 =	sld [smem:$0x3FFB];
	_ =	sdelay $0x3  }
0x92: {  	_ =	strace s17  }
0x93: {  	s2 =	sld [smem:$0x3FFC];
	_ =	sdelay $0x3  }
0x94: {  	_ =	strace s2  }
0x95: {  	s2 =	sld [smem:$0x3FFD];
	_ =	sdelay $0x3  }
0x96: {  	_ =	strace s2  }
0x97: {  	_ =	strace $0x8FFFFFFF  }
0x98: {  	s18 =	sld [smem:$0x3FDB];
	_ =	sdelay $0x1  }
0x99: {  	s19 =	simm.s32 $_scs_section_size  }
0x9a: {  	s4 =	simm.s32 $_size__tile_overlayer_lowered;
	s5 =	simm.s32 $_tile_overlayer_lowered  }
0x9b: {  	s22 =	simm.s32 $0x1BFF;
	s21 =	sshll.u32 s5, $0x1;
	s2 =	sadd.s32 s19, s18  }
0x9c: {  	s6 =	simm.s32 $0x0;
	s20 =	sshll.u32 s4, $0x1;
	s4 =	sadd.s32 s21, s2  }
0x9d: {  	[timem:s6], [sflag:s22] =	dma.local [hbm:s4], s20  }
0x9e: {  	_ =	swait.ge [sflag:s22], s20  }
0x9f: {  	s3 =	ssub.s32 $0x0, s20;
	[sflag:s22] =	ssyncset.done $0x0  }
0xa0: {  	[sflag:s22] =	ssyncadd.s32 s3;
	_ =	sdelay $0x1  }
0xa1: {  	s23 =	simm.s32 $0x1B8B  }
0xa2: {  	_ =	swait.ge [sflag:s23], $0x1  }
0xa3: {  	[sflag:s23] =	ssyncset.done $0x0  }
0xa4: {  	s25 =	simm.s32 $0x1B8E;
	s24 =	sld [smem:$0x3FFE];
	[sflag:s23] =	ssyncadd.s32 $0xFFFFFFFF  }
0xa5: {  	s26 =	simm.s32 $execute0_lowered;
	[smem:$0x3FD2] =	sst s25  }
0xa6: {  	s4 =	sshll.u32 s26, $0x1;
	_ =	strace $0x80000046;
	[dreg:$0x1] =	wrdreg $0xFFFFFFFF  }
0xa7: {  	s28 =	simm.s32 $_size_execute0_lowered;
	s2 =	sadd.s32 s2, s4;
	[dreg:$0x0] =	wrdreg $0x0  }
0xa8: {  	s4 =	sshll.u32 s28, $0x1;
	[dreg:$0x2] =	wrdreg s2  }
0xa9: {  	[dreg:$0x3] =	wrdreg s4  }
0xaa: {  	[dreg:$0x4] =	wrdreg $0xC0  }
0xab: {  	_ =	task [dreg:s6], $0x5FFFF  }
0xac: {  	[dreg:$0x1] =	wrdreg $0xFFFFFFFF  }
0xad: {  	[dreg:$0x0] =	wrdreg $0x60  }
0xae: {  	[dreg:$0x2] =	wrdreg s24  }
0xaf: {  	[dreg:$0x3] =	wrdreg $0x9  }
0xb0: {  	_ =	task.clear_ibuf [dreg:s6], $0x4FFFF;
	_ =	strace $0x90000046  }
0xb1: {  	s29 =	simm.s32 $0x9;
	_ =	strace $0x80000048  }
0xb2: {  	_ =	swait.ge [sflag:s29], $0x1  }
0xb3: {  	[sflag:s29] =	ssyncadd.s32 $0xFFFFFFFF  }
0xb4: {  	_ =	strace $0x90000048  }
0xb5: {  	_ =	sfence  }
0xb6: {  	s30 =	sld [smem:$0x0];
	_ =	sdelay $0x2  }
0xb7: {  	s31 =	sshll.u32 s1, $0xD;
	s1 =	sshrl.u32 s1, $0x2  }
0xb8: {  	s3 =	sand.u32 $0x4000, s31;
	s1 =	sadd.s32 s1, s30  }
0xb9: {  	s0 =	sor.u32 s3, s0;
	s1 =	sshll.u32 s1, $0x11  }
0xba: {  	s0 =	sor.u32 s1, s0  }
0xbb: {  	s0 =	sadd.s32 $0x8F2B, s0  }
0xbc: {  	[sflag:s0] =	ssyncadd.remote.s32 $0x1  }
0xbd: {  	_ =	sfence.sel $0xFFFF  }
0xbe: {  	[dreg:$0x0] =	wrdreg $0xFFFFFFFF;
	(pc) =	sbr.abs _section_cstart, $3  }
0xbf: {  	[dreg:$0x1] =	wrdreg $0xFFFFFFFF  }
0xc0: {  	_ =	task.clear_ibuf [dreg:s6], $0x2FFFF;
	_ =	strace $0x9FFFFFFF  }
0xc1: {  	(tm) =	ssettm $0x7FFFFFFF  }
tec
execute0_lowered:
.L_overlay_start_1:
0x0: {  	(tag) =	ssettag $0x1  }
0x1: {  	s9 =	rddreg [dreg:$0x0];
	s2 =	simm.s32 $0x0  }
0x2: {  	s3 =	srdreg.scid;
	s1 =	stileid.u32;
	s15 =	simm.s32 $0x400  }
0x3: {  	s16 =	simm.s32 $0xD360;
	s17 =	simm.s32 $0x6;
	s18 =	simm.s32 $0x5  }
0x4: {  	s19 =	simm.s32 $0x8;
	s20 =	simm.s32 $0x7;
	s21 =	simm.s32 $0x0  }
0x5: {  	[smem:$0x7FF] =	sst s2;
	s10 =	sand.u32 $0x1, s3;
	s4 =	sshll.u32 s1, $0x1  }
0x6: {  	s3 =	sadd.s32 $0xC5400, s9;
	s5 =	sadd.s32 $0x1E00, s9;
	s12 =	smul.u32 $0xC800, s1  }
0x7: {  	s7 =	sadd.s32 $0x1AE00, s9;
	s8 =	sadd.s32 $0xF6400, s9;
	s14 =	smul.u32 $0x6400, s10  }
.Ltmp0:
0x8: {  	v1 =	vimm.s32 $0x8000;
	s6 =	sor.u32 s10, s4;
	s11 =	ssub.s32 $0x2, s10;
	(pc) =	sbr.rel .LBB2_1-.Ltmp0, $4  }
0x9: {  	_ =	strace $0x80000047;
	s6 =	smul.u32 $0x6400, s6;
	s13 =	sshrl.u32 s11, $0x1  }
0xa: {  	s4 =	sadd.s32 $0xDDC00, s9;
	s9 =	sadd.s32 $0x286400, s9;
	s11 =	ssub.s32 s11, s13  }
0xb: {  	s12 =	sadd.s32 s14, s12;
	s13 =	simm.s32 $0x9;
	s31 =	sshrl.u32 s6, $0x3  }
0xc: {  	v0 =	vlaneseq.u32;
	s14 =	simm.s32 $0xC360;
	s11 =	smax.u32 s11, $0x1;
	s10 =	sadd.s32 s5, s31  }
.LBB2_9:
0xd: {  	_ =	swait.ge [sflag:s17], $0x4000  }
0xe: {  	[sflag:s17] =	ssyncset.done $0x0  }
0xf: {  	[sflag:s17] =	ssyncadd.s32 $0xFFFFC000  }
0x10: {  	_ =	swait.ge [sflag:s18], $0x4000  }
0x11: {  	[sflag:s18] =	ssyncset.done $0x0  }
0x12: {  	s21 =	sadd.s32 $0x1, s21;
	[sflag:s18] =	ssyncadd.s32 $0xFFFFC000  }
0x13: {  	p0 =	sne.s32 s21, s11;
	_ =	swait.ge [sflag:s19], $0x4000  }
.Ltmp1:
0x14: {  	[sflag:s19] =	ssyncset.done $0x0;
	(pc) =	sbr.rel @!p0 .LBB2_10-.Ltmp1, $4  }
0x15: {  	[sflag:s19] =	ssyncadd.s32 $0xFFFFC000  }
0x16: {  	_ =	swait.ge [sflag:s20], $0x4000  }
0x17: {  	[sflag:s20] =	ssyncset.done $0x0  }
0x18: {  	[sflag:s20] =	ssyncadd.s32 $0xFFFFC000  }
.LBB2_1:
0x19: {  	[tilespmem:s2], [sflag:$0x9] =	stream.linear.gather [hbm4b:s7+s2], $0xC360, $0x38;
	[tilespmem:$0x1D360] =	vst v63  }
0x1a: {  	_ =	swait.ge [sflag:s13], $0xC360  }
0x1b: {  	[sflag:s13] =	ssyncset.done $0x0  }
0x1c: {  	[sflag:s13] =	ssyncadd.s32 $0xFFFF3CA0  }
0x1d: {  	[tilespmem:s14], [sflag:$0x9] =	stream.linear.gather [hbm4b:s10+s2], $0x400, $0x38;
	[tilespmem:$0x1D360] =	vst v63  }
.Ltmp2:
0x1e: {  	_ = 	snop;
	(pc) =	sbr.rel .LBB2_2-.Ltmp2, $4  }
0x1f: {  	_ =	swait.ge [sflag:s13], $0x400  }
0x20: {  	p0 =	por $0x0, $0x0;
	[sflag:s13] =	ssyncset.done $0x0  }
0x21: {  	s22 =	smov.u32 s12;
	s26 =	simm.s32 $0x0;
	[sflag:s13] =	ssyncadd.s32 $0xFFFFFC00  }
0x22: {  	[tilespmem:s16], [sflag:$0x1] =	stream.indirect.gather [hbm4b:s3+s15], $0x10, s14, s15, $0xb8;
	[tilespmem:$0x1D360] =	vst v63  }
.LBB2_7:
0x23: {  	s25 =	sshll.u32 s26, $0xA  }
0x24: {  	s25 =	sadd.s32 s6, s25  }
0x25: {  	s0 =	sshll.u32 s31, $0xA;
	s25 =	sshrl.u32 s25, $0x3  }
0x26: {  	s0 =	sor.u32 $0xC360, s0;
	s25 =	sadd.s32 s5, s25  }
0x27: {  	[tilespmem:s0], [sflag:$0x9] =	stream.linear.gather [hbm4b:s25+s2], $0x400, $0x38;
	[tilespmem:$0x1D360] =	vst v63  }
0x28: {  	_ =	swait.ge [sflag:s13], $0x400  }
0x29: {  	s25 =	sshll.u32 s31, $0xE;
	[sflag:s13] =	ssyncset.done $0x0  }
0x2a: {  	s31 =	sadd.s32 $0x1, s31;
	s25 =	sadd.s32 $0xD360, s25;
	[sflag:s13] =	ssyncadd.s32 $0xFFFFFC00  }
0x2b: {  	[tilespmem:s25], [sflag:s31] =	stream.indirect.gather [hbm4b:s3+s15], $0x10, s0, s15, $0xb8;
	[tilespmem:$0x1D360] =	vst v63  }
.LBB2_8:
0x2c: {  	s0 =	sshll.u32 s24, $0x1;
	s31 =	sadd.s32 $0x5, s23  }
0x2d: {  	s30 =	sadd.s32 $0xD360, s30;
	p1 =	sne.s32 s26, $0x19;
	s25 =	sadd.s32 s8, s0  }
0x2e: {  	[hbm4b:s25+s2] =	stream.linear.scatter [tilespmem:s30], [sflag:s31], $0x4000, $0x38;
	[tilespmem:$0x1D360] =	vst v63  }
.Ltmp3:
0x2f: {  	_ = 	snop;
	(pc) =	sbr.rel @!p1 .LBB2_9-.Ltmp3, $4  }
0x30: {  	_ =	swait.ge [sflag:s29], $0x4000  }
0x31: {  	s22 =	sadd.s32 $0x400, s22;
	p0 =	por !p0, !p0;
	[sflag:s29] =	ssyncset.done $0x0  }
0x32: {  	s0 =	sadd.s32 s9, s0;
	s31 =	sadd.s32 $0x7, s23;
	[sflag:s29] =	ssyncadd.s32 $0xFFFFC000  }
0x33: {  	[hbm4b:s0+s2] =	stream.linear.scatter [tilespmem:s28], [sflag:s31], $0x4000, $0x38;
	[tilespmem:$0x1D360] =	vst v63  }
.LBB2_2:
0x34: {  	s23 =	simm.s32 $0x1  }
0x35: {  	s23 =	simm.s32 @!p0 $0x0  }
0x36: {  	s25 =	smov.u32 s26;
	s24 =	sshll.u32 s23, $0xA;
	s23 =	sand.u32 $0x1, s26  }
0x37: {  	s30 =	sshll.u32 s26, $0xA;
	s29 =	simm.s32 $0x0;
	s31 =	sshll.u32 s23, $0xA  }
0x38: {  	s28 =	sor.u32 $0xCB70, s24;
	s24 =	sadd.s32 s6, s30;
	s26 =	sor.u32 $0xCB60, s31  }
.LBB2_3:
0x39: {  	v4 =	vld.idx.msk [tilespmem:v1+s2+$0x0], $0xffff  }
0x3a: {  	s30 =	sadd.s32 s29, s22  }
0x3b: {  	v2 =	vor.u32 s30, v0;
	s30 =	sadd.s32 $0x10, s30  }
0x3c: {  	vm0 =	vlt.s32 v2, $0xC34FF;
	v5 =	vor.u32 s30, v0  }
0x3d: {  	v3 =	vnsel vm0, $0xC34FF, v2;
	vm15 =	vlt.s32 v5, $0xC34FF  }
0x3e: {  	v2 =	vnsel vm15, $0xC34FF, v5;
	vm4 =	vgt.s32 v4, v3  }
0x3f: {  	vm5 =	vgt.s32 v4, v2;
	v35 =	vsel vm4, $0x0, v1  }
0x40: {  	v4 =	vsel vm5, $0x0, v1;
	v6 =	vor.u32 $0x4000, v35  }
0x41: {  	v7 =	vor.u32 $0x4000, v4;
	_ =	sdelay $0x3  }
0x42: {  	v8 =	vld.idx.msk [tilespmem:v6+s2+$0x0], $0xffff  }
0x43: {  	v9 =	vld.idx.msk [tilespmem:v7+s2+$0x0], $0xffff;
	_ =	sdelay $0x3  }
0x44: {  	vm6 =	vgt.s32 v8, v3  }
0x45: {  	vm7 =	vgt.s32 v9, v2;
	v5 =	vsel vm6, v35, v6  }
0x46: {  	v4 =	vsel vm7, v4, v7;
	v6 =	vor.u32 $0x2000, v5  }
0x47: {  	v7 =	vor.u32 $0x2000, v4;
	v36 =	vmin.u32 v6, $0xC350  }
0x48: {  	v37 =	vmin.u32 v7, $0xC350;
	_ =	sdelay $0x3  }
0x49: {  	v8 =	vld.idx.msk [tilespmem:v36+s2+$0x0], $0xffff  }
0x4a: {  	v9 =	vld.idx.msk [tilespmem:v37+s2+$0x0], $0xffff;
	_ =	sdelay $0x3  }
0x4b: {  	vm8 =	vlt.u32 v6, $0xC351;
	vm1 =	vle.s32 v8, v3  }
0x4c: {  	vm9 =	vlt.u32 v7, $0xC351;
	vm2 =	vle.s32 v9, v2;
	vm0 =	vmand vm1, vm8  }
0x4d: {  	vm10 =	vmand vm2, vm9;
	v5 =	vsel vm0, v6, v5  }
0x4e: {  	v4 =	vsel vm10, v7, v4;
	v6 =	vor.u32 $0x1000, v5  }
0x4f: {  	v7 =	vor.u32 $0x1000, v4;
	v38 =	vmin.u32 v6, $0xC350  }
0x50: {  	v39 =	vmin.u32 v7, $0xC350;
	_ =	sdelay $0x3  }
0x51: {  	v8 =	vld.idx.msk [tilespmem:v38+s2+$0x0], $0xffff  }
0x52: {  	v9 =	vld.idx.msk [tilespmem:v39+s2+$0x0], $0xffff;
	_ =	sdelay $0x3  }
0x53: {  	vm11 =	vlt.u32 v6, $0xC351;
	vm12 =	vle.s32 v8, v3  }
0x54: {  	vm13 =	vlt.u32 v7, $0xC351;
	vm14 =	vle.s32 v9, v2;
	vm0 =	vmand vm12, vm11  }
0x55: {  	vm15 =	vmand vm14, vm13;
	v5 =	vsel vm0, v6, v5  }
0x56: {  	v4 =	vsel vm15, v7, v4;
	v6 =	vadd.s32 $0x800, v5  }
0x57: {  	v7 =	vadd.s32 $0x800, v4;
	v40 =	vmin.u32 v6, $0xC350  }
0x58: {  	v41 =	vmin.u32 v7, $0xC350;
	_ =	sdelay $0x3  }
0x59: {  	v8 =	vld.idx.msk [tilespmem:v40+s2+$0x0], $0xffff  }
0x5a: {  	v9 =	vld.idx.msk [tilespmem:v41+s2+$0x0], $0xffff;
	_ =	sdelay $0x3  }
0x5b: {  	vm4 =	vlt.u32 v5, $0xBB51;
	vm5 =	vle.s32 v8, v3  }
0x5c: {  	vm6 =	vlt.u32 v4, $0xBB51;
	vm7 =	vle.s32 v9, v2;
	vm0 =	vmand vm5, vm4  }
0x5d: {  	vm8 =	vmand vm7, vm6;
	v5 =	vsel vm0, v6, v5  }
0x5e: {  	v4 =	vsel vm8, v7, v4;
	v6 =	vadd.s32 $0x400, v5  }
0x5f: {  	v7 =	vadd.s32 $0x400, v4;
	v42 =	vmin.u32 v6, $0xC350  }
0x60: {  	v43 =	vmin.u32 v7, $0xC350;
	_ =	sdelay $0x3  }
0x61: {  	v8 =	vld.idx.msk [tilespmem:v42+s2+$0x0], $0xffff  }
0x62: {  	v9 =	vld.idx.msk [tilespmem:v43+s2+$0x0], $0xffff;
	_ =	sdelay $0x3  }
0x63: {  	vm9 =	vlt.u32 v5, $0xBF51;
	vm10 =	vle.s32 v8, v3  }
0x64: {  	vm11 =	vlt.u32 v4, $0xBF51;
	vm12 =	vle.s32 v9, v2;
	vm0 =	vmand vm10, vm9  }
0x65: {  	vm13 =	vmand vm12, vm11;
	v5 =	vsel vm0, v6, v5  }
0x66: {  	v4 =	vsel vm13, v7, v4;
	v6 =	vadd.s32 $0x200, v5  }
0x67: {  	v7 =	vadd.s32 $0x200, v4;
	v44 =	vmin.u32 v6, $0xC350  }
0x68: {  	v45 =	vmin.u32 v7, $0xC350;
	_ =	sdelay $0x3  }
0x69: {  	v8 =	vld.idx.msk [tilespmem:v44+s2+$0x0], $0xffff  }
0x6a: {  	v9 =	vld.idx.msk [tilespmem:v45+s2+$0x0], $0xffff;
	_ =	sdelay $0x3  }
0x6b: {  	vm14 =	vlt.u32 v5, $0xC151;
	vm15 =	vle.s32 v8, v3  }
0x6c: {  	vm4 =	vlt.u32 v4, $0xC151;
	vm5 =	vle.s32 v9, v2;
	vm0 =	vmand vm15, vm14  }
0x6d: {  	vm6 =	vmand vm5, vm4;
	v5 =	vsel vm0, v6, v5  }
0x6e: {  	v4 =	vsel vm6, v7, v4;
	v6 =	vadd.s32 $0x100, v5  }
0x6f: {  	v7 =	vadd.s32 $0x100, v4;
	v46 =	vmin.u32 v6, $0xC350  }
0x70: {  	v47 =	vmin.u32 v7, $0xC350;
	_ =	sdelay $0x3  }
0x71: {  	v8 =	vld.idx.msk [tilespmem:v46+s2+$0x0], $0xffff  }
0x72: {  	v9 =	vld.idx.msk [tilespmem:v47+s2+$0x0], $0xffff;
	_ =	sdelay $0x3  }
0x73: {  	vm7 =	vlt.u32 v5, $0xC251;
	vm8 =	vle.s32 v8, v3  }
0x74: {  	vm9 =	vlt.u32 v4, $0xC251;
	vm10 =	vle.s32 v9, v2;
	vm0 =	vmand vm8, vm7  }
0x75: {  	vm11 =	vmand vm10, vm9;
	v5 =	vsel vm0, v6, v5  }
0x76: {  	v4 =	vsel vm11, v7, v4;
	v6 =	vadd.s32 $0x80, v5  }
0x77: {  	v7 =	vadd.s32 $0x80, v4;
	v48 =	vmin.u32 v6, $0xC350  }
0x78: {  	v49 =	vmin.u32 v7, $0xC350;
	_ =	sdelay $0x3  }
0x79: {  	v8 =	vld.idx.msk [tilespmem:v48+s2+$0x0], $0xffff  }
0x7a: {  	v9 =	vld.idx.msk [tilespmem:v49+s2+$0x0], $0xffff;
	_ =	sdelay $0x3  }
0x7b: {  	vm12 =	vlt.u32 v5, $0xC2D1;
	vm13 =	vle.s32 v8, v3  }
0x7c: {  	vm14 =	vlt.u32 v4, $0xC2D1;
	vm15 =	vle.s32 v9, v2;
	vm0 =	vmand vm13, vm12  }
0x7d: {  	vm4 =	vmand vm15, vm14;
	v5 =	vsel vm0, v6, v5  }
0x7e: {  	v4 =	vsel vm4, v7, v4;
	v6 =	vadd.s32 $0x40, v5  }
0x7f: {  	v7 =	vadd.s32 $0x40, v4;
	v50 =	vmin.u32 v6, $0xC350  }
0x80: {  	v51 =	vmin.u32 v7, $0xC350;
	_ =	sdelay $0x3  }
0x81: {  	v8 =	vld.idx.msk [tilespmem:v50+s2+$0x0], $0xffff  }
0x82: {  	v9 =	vld.idx.msk [tilespmem:v51+s2+$0x0], $0xffff;
	_ =	sdelay $0x3  }
0x83: {  	vm5 =	vlt.u32 v5, $0xC311;
	vm6 =	vle.s32 v8, v3  }
0x84: {  	vm7 =	vlt.u32 v4, $0xC311;
	vm8 =	vle.s32 v9, v2;
	vm0 =	vmand vm6, vm5  }
0x85: {  	vm9 =	vmand vm8, vm7;
	v5 =	vsel vm0, v6, v5  }
0x86: {  	v4 =	vsel vm9, v7, v4;
	v6 =	vadd.s32 $0x20, v5  }
0x87: {  	v7 =	vadd.s32 $0x20, v4;
	v52 =	vmin.u32 v6, $0xC350  }
0x88: {  	v53 =	vmin.u32 v7, $0xC350;
	_ =	sdelay $0x3  }
0x89: {  	v8 =	vld.idx.msk [tilespmem:v52+s2+$0x0], $0xffff  }
0x8a: {  	v9 =	vld.idx.msk [tilespmem:v53+s2+$0x0], $0xffff;
	_ =	sdelay $0x3  }
0x8b: {  	vm10 =	vlt.u32 v5, $0xC331;
	vm11 =	vle.s32 v8, v3  }
0x8c: {  	vm12 =	vlt.u32 v4, $0xC331;
	vm13 =	vle.s32 v9, v2;
	vm0 =	vmand vm11, vm10  }
0x8d: {  	vm14 =	vmand vm13, vm12;
	v5 =	vsel vm0, v6, v5  }
0x8e: {  	v4 =	vsel vm14, v7, v4;
	v6 =	vadd.s32 $0x10, v5  }
0x8f: {  	v7 =	vadd.s32 $0x10, v4;
	v54 =	vmin.u32 v6, $0xC350  }
0x90: {  	v55 =	vmin.u32 v7, $0xC350;
	_ =	sdelay $0x3  }
0x91: {  	v8 =	vld.idx.msk [tilespmem:v54+s2+$0x0], $0xffff  }
0x92: {  	v9 =	vld.idx.msk [tilespmem:v55+s2+$0x0], $0xffff;
	_ =	sdelay $0x3  }
0x93: {  	vm15 =	vlt.u32 v5, $0xC341;
	vm4 =	vle.s32 v8, v3  }
0x94: {  	vm5 =	vlt.u32 v4, $0xC341;
	vm6 =	vle.s32 v9, v2;
	vm0 =	vmand vm4, vm15  }
0x95: {  	vm7 =	vmand vm6, vm5;
	v5 =	vsel vm0, v6, v5  }
0x96: {  	v4 =	vsel vm7, v7, v4;
	v6 =	vadd.s32 $0x8, v5  }
0x97: {  	v7 =	vadd.s32 $0x8, v4;
	v56 =	vmin.u32 v6, $0xC350  }
0x98: {  	v57 =	vmin.u32 v7, $0xC350;
	_ =	sdelay $0x3  }
0x99: {  	v8 =	vld.idx.msk [tilespmem:v56+s2+$0x0], $0xffff  }
0x9a: {  	v9 =	vld.idx.msk [tilespmem:v57+s2+$0x0], $0xffff;
	_ =	sdelay $0x3  }
0x9b: {  	vm8 =	vlt.u32 v5, $0xC349;
	vm9 =	vle.s32 v8, v3  }
0x9c: {  	vm10 =	vlt.u32 v4, $0xC349;
	vm11 =	vle.s32 v9, v2;
	vm0 =	vmand vm9, vm8  }
0x9d: {  	vm12 =	vmand vm11, vm10;
	v5 =	vsel vm0, v6, v5  }
0x9e: {  	v4 =	vsel vm12, v7, v4;
	v6 =	vadd.s32 $0x4, v5  }
0x9f: {  	v7 =	vadd.s32 $0x4, v4;
	v58 =	vmin.u32 v6, $0xC350  }
0xa0: {  	v59 =	vmin.u32 v7, $0xC350;
	_ =	sdelay $0x3  }
0xa1: {  	v8 =	vld.idx.msk [tilespmem:v58+s2+$0x0], $0xffff  }
0xa2: {  	v9 =	vld.idx.msk [tilespmem:v59+s2+$0x0], $0xffff;
	_ =	sdelay $0x3  }
0xa3: {  	vm13 =	vlt.u32 v5, $0xC34D;
	vm14 =	vle.s32 v8, v3  }
0xa4: {  	vm15 =	vlt.u32 v4, $0xC34D;
	vm4 =	vle.s32 v9, v2;
	vm0 =	vmand vm14, vm13  }
0xa5: {  	vm5 =	vmand vm4, vm15;
	v5 =	vsel vm0, v6, v5  }
0xa6: {  	v4 =	vsel vm5, v7, v4;
	v6 =	vadd.s32 $0x2, v5  }
0xa7: {  	v7 =	vadd.s32 $0x2, v4;
	v60 =	vmin.u32 v6, $0xC350  }
0xa8: {  	v61 =	vmin.u32 v7, $0xC350;
	_ =	sdelay $0x3  }
0xa9: {  	v8 =	vld.idx.msk [tilespmem:v60+s2+$0x0], $0xffff  }
0xaa: {  	v9 =	vld.idx.msk [tilespmem:v61+s2+$0x0], $0xffff;
	_ =	sdelay $0x3  }
0xab: {  	vm6 =	vlt.u32 v5, $0xC34F;
	vm7 =	vle.s32 v8, v3  }
0xac: {  	vm8 =	vlt.u32 v4, $0xC34F;
	vm9 =	vle.s32 v9, v2;
	vm0 =	vmand vm7, vm6  }
0xad: {  	vm10 =	vmand vm9, vm8;
	v5 =	vsel vm0, v6, v5  }
0xae: {  	v4 =	vsel vm10, v7, v4;
	v6 =	vadd.s32 $0x1, v5  }
0xaf: {  	v7 =	vadd.s32 $0x1, v4;
	v62 =	vmin.u32 v6, $0xC350  }
0xb0: {  	v63 =	vmin.u32 v7, $0xC350;
	_ =	sdelay $0x3  }
0xb1: {  	v8 =	vld.idx.msk [tilespmem:v62+s2+$0x0], $0xffff  }
0xb2: {  	v9 =	vld.idx.msk [tilespmem:v63+s2+$0x0], $0xffff;
	_ =	sdelay $0x2  }
0xb3: {  	p1 =	sne.s32 s29, $0x3E0  }
.Ltmp4:
0xb4: {  	vm11 =	vlt.u32 v5, $0xC350;
	vm12 =	vle.s32 v8, v3;
	(pc) =	sbr.rel @p1 .LBB2_3-.Ltmp4, $4  }
0xb5: {  	vm13 =	vlt.u32 v4, $0xC350;
	vm14 =	vle.s32 v9, v2;
	vm0 =	vmand vm12, vm11  }
0xb6: {  	vm15 =	vmand vm14, vm13;
	v2 =	vsel vm0, v6, v5  }
0xb7: {  	v3 =	vsel vm15, v7, v4;
	[tilespmem:s28+$0xFFFFFFF0] =	vst v2  }
0xb8: {  	s29 =	sadd.s32 $0x20, s29;
	[tilespmem:s28+$0x0] =	vst v3;
	s28 =	sadd.s32 $0x20, s28  }
0xb9: {  	s28 =	sadd.s32 $0x1, s23  }
0xba: {  	_ =	swait.ge [sflag:s28], $0x4000  }
0xbb: {  	p1 =	slt.u32 s25, $0x2;
	[sflag:s28] =	ssyncset.done $0x0  }
0xbc: {  	[sflag:s28] =	ssyncadd.s32 $0xFFFFC000;
	s28 =	sadd.s32 @!p1 $0x7, s23  }
0xbd: {  	_ =	swait.ge @!p1 [sflag:s28], $0x4000  }
0xbe: {  	[sflag:s28] =	ssyncset.done @!p1 $0x0  }
0xbf: {  	[sflag:s28] =	ssyncadd.s32 @!p1 $0xFFFFC000;
	p1 =	seq.s32 s25, $0x0  }
.Ltmp5:
0xc0: {  	_ = 	snop;
	(pc) =	sbr.rel @p1 .LBB2_7-.Ltmp5, $4  }
0xc1: {  	s30 =	sshll.u32 s23, $0xE  }
0xc2: {  	s29 =	sadd.s32 $0x3, s23;
	s28 =	sadd.s32 $0x15360, s30  }
0xc3: {  	[tilespmem:s28], [sflag:s29] =	stream.indirect.gather [hbm4b:s4+s15], $0x10, s26, s15, $0xb8;
	[tilespmem:$0x1D360] =	vst v63  }
0xc4: {  	s31 =	sxor.u32 $0x1, s23;
	s26 =	sadd.s32 $0x1, s25  }
0xc5: {  	p1 =	seq.s32 s25, $0x18  }
.Ltmp6:
0xc6: {  	_ = 	snop;
	(pc) =	sbr.rel @p1 .LBB2_8-.Ltmp6, $1  }
0xc7: {  	_ =	sdelay $0x3  }
.Ltmp7:
0xc8: {  	(pc) =	sbr.rel .LBB2_7-.Ltmp7, $4  }
0xc9: {  	s25 =	sadd.s32 $0x5, s31  }
0xca: {  	_ =	swait.ge [sflag:s25], $0x4000  }
0xcb: {  	[sflag:s25] =	ssyncset.done $0x0  }
0xcc: {  	[sflag:s25] =	ssyncadd.s32 $0xFFFFC000  }
.LBB2_10:
0xcd: {  	_ =	sfence.sel $0x180000  }
0xce: {  	[bflag:$0x0] =	sbarrier.arrive $0xFFFF  }
0xcf: {  	_ =	strace $0x90000047  }
0xd0: {  	[bflag:$0x2] =	sbarrier.arrive $0xFFFF  }
0xd1: {  	p0 =	sne.s32 s1, $0x0;
	s0 =	rddreg [dreg:$0x1]  }
0xd2: {  	s0 =	sadd.s32 @!p0 $0x100000, s0  }
0xd3: {  	[sflag:s0] =	ssyncadd.tile.s32 @!p0 $0x1;
	_ =	shalt  }
.Lfunc_end2:
_tile_overlayer_lowered:
.L_overlay_start_2:
0xd4: {  	(tag) =	ssettag $0x2  }
0xd5: {  	s0 =	rddreg [dreg:$0x0];
	s2 =	stileid.u32  }
0xd6: {  	s1 =	rddreg [dreg:$0x1];
	p0 =	sne.s32 s2, $0x0  }
0xd7: {  	s3 =	rddreg [dreg:$0x2];
	[bflag:$0x3] =	sbarrier.arrive $0xFFFF;
	s2 =	simm.s32 @!p0 $0x1C09  }
0xd8: {  	[timem:s3], [sflag:s2] =	dma.local @!p0 [hbm:s0], s1  }
0xd9: {  	s0 =	simm.s32 @!p0 $0x9  }
0xda: {  	_ =	swait.ge @!p0 [sflag:s0], s1  }
0xdb: {  	s1 =	ssub.s32 @!p0 $0x0, s1;
	[sflag:s0] =	ssyncset.done @!p0 $0x0  }
0xdc: {  	[sflag:s0] =	ssyncadd.s32 @!p0 s1  }
0xdd: {  	[bflag:$0x3] =	sbarrier.arrive $0xFFFF  }
0xde: {  	_ =	shalt  }

// kernel: kernel.8.cloned.1.call-start
scs
__scs_entry_jumppad:
0x0: {  	(pc) =	sbr.rel $0x88, $3  }
0x1: {  	(tag) =	ssettag $0x0;
	lr =	simm.s32 $0x1  }
0x2: {  	[smem:$0x3F98] =	sst lr;
	_ =	strace $0xD0000000  }
0x3: {  	_ = 	snop  }
0x4: {  	_ = 	snop  }
0x5: {  	_ = 	snop  }
0x6: {  	_ = 	snop  }
0x7: {  	_ = 	snop  }
__scs_overlays_trampoline_lowered:
0x8: {  	[smem:$0x3FA7] =	sst s0  }
0x9: {  	[smem:$0x3FA8] =	sst s1  }
0xa: {  	[smem:$0x3FA9] =	sst s2  }
0xb: {  	[smem:$0x3FAA] =	sst s3  }
0xc: {  	[smem:$0x3FAB] =	sst s4  }
0xd: {  	[smem:$0x3FAC] =	sst s5  }
0xe: {  	[smem:$0x3FAD] =	sst s6  }
0xf: {  	[smem:$0x3FAE] =	sst s7  }
0x10: {  	[smem:$0x3FAF] =	sst s8  }
0x11: {  	[smem:$0x3FB0] =	sst s9;
	s0 =	simm.s32 @!p0 $0x0  }
0x12: {  	s1 =	sld [smem:$0x3F96];
	s0 =	simm.s32 @p0 $0x1  }
0x13: {  	[smem:$0x3FB1] =	sst s0;
	s0 =	simm.s32 @!p1 $0x0  }
0x14: {  	s2 =	sld [smem:$0x3F95];
	s0 =	simm.s32 @p1 $0x1  }
0x15: {  	[smem:$0x3FB2] =	sst s0;
	s0 =	simm.s32 @!p2 $0x0  }
0x16: {  	s3 =	sld [smem:$0x3FDB];
	s0 =	simm.s32 @p2 $0x1  }
0x17: {  	s4 =	simm.s32 $0x1BF5;
	[smem:$0x3FB4] =	sst s0  }
0x18: {  	s0 =	sld [smem:$0x3F97];
	_ =	swait.ge [sflag:s4], $0x0  }
0x19: {  	s7 =	sld [smem:$0x3F98]  }
0x1a: {  	s8 =	sadd.s32 $0xFFFFE003, lr  }
0x1b: {  	s9 =	sadd.s32 $0xFFFFFEF7, lr;
	s5 =	simm.s32 $0xFFFFFFFF;
	p2 =	slt.u32 s8, $0xFFFFF086  }
0x1c: {  	p1 =	slt.u32 s9, $0xF7A;
	s5 =	simm.s32 @!p2 $0x0  }
0x1d: {  	s5 =	simm.s32 @p1 $0x1;
	p0 =	seq.s32 s7, s2  }
0x1e: {  	s7 =	smul.u32 @!p0 $0xF7A, s2;
	p2 =	seq.s32 @!p0 s5, $0x0  }
0x1f: {  	s9 =	smul.u32 $0xF7A, s1;
	s8 =	simm.s32 @!p0 $0x1BF5;
	p2 =	por !p2, p0  }
0x20: {  	[sflag:s8] =	ssyncset.s32 @!p0 $0xFFFFF086;
	s6 =	sadd.s32 @!p0 s3, s7;
	s7 =	simm.s32 @!p0 $0x108  }
0x21: {  	s3 =	sadd.s32 s3, s9;
	s6 =	sadd.s32 @!p0 $0x88, s6;
	s7 =	simm.s32 @p2 $0x1082  }
0x22: {  	[simem:s7], [sflag:s8] =	dma.local @!p0 [hbm:s6], $0xF7A  }
0x23: {  	s9 =	sor.u32 $0xD0000000, s2;
	s6 =	simm.s32 $0x108;
	_ =	swait.ge @!p0 [sflag:s8], $0x0  }
0x24: {  	s3 =	sadd.s32 $0x88, s3;
	s6 =	simm.s32 @!p1 $0x1082;
	[sflag:s4] =	ssyncset.s32 $0xFFFFF086  }
0x25: {  	[simem:s6], [sflag:s4] =	dma.local [hbm:s3], $0xF7A  }
0x26: {  	[smem:$0x3F98] =	sst s1;
	(tag) =	ssettag s2;
	_ =	strace s9  }
0x27: {  	s1 =	sld [smem:$0x3FA8]  }
0x28: {  	s2 =	sld [smem:$0x3FA9]  }
0x29: {  	s4 =	sld [smem:$0x3FAB]  }
0x2a: {  	p0 =	seq.s32 s5, $0x0;
	s5 =	sld [smem:$0x3FAC]  }
0x2b: {  	s6 =	sld [smem:$0x3FAD]  }
0x2c: {  	s7 =	sld [smem:$0x3FAE]  }
0x2d: {  	s3 =	simm.s32 $0x108;
	s8 =	sld [smem:$0x3FAF]  }
0x2e: {  	s3 =	simm.s32 @!p0 $0x1082;
	s9 =	sld [smem:$0x3FB0]  }
0x2f: {  	lr =	sadd.s32 s0, s3;
	s0 =	sld [smem:$0x3FA7]  }
0x30: {  	s3 =	sld [smem:$0x3FAA]  }
0x31: {  	[smem:$0x3FB3] =	sst s10  }
0x32: {  	s10 =	sld [smem:$0x3FB1];
	_ =	sdelay $0x3  }
0x33: {  	p0 =	seq.s32 s10, $0x1;
	s10 =	sld [smem:$0x3FB3];
	_ =	sdelay $0x3  }
0x34: {  	[smem:$0x3FB3] =	sst s10  }
0x35: {  	s10 =	sld [smem:$0x3FB2];
	_ =	sdelay $0x3  }
0x36: {  	p1 =	seq.s32 s10, $0x1;
	s10 =	sld [smem:$0x3FB3];
	_ =	sdelay $0x3  }
0x37: {  	[smem:$0x3FB3] =	sst s10  }
0x38: {  	s10 =	sld [smem:$0x3FB4]  }
0x39: {  	_ = 	snop;
	(pc) =	sbr.ind lr, $3  }
0x3a: {  	_ = 	snop  }
0x3b: {  	_ = 	snop  }
0x3c: {  	p2 =	seq.s32 s10, $0x1;
	s10 =	sld [smem:$0x3FB3]  }
0x3d: {  	_ =	shalt  }
0x3e: {  	_ =	shalt  }
0x3f: {  	_ =	shalt  }
0x40: {  	_ =	shalt  }
0x41: {  	_ =	shalt  }
0x42: {  	_ =	shalt  }
0x43: {  	_ =	shalt  }
0x44: {  	_ =	shalt  }
0x45: {  	_ =	shalt  }
0x46: {  	_ =	shalt  }
0x47: {  	_ =	shalt  }
0x48: {  	_ =	shalt  }
0x49: {  	_ =	shalt  }
0x4a: {  	_ =	shalt  }
0x4b: {  	_ =	shalt  }
0x4c: {  	_ =	shalt  }
0x4d: {  	_ =	shalt  }
0x4e: {  	_ =	shalt  }
0x4f: {  	_ =	shalt  }
0x50: {  	_ =	shalt  }
0x51: {  	_ =	shalt  }
0x52: {  	_ =	shalt  }
0x53: {  	_ =	shalt  }
0x54: {  	_ =	shalt  }
0x55: {  	_ =	shalt  }
0x56: {  	_ =	shalt  }
0x57: {  	_ =	shalt  }
0x58: {  	_ =	shalt  }
0x59: {  	_ =	shalt  }
0x5a: {  	_ =	shalt  }
0x5b: {  	_ =	shalt  }
0x5c: {  	_ =	shalt  }
0x5d: {  	_ =	shalt  }
0x5e: {  	_ =	shalt  }
0x5f: {  	_ =	shalt  }
0x60: {  	_ =	shalt  }
0x61: {  	_ =	shalt  }
0x62: {  	_ =	shalt  }
0x63: {  	_ =	shalt  }
0x64: {  	_ =	shalt  }
0x65: {  	_ =	shalt  }
0x66: {  	_ =	shalt  }
0x67: {  	_ =	shalt  }
0x68: {  	_ =	shalt  }
0x69: {  	_ =	shalt  }
0x6a: {  	_ =	shalt  }
0x6b: {  	_ =	shalt  }
0x6c: {  	_ =	shalt  }
0x6d: {  	_ =	shalt  }
0x6e: {  	_ =	shalt  }
0x6f: {  	_ =	shalt  }
0x70: {  	_ =	shalt  }
0x71: {  	_ =	shalt  }
0x72: {  	_ =	shalt  }
0x73: {  	_ =	shalt  }
0x74: {  	_ =	shalt  }
0x75: {  	_ =	shalt  }
0x76: {  	_ =	shalt  }
0x77: {  	_ =	shalt  }
0x78: {  	_ =	shalt  }
0x79: {  	_ =	shalt  }
0x7a: {  	_ =	shalt  }
0x7b: {  	_ =	shalt  }
0x7c: {  	_ =	shalt  }
0x7d: {  	_ =	shalt  }
0x7e: {  	_ =	shalt  }
0x7f: {  	_ =	shalt  }
0x80: {  	_ =	shalt  }
0x81: {  	_ =	shalt  }
0x82: {  	_ =	shalt  }
0x83: {  	_ =	shalt  }
0x84: {  	_ =	shalt  }
0x85: {  	_ =	shalt  }
0x86: {  	_ =	shalt  }
0x87: {  	_ =	shalt  }
.Lfunc_end0:
.L_simem_size_0:
called_computation.1_lowered:
.L_overlay_start_0:
0x88: {  	s2 =	sld [smem:$0x3FD9]  }
0x89: {  	s3 =	sld [smem:$0x3FFE];
	_ =	sdelay $0x1  }
0x8a: {  	s1 =	srdreg.scid  }
0x8b: {  	s0 =	sand.u32 $0x1, s1  }
0x8c: {  	s17 =	sshll.u32 s0, $0xA;
	s2 =	sadd.s32 s3, s2  }
0x8d: {  	s2 =	sadd.s32 s2, s17  }
0x8e: {  	[smem:$0x3FBF] =	sst s2  }
0x8f: {  	_ = 	snop  }
0x90: {  	s2 =	sld [smem:$0x3FD0];
	(tm) =	ssettm $0x1  }
0x91: {  	s18 =	sld [smem:$0x3FFB];
	_ =	sdelay $0x3  }
0x92: {  	_ =	strace s18  }
0x93: {  	s3 =	sld [smem:$0x3FFC];
	_ =	sdelay $0x3  }
0x94: {  	_ =	strace s3  }
0x95: {  	s3 =	sld [smem:$0x3FFD];
	_ =	sdelay $0x3  }
0x96: {  	_ =	strace s3  }
0x97: {  	_ =	strace $0x8FFFFFFF  }
0x98: {  	s19 =	sld [smem:$0x3FDB];
	_ =	sdelay $0x1  }
0x99: {  	s4 =	simm.s32 $_scs_section_size  }
0x9a: {  	s5 =	simm.s32 $_size__tile_overlayer_lowered;
	s6 =	simm.s32 $_tile_overlayer_lowered  }
0x9b: {  	s22 =	simm.s32 $0x1BFF;
	s21 =	sshll.u32 s6, $0x1;
	s3 =	sadd.s32 s4, s19  }
0x9c: {  	s7 =	simm.s32 $0x0;
	s20 =	sshll.u32 s5, $0x1;
	s5 =	sadd.s32 s21, s3  }
0x9d: {  	[timem:s7], [sflag:s22] =	dma.local [hbm:s5], s20  }
0x9e: {  	_ =	swait.ge [sflag:s22], s20  }
0x9f: {  	s4 =	ssub.s32 $0x0, s20;
	[sflag:s22] =	ssyncset.done $0x0  }
0xa0: {  	[sflag:s22] =	ssyncadd.s32 s4;
	_ =	sdelay $0x1  }
0xa1: {  	s23 =	simm.s32 $0x1B8B  }
0xa2: {  	_ =	swait.ge [sflag:s23], $0x1  }
0xa3: {  	[sflag:s23] =	ssyncset.done $0x0  }
0xa4: {  	s25 =	simm.s32 $0x1B8E;
	s24 =	sld [smem:$0x3FFE];
	[sflag:s23] =	ssyncadd.s32 $0xFFFFFFFF  }
0xa5: {  	s26 =	simm.s32 $execute0_lowered;
	[smem:$0x3FD2] =	sst s25  }
0xa6: {  	s5 =	sshll.u32 s26, $0x1;
	_ =	strace $0x80000049;
	[dreg:$0x1] =	wrdreg $0xFFFFFFFF  }
0xa7: {  	s28 =	simm.s32 $_size_execute0_lowered;
	s3 =	sadd.s32 s3, s5;
	[dreg:$0x0] =	wrdreg $0x0  }
0xa8: {  	s5 =	sshll.u32 s28, $0x1;
	[dreg:$0x2] =	wrdreg s3  }
0xa9: {  	[dreg:$0x3] =	wrdreg s5  }
0xaa: {  	[dreg:$0x4] =	wrdreg $0xC0  }
0xab: {  	_ =	task [dreg:s7], $0x5FFFF  }
0xac: {  	[dreg:$0x1] =	wrdreg $0xFFFFFFFF  }
0xad: {  	[dreg:$0x0] =	wrdreg $0x60  }
0xae: {  	[dreg:$0x2] =	wrdreg s24  }
0xaf: {  	[dreg:$0x3] =	wrdreg s2  }
0xb0: {  	[dreg:$0x4] =	wrdreg $0x9  }
0xb1: {  	_ =	task.clear_ibuf [dreg:s7], $0x5FFFF;
	_ =	strace $0x90000049  }
0xb2: {  	s29 =	simm.s32 $0x9;
	_ =	strace $0x8000004B  }
0xb3: {  	_ =	swait.ge [sflag:s29], $0x1  }
0xb4: {  	[sflag:s29] =	ssyncadd.s32 $0xFFFFFFFF  }
0xb5: {  	_ =	strace $0x9000004B  }
0xb6: {  	_ =	sfence  }
0xb7: {  	s30 =	sld [smem:$0x0];
	_ =	sdelay $0x2  }
0xb8: {  	s31 =	sshll.u32 s1, $0xD;
	s1 =	sshrl.u32 s1, $0x2  }
0xb9: {  	s3 =	sand.u32 $0x4000, s31;
	s1 =	sadd.s32 s1, s30  }
0xba: {  	s0 =	sor.u32 s3, s0;
	s1 =	sshll.u32 s1, $0x11  }
0xbb: {  	s0 =	sor.u32 s1, s0  }
0xbc: {  	s0 =	sadd.s32 $0x8F2B, s0  }
0xbd: {  	[sflag:s0] =	ssyncadd.remote.s32 $0x1  }
0xbe: {  	_ =	sfence.sel $0xFFFF  }
0xbf: {  	[dreg:$0x0] =	wrdreg $0xFFFFFFFF;
	(pc) =	sbr.abs _section_cstart, $3  }
0xc0: {  	[dreg:$0x1] =	wrdreg $0xFFFFFFFF  }
0xc1: {  	_ =	task.clear_ibuf [dreg:s7], $0x2FFFF;
	_ =	strace $0x9FFFFFFF  }
0xc2: {  	(tm) =	ssettm $0x7FFFFFFF  }
0xc3: {  	_ =	shalt  }
tec
execute0_lowered:
.L_overlay_start_1:
0x0: {  	(tag) =	ssettag $0x1  }
0x1: {  	s0 =	rddreg [dreg:$0x0]  }
0x2: {  	s1 =	rddreg [dreg:$0x1];
	s2 =	simm.s32 $0x0;
	s29 =	srdreg.scid  }
0x3: {  	s7 =	stileid.u32;
	[smem:$0x7FF] =	sst s2;
	s4 =	sadd.s32 $0x416400, s0  }
0x4: {  	s2 =	sand.u32 $0x1, s29;
	s5 =	sadd.s32 $0x1E00, s0;
	s6 =	sadd.s32 $0x1AE00, s0  }
0x5: {  	s7 =	sshll.u32 s7, $0x1;
	s0 =	sadd.s32 $0x1C800, s0;
	_ =	strace $0x8000004A  }
.Ltmp0:
0x6: {  	s3 =	ssub.s32 $0x2, s2;
	s2 =	sor.u32 s2, s7;
	(pc) =	sbr.rel .LBB2_1-.Ltmp0, $4  }
0x7: {  	[dreg:$0x3] =	wrdreg s6;
	s30 =	sshrl.u32 s3, $0x1;
	s2 =	smul.u32 $0x620, s2  }
0x8: {  	[dreg:$0x4] =	wrdreg s0;
	s31 =	ssub.s32 s3, s30  }
0x9: {  	[dreg:$0x5] =	wrdreg s2;
	s0 =	smax.u32 s31, $0x1  }
0xa: {  	s10 =	simm.s32 $0x5;
	s2 =	simm.s32 $0x0;
	[dreg:$0x6] =	wrdreg s0  }
.LBB2_18:
0xb: {  	s2 =	rddreg [dreg:$0x7]  }
0xc: {  	s0 =	rddreg [dreg:$0x6];
	s2 =	sadd.s32 $0x1, s2  }
0xd: {  	p0 =	sne.s32 s2, s0  }
.Ltmp1:
0xe: {  	_ = 	snop;
	(pc) =	sbr.rel @!p0 .LBB2_19-.Ltmp1, $1  }
0xf: {  	_ =	sdelay $0x3  }
.LBB2_1:
.Ltmp2:
0x10: {  	(pc) =	sbr.rel .LBB2_2-.Ltmp2, $2  }
0x11: {  	_ =	sdelay $0x2  }
0x12: {  	[dreg:$0x7] =	wrdreg s2;
	s17 =	simm.s32 $0x0  }
.LBB2_17:
0x13: {  	s0 =	sshll.u32 s6, $0x3;
	s17 =	sadd.s32 $0x1, s17  }
0x14: {  	s2 =	rddreg [dreg:$0x4];
	s31 =	simm.s32 $0x0;
	p0 =	sne.s32 s17, $0x8  }
.Ltmp3:
0x15: {  	s3 =	simm.s32 $0x18C18;
	s0 =	sadd.s32 s2, s0;
	(pc) =	sbr.rel @!p0 .LBB2_18-.Ltmp3, $4  }
0x16: {  	[hbm4b:s0+s31] =	stream.linear.scatter [tilespmem:s3], [sflag:$0x5], $0x3100, $0x38;
	[tilespmem:$0x1BD18] =	vst v63  }
0x17: {  	_ =	swait.ge [sflag:s10], $0x3100  }
0x18: {  	[sflag:s10] =	ssyncset.done $0x0  }
0x19: {  	[sflag:s10] =	ssyncadd.s32 $0xFFFFCF00  }
.LBB2_2:
0x1a: {  	s0 =	smul.u32 $0xC4, s17  }
0x1b: {  	s2 =	rddreg [dreg:$0x5]  }
0x1c: {  	s6 =	sadd.s32 s2, s0;
	s12 =	sand.u32 $0xC, s0  }
0x1d: {  	p0 =	seq.s32 s6, $0x0;
	p1 =	sne.s32 s12, $0x0  }
0x1e: {  	p0 =	por !p0, !p1  }
0x1f: {  	s2 =	simm.s32 $0xFFFFFFFF;
	p0 =	por !p0, !p0  }
0x20: {  	s2 =	simm.s32 @!p0 $0x0  }
0x21: {  	s2 =	sshll.u32 s2, $0x4  }
0x22: {  	s2 =	sadd.s32 s6, s2  }
0x23: {  	s19 =	sand.u32 $0xFFFFFFF0, s2  }
0x24: {  	s3 =	rddreg [dreg:$0x3];
	s2 =	sshrl.u32 s19, $0x3  }
0x25: {  	s20 =	simm.s32 $0x0;
	s2 =	sadd.s32 s3, s2  }
0x26: {  	[tilespmem:s20], [sflag:$0x5] =	stream.linear.gather [hbm4b:s2+s20], $0xF4, $0x38;
	[tilespmem:$0x1BD18] =	vst v63  }
0x27: {  	s13 =	ssub.s32 s6, s19;
	_ =	swait.ge [sflag:s10], $0xF4  }
0x28: {  	s0 =	sand.u32 $0x4, s0;
	s14 =	sand.u32 $0xFFFFFFF8, s13;
	[sflag:s10] =	ssyncset.done $0x0  }
0x29: {  	s0 =	sor.u32 s0, s14;
	[sflag:s10] =	ssyncadd.s32 $0xFFFFFF0C  }
0x2a: {  	v0 =	vld [tilespmem:s0+$0x0]  }
0x2b: {  	v1 =	vld [tilespmem:s13+$0xC4];
	_ =	sdelay $0x3  }
0x2c: {  	(v2sf) =	vpush v0, $0x0  }
0x2d: {  	(v2sf) =	vpush v1, $0x0;
	_ =	sdelay $0xd  }
0x2e: {  	s21 =	spop (v2sf)  }
0x2f: {  	s12 =	simm.s32 $0x1;
	s0 =	spop (v2sf);
	s23 =	sand.u32 $0xF, s21  }
0x30: {  	s9 =	sshra.s32 s21, $0x1F;
	p5 =	slt.s32 s21, $0x1;
	s15 =	ssub.s32 s0, s21  }
0x31: {  	p0 =	sne.s32 s23, $0x0;
	s9 =	sshrl.u32 s9, $0x1C;
	s16 =	sadd.s32 $0x17F, s15  }
0x32: {  	p1 =	por !p5, !p0;
	s7 =	smulhi.u32 $0x2AAAAAAB, s16;
	s8 =	sshra.s32 s16, $0x1F  }
0x33: {  	s9 =	sadd.s32 s9, s21;
	p1 =	por !p1, !p1;
	s8 =	smul.u32 $0x2AAAAAAB, s8  }
0x34: {  	s9 =	sshrl.u32 s9, $0x4;
	s12 =	simm.s32 @!p1 $0x0  }
0x35: {  	s11 =	simm.s32 $0xC0F8;
	s18 =	ssub.s32 s9, s12;
	s7 =	sadd.s32 s8, s7  }
0x36: {  	s8 =	sshll.u32 s18, $0x1;
	s22 =	sshrl.u32 s7, $0x1F;
	s7 =	sshra.s32 s7, $0x6  }
0x37: {  	s24 =	simm.s32 $0x190;
	s8 =	sand.u32 $0x1FFFFFFE, s8;
	s7 =	sadd.s32 s22, s7  }
0x38: {  	s25 =	simm.s32 $0xC418;
	s8 =	sadd.s32 s5, s8;
	s9 =	smul.u32 $0xFFFFFE80, s7  }
0x39: {  	[tilespmem:s11], [sflag:$0x5] =	stream.linear.gather [hbm4b:s8+s20], $0x190, $0x38;
	[tilespmem:$0x1BD18] =	vst v63  }
0x3a: {  	s31 =	simm.s32 $0xF8;
	s2 =	ssub.s32 $0xFFFFFE81, s15;
	_ =	swait.ge [sflag:s10], $0x190  }
0x3b: {  	p6 =	slt.s32 s16, $0x1;
	p2 =	sne.s32 s9, s2;
	[sflag:s10] =	ssyncset.done $0x0  }
0x3c: {  	s13 =	smov.u32 s6;
	p1 =	por !p6, !p2;
	[sflag:s10] =	ssyncadd.s32 $0xFFFFFE70  }
0x3d: {  	[tilespmem:s25], [sflag:$0x1] =	stream.indirect.gather [hbm4b:s1+s24], $0x40, s11, s24, $0xb8;
	[tilespmem:$0x1BD18] =	vst v63  }
0x3e: {  	s26 =	sshll.u32 s21, $0x3;
	s2 =	simm.s32 $0x1;
	p1 =	por !p1, !p1  }
.Ltmp4:
0x3f: {  	s3 =	sand.u32 $0x1FFFFFF8, s26;
	s2 =	simm.s32 @!p1 $0x0;
	(pc) =	sbr.rel .LBB2_4-.Ltmp4, $4  }
0x40: {  	s28 =	ssub.s32 $0x0, s21;
	s30 =	sadd.s32 s4, s3;
	s24 =	ssub.s32 s7, s2  }
0x41: {  	[tilespmem:s31], [sflag:$0x3] =	stream.linear.gather [hbm4b:s30+s20], $0x6000, $0x38;
	[tilespmem:$0x1BD18] =	vst v63  }
0x42: {  	v2 =	vimm.f32 $0.0e+00;
	s29 =	smov.u32 s21;
	p1 =	sgt.s32 s24, $0x1;
	s26 =	smov.u32 s24  }
0x43: {  	v3 =	vimm.f32 $0.0e+00;
	v0 =	vimm.f32 $0.0e+00;
	v1 =	vimm.f32 $0.0e+00;
	s25 =	sadd.s32 $0xC4, s6;
	s26 =	simm.s32 @!p1 $0x1;
	p1 =	por $0x0, $0x0  }
.LBB2_16:
0x44: {  	v4 =	vmul.f32 v7, v4  }
0x45: {  	v6 =	vmul.f32 v8, v6;
	v5 =	vmul.f32 v5, v9  }
0x46: {  	v0 =	vadd.f32 v10, v0;
	v2 =	vadd.f32 v4, v2  }
0x47: {  	v1 =	vadd.f32 v6, v1;
	v3 =	vadd.f32 v5, v3  }
.LBB2_3:
0x48: {  	p2 =	seq.s32 s20, s26  }
.Ltmp5:
0x49: {  	_ = 	snop;
	(pc) =	sbr.rel @p2 .LBB2_17-.Ltmp5, $2  }
0x4a: {  	_ =	sdelay $0x2  }
0x4b: {  	p1 =	por !p1, !p1;
	s28 =	sadd.s32 $0xFFFFFE80, s28;
	s29 =	sadd.s32 $0x180, s29  }
.LBB2_4:
0x4c: {  	s2 =	smul.u32 $0x180, s20;
	_ =	sdelay $0x1  }
0x4d: {  	s3 =	sand.u32 $0x1, s20;
	s20 =	sadd.s32 $0x1, s20;
	s31 =	sadd.s32 s21, s2  }
0x4e: {  	p2 =	sle.s32 s24, s20;
	s2 =	sadd.s32 $0x180, s31  }
0x4f: {  	p3 =	sne.s32 @!p2 s23, $0x0;
	p4 =	slt.s32 @!p2 s2, $0x1  }
0x50: {  	s7 =	sshra.s32 @!p2 s2, $0x1F;
	p3 =	por @!p2 !p3, !p4  }
0x51: {  	s7 =	sshrl.u32 @!p2 s7, $0x1C;
	p3 =	por @!p2 !p3, !p3  }
0x52: {  	s8 =	simm.s32 @!p2 $0x1;
	s7 =	sadd.s32 @!p2 s7, s2;
	p3 =	por !p3, p2  }
0x53: {  	s9 =	sxor.u32 @!p2 $0x1, s3;
	s7 =	sshrl.u32 @!p2 s7, $0x4;
	s8 =	simm.s32 @p3 $0x0  }
0x54: {  	s12 =	smul.u32 @!p2 $0x640, s9;
	s7 =	ssub.s32 @!p2 s7, s8  }
0x55: {  	s7 =	sshll.u32 @!p2 s7, $0x1  }
0x56: {  	s8 =	sshrl.u32 @!p2 s12, $0x2;
	s7 =	sand.u32 @!p2 $0x1FFFFFFE, s7  }
0x57: {  	s12 =	simm.s32 @!p2 $0x0;
	s8 =	sadd.s32 @!p2 $0xC0F8, s8;
	s7 =	sadd.s32 @!p2 s5, s7  }
0x58: {  	[tilespmem:s8], [sflag:$0x5] =	stream.linear.gather @!p2 [hbm4b:s7+s12], $0x190, $0x38;
	[tilespmem:$0x1BD18] =	vst v63  }
0x59: {  	s7 =	simm.s32 @!p2 $0x5  }
0x5a: {  	s14 =	smul.u32 @!p2 $0x19000, s9;
	_ =	swait.ge @!p2 [sflag:s7], $0x190  }
0x5b: {  	[sflag:s7] =	ssyncset.done @!p2 $0x0  }
0x5c: {  	[sflag:s7] =	ssyncadd.s32 @!p2 $0xFFFFFE70;
	s7 =	sshrl.u32 @!p2 s14, $0x2  }
0x5d: {  	s15 =	simm.s32 @!p2 $0x190;
	s14 =	sadd.s32 @!p2 $0x1, s9;
	s7 =	sadd.s32 @!p2 $0xC418, s7  }
0x5e: {  	[tilespmem:s7], [sflag:s14] =	stream.indirect.gather @!p2 [hbm4b:s1+s15], $0x40, s8, s15, $0xb8;
	[tilespmem:$0x1BD18] =	vst v63  }
0x5f: {  	s7 =	smul.u32 @!p2 $0x18000, s9  }
0x60: {  	s8 =	sshll.u32 @!p2 s2, $0x3  }
0x61: {  	s11 =	sadd.s32 $0x1, s3;
	s8 =	sand.u32 @!p2 $0x1FFFFFF8, s8;
	s7 =	sshrl.u32 @!p2 s7, $0x2  }
0x62: {  	s9 =	sadd.s32 @!p2 $0x3, s9;
	s8 =	sadd.s32 @!p2 s4, s8;
	s7 =	sor.u32 @!p2 $0xF8, s7  }
0x63: {  	[tilespmem:s7], [sflag:s9] =	stream.linear.gather @!p2 [hbm4b:s8+s12], $0x6000, $0x38;
	[tilespmem:$0x1BD18] =	vst v63  }
0x64: {  	_ =	swait.ge [sflag:s11], $0x6400  }
0x65: {  	[sflag:s11] =	ssyncset.done $0x0  }
0x66: {  	s30 =	sadd.s32 $0x1, s13;
	s3 =	sadd.s32 $0x3, s3;
	[sflag:s11] =	ssyncadd.s32 $0xFFFF9C00  }
0x67: {  	s12 =	ssub.s32 s30, s19;
	_ =	swait.ge [sflag:s3], $0x6000  }
0x68: {  	s14 =	sand.u32 $0x7, s30;
	s7 =	sand.u32 $0xFFFFFFF8, s12;
	[sflag:s3] =	ssyncset.done $0x0  }
0x69: {  	s15 =	sor.u32 s14, s7;
	[sflag:s3] =	ssyncadd.s32 $0xFFFFA000  }
0x6a: {  	v4 =	vld [tilespmem:s15+$0x0];
	_ =	sdelay $0x4  }
0x6b: {  	(v2sf) =	vpush v4, $0x0;
	_ =	sdelay $0xc  }
0x6c: {  	s22 =	smov.u32 s0;
	p6 =	slt.s32 s31, $0x1;
	p3 =	slt.s32 s2, s0  }
0x6d: {  	s22 =	smov.u32 @p3 s2;
	p2 =	por !p0, !p6;
	s8 =	simm.s32 $0x1  }
0x6e: {  	p3 =	por !p2, !p2;
	p2 =	sge.s32 s13, s25;
	s14 =	spop (v2sf)  }
0x6f: {  	s8 =	simm.s32 @!p3 $0x0;
	p3 =	sgt.s32 @!p2 s14, s22  }
0x70: {  	s16 =	sshra.s32 s31, $0x1F;
	p3 =	por p2, p3  }
.Ltmp6:
0x71: {  	s3 =	sshrl.u32 s16, $0x1C;
	(pc) =	sbr.rel @p3 .LBB2_5-.Ltmp6, $4  }
0x72: {  	s7 =	simm.s32 $0x1;
	s18 =	sadd.s32 s3, s31  }
0x73: {  	s7 =	simm.s32 @!p1 $0x0;
	s2 =	sshra.s32 s18, $0x4  }
0x74: {  	s16 =	smul.u32 $0x19000, s7;
	s2 =	ssub.s32 s2, s8  }
0x75: {  	s3 =	smul.u32 $0x18000, s7;
	s9 =	sshll.u32 s2, $0xC  }
.Ltmp7:
0x76: {  	(pc) =	sbr.rel .LBB2_7-.Ltmp7, $4  }
0x77: {  	_ = 	snop  }
0x78: {  	s2 =	ssub.s32 s16, s9  }
0x79: {  	s7 =	sshrl.u32 s3, $0x2;
	s8 =	sshra.s32 s2, $0x2  }
0x7a: {  	s2 =	sadd.s32 $0x118, s7;
	s12 =	sadd.s32 $0xC438, s8  }
.LBB2_10:
0x7b: {  	v4 =	vmul.f32 v7, v4  }
0x7c: {  	v5 =	vmul.f32 v8, v5;
	v6 =	vmul.f32 v6, v9  }
0x7d: {  	v0 =	vadd.f32 v10, v0;
	v2 =	vadd.f32 v4, v2  }
0x7e: {  	v1 =	vadd.f32 v5, v1;
	v3 =	vadd.f32 v6, v3  }
.LBB2_11:
0x7f: {  	s7 =	ssub.s32 s14, s15  }
0x80: {  	p2 =	sgt.s32 s7, $0x1  }
0x81: {  	s7 =	simm.s32 @!p2 $0x1  }
0x82: {  	s7 =	scvt.s32.f32 s7;
	_ =	sdelay $0x1  }
0x83: {  	v4 =	vmov s7  }
0x84: {  	(erf) = vrcp.f32 v4;
	_ =	sdelay $0x8  }
0x85: {  	s14 =	ssub.s32 s13, s6;
	v4 =	vpop (erf)  }
0x86: {  	s7 =	sshll.u32 s14, $0x8;
	v3 =	vmul.f32 v3, v4  }
0x87: {  	s7 =	sshra.s32 s7, $0x2;
	v2 =	vmul.f32 v2, v4  }
0x88: {  	s30 =	sadd.s32 $0x1, s18;
	v1 =	vmul.f32 v1, v4;
	[tilespmem:s7+$0x18C18] =	vst v3  }
0x89: {  	s8 =	ssub.s32 s30, s19;
	v0 =	vmul.f32 v0, v4;
	[tilespmem:s7+$0x18C28] =	vst v2  }
0x8a: {  	s11 =	sand.u32 $0x7, s30;
	s8 =	sand.u32 $0xFFFFFFF8, s8;
	[tilespmem:s7+$0x18C38] =	vst v1  }
0x8b: {  	s15 =	sor.u32 s11, s8;
	[tilespmem:s7+$0x18C48] =	vst v0  }
0x8c: {  	v0 =	vld [tilespmem:s15+$0x0];
	_ =	sdelay $0x4  }
0x8d: {  	(v2sf) =	vpush v0, $0x0;
	_ =	sdelay $0xe  }
0x8e: {  	p2 =	sge.s32 s18, s25;
	s14 =	spop (v2sf)  }
0x8f: {  	p3 =	sle.s32 @!p2 s14, s22  }
0x90: {  	p3 =	por p2, !p3  }
.Ltmp8:
0x91: {  	_ = 	snop;
	(pc) =	sbr.rel @p3 .LBB2_12-.Ltmp8, $3  }
0x92: {  	_ =	sdelay $0x1  }
0x93: {  	v1 =	vimm.f32 $0.0e+00  }
0x94: {  	s13 =	smov.u32 s18;
	v2 =	vimm.f32 $0.0e+00;
	v3 =	vimm.f32 $0.0e+00;
	v0 =	vimm.f32 $0.0e+00  }
.LBB2_7:
0x95: {  	s7 =	ssub.s32 s13, s19  }
0x96: {  	s8 =	sand.u32 $0x7, s13;
	s7 =	sand.u32 $0xFFFFFFF8, s7  }
0x97: {  	s7 =	sor.u32 s8, s7  }
0x98: {  	v4 =	vld [tilespmem:s7+$0x0];
	_ =	sdelay $0x4  }
0x99: {  	(v2sf) =	vpush v4, $0x0;
	_ =	sdelay $0xe  }
0x9a: {  	s15 =	spop (v2sf)  }
0x9b: {  	s7 =	smov.u32 s31;
	p2 =	sgt.s32 s15, s31  }
0x9c: {  	s7 =	smov.u32 @p2 s15  }
0x9d: {  	p2 =	sge.s32 s7, s14  }
.Ltmp9:
0x9e: {  	_ = 	snop;
	(pc) =	sbr.rel @p2 .LBB2_11-.Ltmp9, $2  }
0x9f: {  	_ =	sdelay $0x2  }
0xa0: {  	s18 =	smov.u32 s30  }
0xa1: {  	p2 =	sgt.s32 s15, s29;
	s8 =	smov.u32 s29  }
0xa2: {  	s8 =	smov.u32 @p2 s15  }
0xa3: {  	s30 =	sadd.s32 s8, s28  }
0xa4: {  	s30 =	sshll.u32 s30, $0x8  }
0xa5: {  	s8 =	sshll.u32 s8, $0x8;
	s30 =	sshra.s32 s30, $0x2  }
0xa6: {  	s8 =	sshra.s32 s8, $0x2;
	s11 =	sadd.s32 s30, s2  }
0xa7: {  	s30 =	sadd.s32 s8, s12;
	v9 =	vld [tilespmem:s11+$0x10]  }
0xa8: {  	v10 =	vld [tilespmem:s30+$0x10]  }
0xa9: {  	v6 =	vld [tilespmem:s30+$0xFFFFFFE0]  }
0xaa: {  	v4 =	vld [tilespmem:s11+$0xFFFFFFF0]  }
0xab: {  	s7 =	sadd.s32 $0x1, s7;
	v7 =	vld [tilespmem:s30+$0xFFFFFFF0]  }
0xac: {  	p2 =	slt.s32 s7, s14;
	v5 =	vld [tilespmem:s11+$0x0]  }
.Ltmp10:
0xad: {  	v8 =	vld [tilespmem:s30+$0x0];
	(pc) =	sbr.rel @!p2 .LBB2_10-.Ltmp10, $2  }
0xae: {  	v10 =	vmul.f32 v10, v9;
	v9 =	vld [tilespmem:s11+$0xFFFFFFE0];
	_ =	sdelay $0x2  }
0xaf: {  	s8 =	sadd.s32 $0x40, s11  }
.LBB2_9:
0xb0: {  	v11 =	vld [tilespmem:s8+$0x10];
	v0 =	vadd.f32 v10, v0;
	s30 =	sadd.s32 $0x40, s30  }
0xb1: {  	s7 =	sadd.s32 $0x1, s7;
	v7 =	vmul.f32 v7, v4;
	v10 =	vld [tilespmem:s30+$0x10]  }
0xb2: {  	p2 =	slt.s32 s7, s14;
	v12 =	vld [tilespmem:s30+$0xFFFFFFE0]  }
.Ltmp11:
0xb3: {  	v8 =	vmul.f32 v8, v5;
	v2 =	vadd.f32 v7, v2;
	v4 =	vld [tilespmem:s8+$0xFFFFFFF0];
	(pc) =	sbr.rel @p2 .LBB2_9-.Ltmp11, $4  }
0xb4: {  	v13 =	vmul.f32 v6, v9;
	v7 =	vld [tilespmem:s30+$0xFFFFFFF0]  }
0xb5: {  	v1 =	vadd.f32 v8, v1;
	v5 =	vld [tilespmem:s8+$0x0]  }
0xb6: {  	v3 =	vadd.f32 v13, v3;
	v8 =	vld [tilespmem:s30+$0x0];
	v10 =	vmul.f32 v10, v11  }
0xb7: {  	v9 =	vld [tilespmem:s8+$0xFFFFFFE0];
	s8 =	sadd.s32 $0x40, s8;
	v6 =	vmov v12  }
.Ltmp12:
0xb8: {  	_ = 	snop;
	(pc) =	sbr.rel .LBB2_10-.Ltmp12, $1  }
0xb9: {  	_ =	sdelay $0x3  }
.LBB2_12:
.Ltmp13:
0xba: {  	(pc) =	sbr.rel .LBB2_13-.Ltmp13, $3  }
0xbb: {  	_ =	sdelay $0x1  }
0xbc: {  	s18 =	smov.u32 @p2 s18;
	v3 =	vpsel p2, $0x0, v0  }
0xbd: {  	v2 =	vpsel p2, $0x0, v0;
	v1 =	vpsel p2, $0x0, v0;
	v0 =	vpsel p2, $0x0, v0;
	s13 =	smov.u32 s18  }
.LBB2_5:
0xbe: {  	v3 =	vpsel p2, v3, v3  }
0xbf: {  	s13 =	smov.u32 @p2 s13;
	v2 =	vpsel p2, v2, v2;
	v1 =	vpsel p2, v1, v1;
	v0 =	vpsel p2, v0, v0  }
.LBB2_13:
0xc0: {  	s2 =	ssub.s32 s13, s19  }
0xc1: {  	s7 =	sand.u32 $0x7, s13;
	s2 =	sand.u32 $0xFFFFFFF8, s2  }
0xc2: {  	s2 =	sor.u32 s7, s2  }
0xc3: {  	v4 =	vld [tilespmem:s2+$0x0];
	_ =	sdelay $0x4  }
0xc4: {  	(v2sf) =	vpush v4, $0x0;
	_ =	sdelay $0xe  }
0xc5: {  	s2 =	spop (v2sf)  }
0xc6: {  	p2 =	sgt.s32 s2, s31  }
0xc7: {  	s31 =	smov.u32 @p2 s2  }
0xc8: {  	p2 =	sle.s32 s22, s31  }
.Ltmp14:
0xc9: {  	_ = 	snop;
	(pc) =	sbr.rel @p2 .LBB2_3-.Ltmp14, $1  }
0xca: {  	_ =	sdelay $0x3  }
0xcb: {  	p2 =	sgt.s32 s2, s29;
	s7 =	smov.u32 s29  }
0xcc: {  	s7 =	smov.u32 @p2 s2  }
0xcd: {  	s2 =	sadd.s32 s28, s7  }
0xce: {  	s7 =	sshll.u32 s7, $0x8;
	s2 =	sshll.u32 s2, $0x8  }
0xcf: {  	s18 =	sadd.s32 s7, s16;
	s2 =	sadd.s32 s2, s3  }
0xd0: {  	s3 =	ssub.s32 s18, s9;
	s2 =	sshra.s32 s2, $0x2  }
0xd1: {  	s30 =	sshra.s32 s3, $0x2;
	s8 =	sadd.s32 $0x118, s2  }
0xd2: {  	s2 =	sadd.s32 $0xC438, s30;
	v9 =	vld [tilespmem:s8+$0x10]  }
0xd3: {  	v10 =	vld [tilespmem:s2+$0x10]  }
0xd4: {  	v5 =	vld [tilespmem:s2+$0xFFFFFFE0]  }
0xd5: {  	p2 =	sgt.s32 s22, s31;
	s3 =	smov.u32 s31;
	v4 =	vld [tilespmem:s8+$0xFFFFFFF0]  }
0xd6: {  	s7 =	sadd.s32 $0x1, s31;
	s3 =	smov.u32 @p2 s22;
	v7 =	vld [tilespmem:s2+$0xFFFFFFF0]  }
0xd7: {  	v6 =	vld [tilespmem:s8+$0x0];
	p2 =	slt.s32 s7, s3  }
.Ltmp15:
0xd8: {  	v8 =	vld [tilespmem:s2+$0x0];
	(pc) =	sbr.rel @!p2 .LBB2_16-.Ltmp15, $2  }
0xd9: {  	v10 =	vmul.f32 v10, v9;
	v9 =	vld [tilespmem:s8+$0xFFFFFFE0];
	_ =	sdelay $0x2  }
0xda: {  	s8 =	sadd.s32 $0x40, s8  }
.LBB2_15:
0xdb: {  	v11 =	vld [tilespmem:s8+$0x10];
	v0 =	vadd.f32 v10, v0;
	s2 =	sadd.s32 $0x40, s2  }
0xdc: {  	s7 =	sadd.s32 $0x1, s7;
	v7 =	vmul.f32 v7, v4;
	v10 =	vld [tilespmem:s2+$0x10]  }
0xdd: {  	p2 =	slt.s32 s7, s3;
	v12 =	vld [tilespmem:s2+$0xFFFFFFE0]  }
.Ltmp16:
0xde: {  	v8 =	vmul.f32 v8, v6;
	v2 =	vadd.f32 v7, v2;
	v4 =	vld [tilespmem:s8+$0xFFFFFFF0];
	(pc) =	sbr.rel @p2 .LBB2_15-.Ltmp16, $4  }
0xdf: {  	v13 =	vmul.f32 v5, v9;
	v7 =	vld [tilespmem:s2+$0xFFFFFFF0]  }
0xe0: {  	v1 =	vadd.f32 v8, v1;
	v6 =	vld [tilespmem:s8+$0x0]  }
0xe1: {  	v3 =	vadd.f32 v13, v3;
	v8 =	vld [tilespmem:s2+$0x0];
	v10 =	vmul.f32 v10, v11  }
0xe2: {  	v9 =	vld [tilespmem:s8+$0xFFFFFFE0];
	s8 =	sadd.s32 $0x40, s8;
	v5 =	vmov v12  }
.Ltmp17:
0xe3: {  	_ = 	snop;
	(pc) =	sbr.rel .LBB2_16-.Ltmp17, $1  }
0xe4: {  	_ =	sdelay $0x3  }
.LBB2_19:
0xe5: {  	_ =	sfence.sel $0x180000  }
0xe6: {  	[bflag:$0x0] =	sbarrier.arrive $0xFFFF  }
0xe7: {  	_ =	strace $0x9000004A  }
0xe8: {  	s0 =	stileid.u32;
	[bflag:$0x2] =	sbarrier.arrive $0xFFFF  }
0xe9: {  	p0 =	sne.s32 s0, $0x0;
	s0 =	rddreg [dreg:$0x2]  }
0xea: {  	s0 =	sadd.s32 @!p0 $0x100000, s0  }
0xeb: {  	[sflag:s0] =	ssyncadd.tile.s32 @!p0 $0x1;
	_ =	shalt  }
.Lfunc_end2:
_tile_overlayer_lowered:
.L_overlay_start_2:
0xec: {  	(tag) =	ssettag $0x2  }
0xed: {  	s0 =	rddreg [dreg:$0x0];
	s2 =	stileid.u32  }
0xee: {  	s1 =	rddreg [dreg:$0x1];
	p0 =	sne.s32 s2, $0x0  }
0xef: {  	s3 =	rddreg [dreg:$0x2];
	[bflag:$0x3] =	sbarrier.arrive $0xFFFF;
	s2 =	simm.s32 @!p0 $0x1C05  }
0xf0: {  	[timem:s3], [sflag:s2] =	dma.local @!p0 [hbm:s0], s1  }
0xf1: {  	s0 =	simm.s32 @!p0 $0x5  }
0xf2: {  	_ =	swait.ge @!p0 [sflag:s0], s1  }
0xf3: {  	s1 =	ssub.s32 @!p0 $0x0, s1;
	[sflag:s0] =	ssyncset.done @!p0 $0x0  }
0xf4: {  	[sflag:s0] =	ssyncadd.s32 @!p0 s1  }
0xf5: {  	[bflag:$0x3] =	sbarrier.arrive $0xFFFF  }
0xf6: {  	_ =	shalt  }

</sc_bundles>
